<compile_context>
chip_gen: v7x
topology: tpu7x:2x2x1
jax: 0.10.2.dev20260603
libtpu: 0.0.44.dev20260713+nightly
codegen_flags: <defaults>
</compile_context>

<pallas_src>
import functools

import jax
import jax.numpy as jnp
from jax import lax
from jax.experimental import pallas as pl
from jax.experimental.pallas import tpu as pltpu
from jax.experimental.pallas import tpu_sc as plsc

DIM = 64
LANES = 16
NC, NS = 2, 16
NW = NC * NS
CHUNK = 128
NSLOT = 2

PROJ_BLK = 2048


def _project_kernel(w0t, w1t, w2t, m0, m1, m2, bb, pa, pb):
    cd = (((0,), (0,)), ((), ()))
    c0 = lax.dot_general(w0t[...], m0[...], cd,
                         preferred_element_type=jnp.float32)
    c1 = lax.dot_general(w1t[...], m1[...], cd,
                         preferred_element_type=jnp.float32)
    c2 = lax.dot_general(w2t[...], m2[...], cd,
                         preferred_element_type=jnp.float32)
    third = bb[...]
    pa[...] = jnp.concatenate([c0 + third, c1 + third], axis=1)
    pb[...] = jnp.concatenate([c2 + third, c2 + third], axis=1)


def _project(W0t, W1t, W2t, M0, M1, M2, bb):
    vocab = W0t.shape[1]
    nblk = (vocab + PROJ_BLK - 1) // PROJ_BLK
    wt_spec = pl.BlockSpec((DIM, PROJ_BLK), lambda i: (0, i))
    out_spec = pl.BlockSpec((PROJ_BLK, 2 * DIM), lambda i: (i, 0))
    full_spec = pl.BlockSpec((DIM, DIM), lambda i: (0, 0))
    bias_spec = pl.BlockSpec((1, DIM), lambda i: (0, 0))
    return pl.pallas_call(
        _project_kernel,
        grid=(nblk,),
        in_specs=[wt_spec, wt_spec, wt_spec,
                  full_spec, full_spec, full_spec, bias_spec],
        out_specs=[out_spec, out_spec],
        out_shape=[jax.ShapeDtypeStruct((vocab, 2 * DIM), jnp.float32)] * 2,
    )(W0t, W1t, W2t, M0, M1, M2, bb)


def _make_gather_sum(n_tokens):
    n_per_w = n_tokens // NW
    n_chunks = n_per_w // CHUNK
    assert n_per_w % CHUNK == 0
    mesh = plsc.VectorSubcoreMesh(core_axis_name="c", subcore_axis_name="s")

    @functools.partial(
        pl.kernel,
        mesh=mesh,
        out_type=jax.ShapeDtypeStruct((n_tokens // 2, 2 * DIM), jnp.float32),
        scratch_types=[
            pltpu.VMEM((3 * n_per_w,), jnp.int32),
            pltpu.VMEM((NSLOT, CHUNK, 2 * DIM), jnp.float32),
            pltpu.VMEM((NSLOT, CHUNK, 2 * DIM), jnp.float32),
            pltpu.VMEM((NSLOT, CHUNK, 2 * DIM), jnp.float32),
            pltpu.VMEM((CHUNK // 2, 2 * DIM), jnp.float32),
            pltpu.SemaphoreType.DMA((NSLOT,)),
        ],
    )
    def gather_sum(pa_hbm, pb_hbm, it_hbm,
                   out_hbm, i_v, r0_v, r1_v, r2_v, o_v, sems):
        wid = lax.axis_index("s") * NC + lax.axis_index("c")
        base = wid * n_per_w

        for k in range(3):
            src = pl.ds(pl.multiple_of(k * n_tokens + base, CHUNK), n_per_w)
            dst = pl.ds(k * n_per_w, n_per_w)
            pltpu.sync_copy(it_hbm.at[src], i_v.at[dst])

        def start(ch, slot):
            off = pl.multiple_of(ch * CHUNK, CHUNK)
            for k, rv in ((0, r0_v), (1, r1_v), (2, r2_v)):
                sl = pl.ds(k * n_per_w + off, CHUNK)
                tab = pb_hbm if k == 2 else pa_hbm
                pltpu.async_copy(
                    tab.at[i_v.at[sl]], rv.at[slot], sems.at[slot])

        def finish(ch, slot):
            for rv in (r0_v, r1_v, r2_v):
                pltpu.make_async_copy(
                    pa_hbm.at[i_v.at[pl.ds(0, CHUNK)]], rv.at[slot],
                    sems.at[slot]).wait()
            r0s, r1s, r2s = r0_v.at[slot], r1_v.at[slot], r2_v.at[slot]

            def pair_body(u, _):
                for r in range(2):
                    t = 2 * u + r
                    for k in range(DIM // LANES):
                        src = pl.ds(k * LANES, LANES)
                        hi = pl.ds(DIM + k * LANES, LANES)
                        v = r0s[t, src] + r1s[t, hi] + r2s[t, src]
                        o_v[u, pl.ds(r * DIM + k * LANES, LANES)] = (
                            jnp.maximum(v, 0.0))
                return 0

            lax.fori_loop(0, CHUNK // 2, pair_body, 0, unroll=2)
            tok0 = pl.multiple_of(base + ch * CHUNK, CHUNK)
            row0 = pl.multiple_of(tok0 // 2, CHUNK // 2)
            pltpu.sync_copy(o_v, out_hbm.at[pl.ds(row0, CHUNK // 2)])

        n_pairs = n_chunks // NSLOT
        start(0, 0)

        def pair_of_chunks(g, _):
            start(NSLOT * g + 1, 1)
            finish(NSLOT * g, 0)

            @pl.when(g + 1 < n_pairs)
            def _():
                start(NSLOT * g + 2, 0)

            finish(NSLOT * g + 1, 1)
            return 0

        lax.fori_loop(0, n_pairs, pair_of_chunks, 0)

    return gather_sum


def kernel(input, W0, W1, W2, Wm, b):
    seq, batch, _ = input.shape
    n = seq * batch
    idx = input.reshape(n, 3).astype(jnp.int32)
    eye = jnp.eye(3, dtype=jnp.int32)
    cols = [jnp.sum(idx * eye[k][None, :], axis=1) for k in range(3)]
    it = jnp.concatenate(cols)
    M0 = Wm[:, 0 * DIM:1 * DIM].T
    M1 = Wm[:, 1 * DIM:2 * DIM].T
    M2 = Wm[:, 2 * DIM:3 * DIM].T
    bb = (b * (1.0 / 3.0)).reshape(1, DIM)
    pa, pb = _project(jnp.transpose(W0), jnp.transpose(W1), jnp.transpose(W2),
                      M0, M1, M2, bb)
    out = _make_gather_sum(n)(pa, pb, it)
    return out.reshape(seq, batch, DIM)

# --- scband reference (transcript-rebuilt; emitter-appended) ---
"""Pipeline reference for scband-embeddings-74929999446538 (READ-ONLY COPY).

The authoritative reference and input builder live on the scoring server;
editing this copy changes nothing except your own understanding.
"""

import jax, jax.numpy as jnp
import numpy as np

VOCAB = 100000
DIM = 64
SEQ = 200
BATCH = 1024

def setup_inputs(seed: int = 0) -> dict:
    key = jax.random.key(seed)
    ks = jax.random.split(key, 6)
    inp = jax.random.randint(ks[0], (SEQ, BATCH, 3), 0, VOCAB, dtype=jnp.int64) if jax.config.jax_enable_x64 else jax.random.randint(ks[0], (SEQ, BATCH, 3), 0, VOCAB, dtype=jnp.int32)
    W0 = (jax.random.normal(ks[1], (VOCAB, DIM), dtype=jnp.float32) * 0.02).at[0].set(0.0)
    W1 = (jax.random.normal(ks[2], (VOCAB, DIM), dtype=jnp.float32) * 0.02).at[0].set(0.0)
    W2 = (jax.random.normal(ks[3], (VOCAB, DIM), dtype=jnp.float32) * 0.02).at[0].set(0.0)
    Wm = jax.random.normal(ks[4], (DIM, 3 * DIM), dtype=jnp.float32) * 0.05
    b = jnp.zeros((DIM,), dtype=jnp.float32)
    return {"input": inp, "W0": W0, "W1": W1, "W2": W2, "Wm": Wm, "b": b}

def reference(input, W0, W1, W2, Wm, b):
    # Elementwise: split on dim 2, one embedding lookup per feature channel
    e0 = jnp.take(W0, input[:, :, 0], axis=0)
    e1 = jnp.take(W1, input[:, :, 1], axis=0)
    e2 = jnp.take(W2, input[:, :, 2], axis=0)
    # merge == 'mlp': concat on last dim, then Linear + ReLU
    cat = jnp.concatenate([e0, e1, e2], axis=2)
    out = jnp.maximum(jnp.dot(cat, Wm.T) + b, 0.0)
    return out

if __name__ == "__main__":
    import jax
    _d = setup_inputs()
    print(jax.jit(kernel)(*tuple(_d.values())))

</pallas_src>

<mosaic_0001>
#map = affine_map<(d0, d1) -> (0, 0)>
#map1 = affine_map<(d0, d1) -> (0)>
module attributes {stable_mosaic.version = 14 : i64} {
  func.func @gather_sum(%arg0: i32, %arg1: i32, %arg2: memref<100000x128xf32, #tpu.memory_space<hbm>>, %arg3: memref<100000x128xf32, #tpu.memory_space<hbm>>, %arg4: memref<614400xi32, #tpu.memory_space<hbm>>, %arg5: memref<102400x128xf32, #tpu.memory_space<hbm>>, %arg6: memref<19200xi32, #tpu.memory_space<vmem>>, %arg7: memref<2x128x128xf32, #tpu.memory_space<vmem>>, %arg8: memref<2x128x128xf32, #tpu.memory_space<vmem>>, %arg9: memref<2x128x128xf32, #tpu.memory_space<vmem>>, %arg10: memref<64x128xf32, #tpu.memory_space<vmem>>, %arg11: memref<2x!tpu.dma_semaphore, #tpu.memory_space<semaphore_mem>>) attributes {dimension_semantics = [#tpu.dimension_semantics<core_parallel>, #tpu.dimension_semantics<subcore_parallel>], iteration_bounds = array<i64: 2, 16>, scalar_prefetch = 0 : i64, scratch_operands = 6 : i64, tpu.core_type = #tpu.core_type<sc_vector_subcore>, window_params = [{transform_indices = #map}, {transform_indices = #map}, {transform_indices = #map1}, {transform_indices = #map}]} {
    %mul3A = arith.constant 2 : i32
    %mul3A_0 = arith.muli %arg1, %mul3A : i32
    %add3A = arith.addi %mul3A_0, %arg0 : i32
    %mul3A_1 = arith.constant 6400 : i32
    %mul3A_2 = arith.muli %add3A, %mul3A_1 : i32
    %add3A_3 = arith.constant 0 : i32
    %add3A_4 = arith.addi %add3A_3, %mul3A_2 : i32
    %multiple_of3A = tpu.assume_multiple %add3A_4, 128 : i32
    "tpu.region"() ({
      %run_scoped3A = tpu.sem_alloc : memref<!tpu.dma_semaphore, #tpu.memory_space<semaphore_mem>>
      %dma_start3A_60 = arith.constant 0 : i32
      %dma_start3A_61 = tpu.memref_slice %arg6[%dma_start3A_60] : memref<19200xi32, #tpu.memory_space<vmem>> -> memref<6400xi32, #tpu.memory_space<vmem>>
      %dma_start3A_62 = tpu.memref_slice %arg4[%multiple_of3A] : memref<614400xi32, #tpu.memory_space<hbm>> -> memref<6400xi32, #tpu.memory_space<hbm>>
      %dma_start3A_63 = arith.constant 0 : i32
      %dma_start3A_64 = tpu.memref_slice %arg6[%dma_start3A_63] : memref<19200xi32, #tpu.memory_space<vmem>> -> memref<6400xi32, #tpu.memory_space<vmem>>
      %dma_start3A_65 = tpu.memref_slice %arg4[%multiple_of3A] : memref<614400xi32, #tpu.memory_space<hbm>> -> memref<6400xi32, #tpu.memory_space<hbm>>
      tpu.enqueue_dma source(%dma_start3A_65 : memref<6400xi32, #tpu.memory_space<hbm>>) target(%dma_start3A_64 : memref<6400xi32, #tpu.memory_space<vmem>>) target_semaphore(%run_scoped3A : memref<!tpu.dma_semaphore, #tpu.memory_space<semaphore_mem>>)
      %dma_wait3A = arith.constant 0 : i32
      %dma_wait3A_66 = tpu.memref_slice %arg6[%dma_wait3A] : memref<19200xi32, #tpu.memory_space<vmem>> -> memref<6400xi32, #tpu.memory_space<vmem>>
      %dma_wait3A_67 = tpu.memref_slice %arg4[%multiple_of3A] : memref<614400xi32, #tpu.memory_space<hbm>> -> memref<6400xi32, #tpu.memory_space<hbm>>
      %dma_wait3A_68 = arith.constant 0 : i32
      %dma_wait3A_69 = tpu.memref_slice %arg6[%dma_wait3A_68] : memref<19200xi32, #tpu.memory_space<vmem>> -> memref<6400xi32, #tpu.memory_space<vmem>>
      %dma_wait3A_70 = tpu.memref_slice %arg4[%multiple_of3A] : memref<614400xi32, #tpu.memory_space<hbm>> -> memref<6400xi32, #tpu.memory_space<hbm>>
      tpu.wait_dma2 semaphore(%run_scoped3A : memref<!tpu.dma_semaphore, #tpu.memory_space<semaphore_mem>>) src(%dma_wait3A_70 : memref<6400xi32, #tpu.memory_space<hbm>>) dst(%dma_wait3A_69 : memref<6400xi32, #tpu.memory_space<vmem>>)
      tpu.yield
    }) : () -> ()
    %add3A_5 = arith.constant 204800 : i32
    %add3A_6 = arith.addi %add3A_5, %mul3A_2 : i32
    %multiple_of3A_7 = tpu.assume_multiple %add3A_6, 128 : i32
    "tpu.region"() ({
      %run_scoped3A = tpu.sem_alloc : memref<!tpu.dma_semaphore, #tpu.memory_space<semaphore_mem>>
      %dma_start3A_60 = arith.constant 6400 : i32
      %dma_start3A_61 = tpu.memref_slice %arg6[%dma_start3A_60] : memref<19200xi32, #tpu.memory_space<vmem>> -> memref<6400xi32, #tpu.memory_space<vmem>>
      %dma_start3A_62 = tpu.memref_slice %arg4[%multiple_of3A_7] : memref<614400xi32, #tpu.memory_space<hbm>> -> memref<6400xi32, #tpu.memory_space<hbm>>
      %dma_start3A_63 = arith.constant 6400 : i32
      %dma_start3A_64 = tpu.memref_slice %arg6[%dma_start3A_63] : memref<19200xi32, #tpu.memory_space<vmem>> -> memref<6400xi32, #tpu.memory_space<vmem>>
      %dma_start3A_65 = tpu.memref_slice %arg4[%multiple_of3A_7] : memref<614400xi32, #tpu.memory_space<hbm>> -> memref<6400xi32, #tpu.memory_space<hbm>>
      tpu.enqueue_dma source(%dma_start3A_65 : memref<6400xi32, #tpu.memory_space<hbm>>) target(%dma_start3A_64 : memref<6400xi32, #tpu.memory_space<vmem>>) target_semaphore(%run_scoped3A : memref<!tpu.dma_semaphore, #tpu.memory_space<semaphore_mem>>)
      %dma_wait3A = arith.constant 6400 : i32
      %dma_wait3A_66 = tpu.memref_slice %arg6[%dma_wait3A] : memref<19200xi32, #tpu.memory_space<vmem>> -> memref<6400xi32, #tpu.memory_space<vmem>>
      %dma_wait3A_67 = tpu.memref_slice %arg4[%multiple_of3A_7] : memref<614400xi32, #tpu.memory_space<hbm>> -> memref<6400xi32, #tpu.memory_space<hbm>>
      %dma_wait3A_68 = arith.constant 6400 : i32
      %dma_wait3A_69 = tpu.memref_slice %arg6[%dma_wait3A_68] : memref<19200xi32, #tpu.memory_space<vmem>> -> memref<6400xi32, #tpu.memory_space<vmem>>
      %dma_wait3A_70 = tpu.memref_slice %arg4[%multiple_of3A_7] : memref<614400xi32, #tpu.memory_space<hbm>> -> memref<6400xi32, #tpu.memory_space<hbm>>
      tpu.wait_dma2 semaphore(%run_scoped3A : memref<!tpu.dma_semaphore, #tpu.memory_space<semaphore_mem>>) src(%dma_wait3A_70 : memref<6400xi32, #tpu.memory_space<hbm>>) dst(%dma_wait3A_69 : memref<6400xi32, #tpu.memory_space<vmem>>)
      tpu.yield
    }) : () -> ()
    %add3A_8 = arith.constant 409600 : i32
    %add3A_9 = arith.addi %add3A_8, %mul3A_2 : i32
    %multiple_of3A_10 = tpu.assume_multiple %add3A_9, 128 : i32
    "tpu.region"() ({
      %run_scoped3A = tpu.sem_alloc : memref<!tpu.dma_semaphore, #tpu.memory_space<semaphore_mem>>
      %dma_start3A_60 = arith.constant 12800 : i32
      %dma_start3A_61 = tpu.memref_slice %arg6[%dma_start3A_60] : memref<19200xi32, #tpu.memory_space<vmem>> -> memref<6400xi32, #tpu.memory_space<vmem>>
      %dma_start3A_62 = tpu.memref_slice %arg4[%multiple_of3A_10] : memref<614400xi32, #tpu.memory_space<hbm>> -> memref<6400xi32, #tpu.memory_space<hbm>>
      %dma_start3A_63 = arith.constant 12800 : i32
      %dma_start3A_64 = tpu.memref_slice %arg6[%dma_start3A_63] : memref<19200xi32, #tpu.memory_space<vmem>> -> memref<6400xi32, #tpu.memory_space<vmem>>
      %dma_start3A_65 = tpu.memref_slice %arg4[%multiple_of3A_10] : memref<614400xi32, #tpu.memory_space<hbm>> -> memref<6400xi32, #tpu.memory_space<hbm>>
      tpu.enqueue_dma source(%dma_start3A_65 : memref<6400xi32, #tpu.memory_space<hbm>>) target(%dma_start3A_64 : memref<6400xi32, #tpu.memory_space<vmem>>) target_semaphore(%run_scoped3A : memref<!tpu.dma_semaphore, #tpu.memory_space<semaphore_mem>>)
      %dma_wait3A = arith.constant 12800 : i32
      %dma_wait3A_66 = tpu.memref_slice %arg6[%dma_wait3A] : memref<19200xi32, #tpu.memory_space<vmem>> -> memref<6400xi32, #tpu.memory_space<vmem>>
      %dma_wait3A_67 = tpu.memref_slice %arg4[%multiple_of3A_10] : memref<614400xi32, #tpu.memory_space<hbm>> -> memref<6400xi32, #tpu.memory_space<hbm>>
      %dma_wait3A_68 = arith.constant 12800 : i32
      %dma_wait3A_69 = tpu.memref_slice %arg6[%dma_wait3A_68] : memref<19200xi32, #tpu.memory_space<vmem>> -> memref<6400xi32, #tpu.memory_space<vmem>>
      %dma_wait3A_70 = tpu.memref_slice %arg4[%multiple_of3A_10] : memref<614400xi32, #tpu.memory_space<hbm>> -> memref<6400xi32, #tpu.memory_space<hbm>>
      tpu.wait_dma2 semaphore(%run_scoped3A : memref<!tpu.dma_semaphore, #tpu.memory_space<semaphore_mem>>) src(%dma_wait3A_70 : memref<6400xi32, #tpu.memory_space<hbm>>) dst(%dma_wait3A_69 : memref<6400xi32, #tpu.memory_space<vmem>>)
      tpu.yield
    }) : () -> ()
    %multiple_of3A_11 = arith.constant 0 : i32
    %multiple_of3A_12 = tpu.assume_multiple %multiple_of3A_11, 128 : i32
    %add3A_13 = arith.constant 0 : i32
    %add3A_14 = arith.addi %add3A_13, %multiple_of3A_12 : i32
    %dma_start3A = arith.constant 0 : i32
    %dma_start3A_15 = arith.constant 0 : i32
    %dma_start3A_16 = arith.constant 0 : i32
    %dma_start3A_17 = arith.constant 0 : i32
    %dma_start3A_18 = tpu.memref_slice %arg7[%dma_start3A, %dma_start3A_16, %dma_start3A_17] : memref<2x128x128xf32, #tpu.memory_space<vmem>> -> memref<1x128x128xf32, #tpu.memory_space<vmem>>
    %dma_start3A_19 = tpu.memref_squeeze %dma_start3A_18 : memref<1x128x128xf32, #tpu.memory_space<vmem>> -> memref<128x128xf32, #tpu.memory_space<vmem>>
    %dma_start3A_20 = tpu.memref_slice %arg6[%add3A_14] : memref<19200xi32, #tpu.memory_space<vmem>> -> memref<128xi32, #tpu.memory_space<vmem>>
    %dma_start3A_21 = arith.constant 0 : i32
    %dma_start3A_22 = arith.constant 0 : i32
    %dma_start3A_23 = tpu.memref_slice %arg2[%dma_start3A_21, %dma_start3A_22] : memref<100000x128xf32, #tpu.memory_space<hbm>> -> memref<100000x128xf32, #tpu.memory_space<hbm>>
    %dma_start3A_24 = tpu.memref_slice %arg11[%dma_start3A_15] : memref<2x!tpu.dma_semaphore, #tpu.memory_space<semaphore_mem>> -> memref<1x!tpu.dma_semaphore, #tpu.memory_space<semaphore_mem>>
    %dma_start3A_25 = tpu.memref_squeeze %dma_start3A_24 : memref<1x!tpu.dma_semaphore, #tpu.memory_space<semaphore_mem>> -> memref<!tpu.dma_semaphore, #tpu.memory_space<semaphore_mem>>
    tpu.enqueue_indirect_dma source(%dma_start3A_23 : memref<100000x128xf32, #tpu.memory_space<hbm>>) target(%dma_start3A_19 : memref<128x128xf32, #tpu.memory_space<vmem>>) offsets(%dma_start3A_20 : memref<128xi32, #tpu.memory_space<vmem>>) semaphore(%dma_start3A_25 : memref<!tpu.dma_semaphore, #tpu.memory_space<semaphore_mem>>)
    %add3A_26 = arith.constant 6400 : i32
    %add3A_27 = arith.addi %add3A_26, %multiple_of3A_12 : i32
    %dma_start3A_28 = arith.constant 0 : i32
    %dma_start3A_29 = arith.constant 0 : i32
    %dma_start3A_30 = arith.constant 0 : i32
    %dma_start3A_31 = arith.constant 0 : i32
    %dma_start3A_32 = tpu.memref_slice %arg8[%dma_start3A_28, %dma_start3A_30, %dma_start3A_31] : memref<2x128x128xf32, #tpu.memory_space<vmem>> -> memref<1x128x128xf32, #tpu.memory_space<vmem>>
    %dma_start3A_33 = tpu.memref_squeeze %dma_start3A_32 : memref<1x128x128xf32, #tpu.memory_space<vmem>> -> memref<128x128xf32, #tpu.memory_space<vmem>>
    %dma_start3A_34 = tpu.memref_slice %arg6[%add3A_27] : memref<19200xi32, #tpu.memory_space<vmem>> -> memref<128xi32, #tpu.memory_space<vmem>>
    %dma_start3A_35 = arith.constant 0 : i32
    %dma_start3A_36 = arith.constant 0 : i32
    %dma_start3A_37 = tpu.memref_slice %arg2[%dma_start3A_35, %dma_start3A_36] : memref<100000x128xf32, #tpu.memory_space<hbm>> -> memref<100000x128xf32, #tpu.memory_space<hbm>>
    %dma_start3A_38 = tpu.memref_slice %arg11[%dma_start3A_29] : memref<2x!tpu.dma_semaphore, #tpu.memory_space<semaphore_mem>> -> memref<1x!tpu.dma_semaphore, #tpu.memory_space<semaphore_mem>>
    %dma_start3A_39 = tpu.memref_squeeze %dma_start3A_38 : memref<1x!tpu.dma_semaphore, #tpu.memory_space<semaphore_mem>> -> memref<!tpu.dma_semaphore, #tpu.memory_space<semaphore_mem>>
    tpu.enqueue_indirect_dma source(%dma_start3A_37 : memref<100000x128xf32, #tpu.memory_space<hbm>>) target(%dma_start3A_33 : memref<128x128xf32, #tpu.memory_space<vmem>>) offsets(%dma_start3A_34 : memref<128xi32, #tpu.memory_space<vmem>>) semaphore(%dma_start3A_39 : memref<!tpu.dma_semaphore, #tpu.memory_space<semaphore_mem>>)
    %add3A_40 = arith.constant 12800 : i32
    %add3A_41 = arith.addi %add3A_40, %multiple_of3A_12 : i32
    %dma_start3A_42 = arith.constant 0 : i32
    %dma_start3A_43 = arith.constant 0 : i32
    %dma_start3A_44 = arith.constant 0 : i32
    %dma_start3A_45 = arith.constant 0 : i32
    %dma_start3A_46 = tpu.memref_slice %arg9[%dma_start3A_42, %dma_start3A_44, %dma_start3A_45] : memref<2x128x128xf32, #tpu.memory_space<vmem>> -> memref<1x128x128xf32, #tpu.memory_space<vmem>>
    %dma_start3A_47 = tpu.memref_squeeze %dma_start3A_46 : memref<1x128x128xf32, #tpu.memory_space<vmem>> -> memref<128x128xf32, #tpu.memory_space<vmem>>
    %dma_start3A_48 = tpu.memref_slice %arg6[%add3A_41] : memref<19200xi32, #tpu.memory_space<vmem>> -> memref<128xi32, #tpu.memory_space<vmem>>
    %dma_start3A_49 = arith.constant 0 : i32
    %dma_start3A_50 = arith.constant 0 : i32
    %dma_start3A_51 = tpu.memref_slice %arg3[%dma_start3A_49, %dma_start3A_50] : memref<100000x128xf32, #tpu.memory_space<hbm>> -> memref<100000x128xf32, #tpu.memory_space<hbm>>
    %dma_start3A_52 = tpu.memref_slice %arg11[%dma_start3A_43] : memref<2x!tpu.dma_semaphore, #tpu.memory_space<semaphore_mem>> -> memref<1x!tpu.dma_semaphore, #tpu.memory_space<semaphore_mem>>
    %dma_start3A_53 = tpu.memref_squeeze %dma_start3A_52 : memref<1x!tpu.dma_semaphore, #tpu.memory_space<semaphore_mem>> -> memref<!tpu.dma_semaphore, #tpu.memory_space<semaphore_mem>>
    tpu.enqueue_indirect_dma source(%dma_start3A_51 : memref<100000x128xf32, #tpu.memory_space<hbm>>) target(%dma_start3A_47 : memref<128x128xf32, #tpu.memory_space<vmem>>) offsets(%dma_start3A_48 : memref<128xi32, #tpu.memory_space<vmem>>) semaphore(%dma_start3A_53 : memref<!tpu.dma_semaphore, #tpu.memory_space<semaphore_mem>>)
    %scan3A = arith.constant 0 : i32
    %scan3A_54 = arith.constant 0 : i32
    %scan3A_55 = arith.constant 25 : i32
    %scan3A_56 = arith.addi %scan3A_54, %scan3A_55 : i32
    %scan3A_57 = arith.constant 1 : i32
    %scan3A_58 = scf.for %scan3A_60 = %scan3A_54 to %scan3A_56 step %scan3A_57 iter_args(%scan3A_61 = %scan3A) -> (i32)  : i32 {
      %mul3A_62 = arith.constant 2 : i32
      %mul3A_63 = arith.muli %mul3A_62, %scan3A_60 : i32
      %add3A_64 = arith.constant 1 : i32
      %add3A_65 = arith.addi %mul3A_63, %add3A_64 : i32
      %mul3A_66 = arith.constant 128 : i32
      %mul3A_67 = arith.muli %add3A_65, %mul3A_66 : i32
      %multiple_of3A_68 = tpu.assume_multiple %mul3A_67, 128 : i32
      %add3A_69 = arith.constant 0 : i32
      %add3A_70 = arith.addi %add3A_69, %multiple_of3A_68 : i32
      %dma_start3A_71 = arith.constant 1 : i32
      %dma_start3A_72 = arith.constant 1 : i32
      %dma_start3A_73 = arith.constant 0 : i32
      %dma_start3A_74 = arith.constant 0 : i32
      %dma_start3A_75 = tpu.memref_slice %arg7[%dma_start3A_71, %dma_start3A_73, %dma_start3A_74] : memref<2x128x128xf32, #tpu.memory_space<vmem>> -> memref<1x128x128xf32, #tpu.memory_space<vmem>>
      %dma_start3A_76 = tpu.memref_squeeze %dma_start3A_75 : memref<1x128x128xf32, #tpu.memory_space<vmem>> -> memref<128x128xf32, #tpu.memory_space<vmem>>
      %dma_start3A_77 = tpu.memref_slice %arg6[%add3A_70] : memref<19200xi32, #tpu.memory_space<vmem>> -> memref<128xi32, #tpu.memory_space<vmem>>
      %dma_start3A_78 = arith.constant 0 : i32
      %dma_start3A_79 = arith.constant 0 : i32
      %dma_start3A_80 = tpu.memref_slice %arg2[%dma_start3A_78, %dma_start3A_79] : memref<100000x128xf32, #tpu.memory_space<hbm>> -> memref<100000x128xf32, #tpu.memory_space<hbm>>
      %dma_start3A_81 = tpu.memref_slice %arg11[%dma_start3A_72] : memref<2x!tpu.dma_semaphore, #tpu.memory_space<semaphore_mem>> -> memref<1x!tpu.dma_semaphore, #tpu.memory_space<semaphore_mem>>
      %dma_start3A_82 = tpu.memref_squeeze %dma_start3A_81 : memref<1x!tpu.dma_semaphore, #tpu.memory_space<semaphore_mem>> -> memref<!tpu.dma_semaphore, #tpu.memory_space<semaphore_mem>>
      tpu.enqueue_indirect_dma source(%dma_start3A_80 : memref<100000x128xf32, #tpu.memory_space<hbm>>) target(%dma_start3A_76 : memref<128x128xf32, #tpu.memory_space<vmem>>) offsets(%dma_start3A_77 : memref<128xi32, #tpu.memory_space<vmem>>) semaphore(%dma_start3A_82 : memref<!tpu.dma_semaphore, #tpu.memory_space<semaphore_mem>>)
      %add3A_83 = arith.constant 6400 : i32
      %add3A_84 = arith.addi %add3A_83, %multiple_of3A_68 : i32
      %dma_start3A_85 = arith.constant 1 : i32
      %dma_start3A_86 = arith.constant 1 : i32
      %dma_start3A_87 = arith.constant 0 : i32
      %dma_start3A_88 = arith.constant 0 : i32
      %dma_start3A_89 = tpu.memref_slice %arg8[%dma_start3A_85, %dma_start3A_87, %dma_start3A_88] : memref<2x128x128xf32, #tpu.memory_space<vmem>> -> memref<1x128x128xf32, #tpu.memory_space<vmem>>
      %dma_start3A_90 = tpu.memref_squeeze %dma_start3A_89 : memref<1x128x128xf32, #tpu.memory_space<vmem>> -> memref<128x128xf32, #tpu.memory_space<vmem>>
      %dma_start3A_91 = tpu.memref_slice %arg6[%add3A_84] : memref<19200xi32, #tpu.memory_space<vmem>> -> memref<128xi32, #tpu.memory_space<vmem>>
      %dma_start3A_92 = arith.constant 0 : i32
      %dma_start3A_93 = arith.constant 0 : i32
      %dma_start3A_94 = tpu.memref_slice %arg2[%dma_start3A_92, %dma_start3A_93] : memref<100000x128xf32, #tpu.memory_space<hbm>> -> memref<100000x128xf32, #tpu.memory_space<hbm>>
      %dma_start3A_95 = tpu.memref_slice %arg11[%dma_start3A_86] : memref<2x!tpu.dma_semaphore, #tpu.memory_space<semaphore_mem>> -> memref<1x!tpu.dma_semaphore, #tpu.memory_space<semaphore_mem>>
      %dma_start3A_96 = tpu.memref_squeeze %dma_start3A_95 : memref<1x!tpu.dma_semaphore, #tpu.memory_space<semaphore_mem>> -> memref<!tpu.dma_semaphore, #tpu.memory_space<semaphore_mem>>
      tpu.enqueue_indirect_dma source(%dma_start3A_94 : memref<100000x128xf32, #tpu.memory_space<hbm>>) target(%dma_start3A_90 : memref<128x128xf32, #tpu.memory_space<vmem>>) offsets(%dma_start3A_91 : memref<128xi32, #tpu.memory_space<vmem>>) semaphore(%dma_start3A_96 : memref<!tpu.dma_semaphore, #tpu.memory_space<semaphore_mem>>)
      %add3A_97 = arith.constant 12800 : i32
      %add3A_98 = arith.addi %add3A_97, %multiple_of3A_68 : i32
      %dma_start3A_99 = arith.constant 1 : i32
      %dma_start3A_100 = arith.constant 1 : i32
      %dma_start3A_101 = arith.constant 0 : i32
      %dma_start3A_102 = arith.constant 0 : i32
      %dma_start3A_103 = tpu.memref_slice %arg9[%dma_start3A_99, %dma_start3A_101, %dma_start3A_102] : memref<2x128x128xf32, #tpu.memory_space<vmem>> -> memref<1x128x128xf32, #tpu.memory_space<vmem>>
      %dma_start3A_104 = tpu.memref_squeeze %dma_start3A_103 : memref<1x128x128xf32, #tpu.memory_space<vmem>> -> memref<128x128xf32, #tpu.memory_space<vmem>>
      %dma_start3A_105 = tpu.memref_slice %arg6[%add3A_98] : memref<19200xi32, #tpu.memory_space<vmem>> -> memref<128xi32, #tpu.memory_space<vmem>>
      %dma_start3A_106 = arith.constant 0 : i32
      %dma_start3A_107 = arith.constant 0 : i32
      %dma_start3A_108 = tpu.memref_slice %arg3[%dma_start3A_106, %dma_start3A_107] : memref<100000x128xf32, #tpu.memory_space<hbm>> -> memref<100000x128xf32, #tpu.memory_space<hbm>>
      %dma_start3A_109 = tpu.memref_slice %arg11[%dma_start3A_100] : memref<2x!tpu.dma_semaphore, #tpu.memory_space<semaphore_mem>> -> memref<1x!tpu.dma_semaphore, #tpu.memory_space<semaphore_mem>>
      %dma_start3A_110 = tpu.memref_squeeze %dma_start3A_109 : memref<1x!tpu.dma_semaphore, #tpu.memory_space<semaphore_mem>> -> memref<!tpu.dma_semaphore, #tpu.memory_space<semaphore_mem>>
      tpu.enqueue_indirect_dma source(%dma_start3A_108 : memref<100000x128xf32, #tpu.memory_space<hbm>>) target(%dma_start3A_104 : memref<128x128xf32, #tpu.memory_space<vmem>>) offsets(%dma_start3A_105 : memref<128xi32, #tpu.memory_space<vmem>>) semaphore(%dma_start3A_110 : memref<!tpu.dma_semaphore, #tpu.memory_space<semaphore_mem>>)
      %mul3A_111 = arith.constant 2 : i32
      %mul3A_112 = arith.muli %mul3A_111, %scan3A_60 : i32
      %dma_wait3A = arith.constant 0 : i32
      %dma_wait3A_113 = arith.constant 0 : i32
      %dma_wait3A_114 = arith.constant 0 : i32
      %dma_wait3A_115 = arith.constant 0 : i32
      %dma_wait3A_116 = tpu.memref_slice %arg7[%dma_wait3A, %dma_wait3A_114, %dma_wait3A_115] : memref<2x128x128xf32, #tpu.memory_space<vmem>> -> memref<1x128x128xf32, #tpu.memory_space<vmem>>
      %dma_wait3A_117 = tpu.memref_squeeze %dma_wait3A_116 : memref<1x128x128xf32, #tpu.memory_space<vmem>> -> memref<128x128xf32, #tpu.memory_space<vmem>>
      %dma_wait3A_118 = arith.constant 0 : i32
      %dma_wait3A_119 = tpu.memref_slice %arg6[%dma_wait3A_118] : memref<19200xi32, #tpu.memory_space<vmem>> -> memref<128xi32, #tpu.memory_space<vmem>>
      %dma_wait3A_120 = arith.constant 0 : i32
      %dma_wait3A_121 = arith.constant 0 : i32
      %dma_wait3A_122 = tpu.memref_slice %arg2[%dma_wait3A_120, %dma_wait3A_121] : memref<100000x128xf32, #tpu.memory_space<hbm>> -> memref<100000x128xf32, #tpu.memory_space<hbm>>
      %dma_wait3A_123 = tpu.memref_slice %arg11[%dma_wait3A_113] : memref<2x!tpu.dma_semaphore, #tpu.memory_space<semaphore_mem>> -> memref<1x!tpu.dma_semaphore, #tpu.memory_space<semaphore_mem>>
      %dma_wait3A_124 = tpu.memref_squeeze %dma_wait3A_123 : memref<1x!tpu.dma_semaphore, #tpu.memory_space<semaphore_mem>> -> memref<!tpu.dma_semaphore, #tpu.memory_space<semaphore_mem>>
      tpu.wait_indirect_dma semaphore(%dma_wait3A_124 : memref<!tpu.dma_semaphore, #tpu.memory_space<semaphore_mem>>) src(%dma_wait3A_122 : memref<100000x128xf32, #tpu.memory_space<hbm>>) dst(%dma_wait3A_117 : memref<128x128xf32, #tpu.memory_space<vmem>>)
      %dma_wait3A_125 = arith.constant 0 : i32
      %dma_wait3A_126 = arith.constant 0 : i32
      %dma_wait3A_127 = arith.constant 0 : i32
      %dma_wait3A_128 = arith.constant 0 : i32
      %dma_wait3A_129 = tpu.memref_slice %arg8[%dma_wait3A_125, %dma_wait3A_127, %dma_wait3A_128] : memref<2x128x128xf32, #tpu.memory_space<vmem>> -> memref<1x128x128xf32, #tpu.memory_space<vmem>>
      %dma_wait3A_130 = tpu.memref_squeeze %dma_wait3A_129 : memref<1x128x128xf32, #tpu.memory_space<vmem>> -> memref<128x128xf32, #tpu.memory_space<vmem>>
      %dma_wait3A_131 = arith.constant 0 : i32
      %dma_wait3A_132 = tpu.memref_slice %arg6[%dma_wait3A_131] : memref<19200xi32, #tpu.memory_space<vmem>> -> memref<128xi32, #tpu.memory_space<vmem>>
      %dma_wait3A_133 = arith.constant 0 : i32
      %dma_wait3A_134 = arith.constant 0 : i32
      %dma_wait3A_135 = tpu.memref_slice %arg2[%dma_wait3A_133, %dma_wait3A_134] : memref<100000x128xf32, #tpu.memory_space<hbm>> -> memref<100000x128xf32, #tpu.memory_space<hbm>>
      %dma_wait3A_136 = tpu.memref_slice %arg11[%dma_wait3A_126] : memref<2x!tpu.dma_semaphore, #tpu.memory_space<semaphore_mem>> -> memref<1x!tpu.dma_semaphore, #tpu.memory_space<semaphore_mem>>
      %dma_wait3A_137 = tpu.memref_squeeze %dma_wait3A_136 : memref<1x!tpu.dma_semaphore, #tpu.memory_space<semaphore_mem>> -> memref<!tpu.dma_semaphore, #tpu.memory_space<semaphore_mem>>
      tpu.wait_indirect_dma semaphore(%dma_wait3A_137 : memref<!tpu.dma_semaphore, #tpu.memory_space<semaphore_mem>>) src(%dma_wait3A_135 : memref<100000x128xf32, #tpu.memory_space<hbm>>) dst(%dma_wait3A_130 : memref<128x128xf32, #tpu.memory_space<vmem>>)
      %dma_wait3A_138 = arith.constant 0 : i32
      %dma_wait3A_139 = arith.constant 0 : i32
      %dma_wait3A_140 = arith.constant 0 : i32
      %dma_wait3A_141 = arith.constant 0 : i32
      %dma_wait3A_142 = tpu.memref_slice %arg9[%dma_wait3A_138, %dma_wait3A_140, %dma_wait3A_141] : memref<2x128x128xf32, #tpu.memory_space<vmem>> -> memref<1x128x128xf32, #tpu.memory_space<vmem>>
      %dma_wait3A_143 = tpu.memref_squeeze %dma_wait3A_142 : memref<1x128x128xf32, #tpu.memory_space<vmem>> -> memref<128x128xf32, #tpu.memory_space<vmem>>
      %dma_wait3A_144 = arith.constant 0 : i32
      %dma_wait3A_145 = tpu.memref_slice %arg6[%dma_wait3A_144] : memref<19200xi32, #tpu.memory_space<vmem>> -> memref<128xi32, #tpu.memory_space<vmem>>
      %dma_wait3A_146 = arith.constant 0 : i32
      %dma_wait3A_147 = arith.constant 0 : i32
      %dma_wait3A_148 = tpu.memref_slice %arg2[%dma_wait3A_146, %dma_wait3A_147] : memref<100000x128xf32, #tpu.memory_space<hbm>> -> memref<100000x128xf32, #tpu.memory_space<hbm>>
      %dma_wait3A_149 = tpu.memref_slice %arg11[%dma_wait3A_139] : memref<2x!tpu.dma_semaphore, #tpu.memory_space<semaphore_mem>> -> memref<1x!tpu.dma_semaphore, #tpu.memory_space<semaphore_mem>>
      %dma_wait3A_150 = tpu.memref_squeeze %dma_wait3A_149 : memref<1x!tpu.dma_semaphore, #tpu.memory_space<semaphore_mem>> -> memref<!tpu.dma_semaphore, #tpu.memory_space<semaphore_mem>>
      tpu.wait_indirect_dma semaphore(%dma_wait3A_150 : memref<!tpu.dma_semaphore, #tpu.memory_space<semaphore_mem>>) src(%dma_wait3A_148 : memref<100000x128xf32, #tpu.memory_space<hbm>>) dst(%dma_wait3A_143 : memref<128x128xf32, #tpu.memory_space<vmem>>)
      %scan3A_151 = arith.constant 0 : i32
      %scan3A_152 = arith.constant 0 : i32
      %scan3A_153 = arith.constant 0 : i32
      %scan3A_154 = arith.constant 0 : i32
      %scan3A_155 = arith.constant 0 : i32
      %scan3A_156 = arith.constant 64 : i32
      %scan3A_157 = arith.addi %scan3A_155, %scan3A_156 : i32
      %scan3A_158 = arith.constant 2 : i32
      %scan3A_159 = scf.for %scan3A_269 = %scan3A_155 to %scan3A_157 step %scan3A_158 iter_args(%scan3A_270 = %scan3A_154) -> (i32)  : i32 {
        %mul3A_271 = arith.constant 2 : i32
        %mul3A_272 = arith.muli %mul3A_271, %scan3A_269 : i32
        %add3A_273 = arith.constant 0 : i32
        %add3A_274 = arith.addi %mul3A_272, %add3A_273 : i32
        %get3A = arith.constant 0 : i32
        %get3A_275 = arith.constant 0 : i32
        %get3A_276 = tpu.memref_slice %arg7[%scan3A_151, %get3A, %get3A_275] : memref<2x128x128xf32, #tpu.memory_space<vmem>> -> memref<1x128x128xf32, #tpu.memory_space<vmem>>
        %get3A_277 = tpu.memref_squeeze %get3A_276 : memref<1x128x128xf32, #tpu.memory_space<vmem>> -> memref<128x128xf32, #tpu.memory_space<vmem>>
        %get3A_278 = arith.index_cast %add3A_274 : i32 to index
        %get3A_279 = arith.constant 0 : index
        %get3A_280 = tpu.vector_load %get3A_277[%get3A_278, %get3A_279] {strides = array<i32>} : memref<128x128xf32, #tpu.memory_space<vmem>>, vector<1x16xf32>,
        %get3A_281 = vector.shape_cast %get3A_280 : vector<1x16xf32> to vector<16xf32>
        %get3A_282 = arith.constant 0 : i32
        %get3A_283 = arith.constant 0 : i32
        %get3A_284 = tpu.memref_slice %arg8[%scan3A_152, %get3A_282, %get3A_283] : memref<2x128x128xf32, #tpu.memory_space<vmem>> -> memref<1x128x128xf32, #tpu.memory_space<vmem>>
        %get3A_285 = tpu.memref_squeeze %get3A_284 : memref<1x128x128xf32, #tpu.memory_space<vmem>> -> memref<128x128xf32, #tpu.memory_space<vmem>>
        %get3A_286 = arith.index_cast %add3A_274 : i32 to index
        %get3A_287 = arith.constant 64 : index
        %get3A_288 = tpu.vector_load %get3A_285[%get3A_286, %get3A_287] {strides = array<i32>} : memref<128x128xf32, #tpu.memory_space<vmem>>, vector<1x16xf32>,
        %get3A_289 = vector.shape_cast %get3A_288 : vector<1x16xf32> to vector<16xf32>
        %add3A_290 = arith.addf %get3A_281, %get3A_289 : vector<16xf32>
        %get3A_291 = arith.constant 0 : i32
        %get3A_292 = arith.constant 0 : i32
        %get3A_293 = tpu.memref_slice %arg9[%scan3A_153, %get3A_291, %get3A_292] : memref<2x128x128xf32, #tpu.memory_space<vmem>> -> memref<1x128x128xf32, #tpu.memory_space<vmem>>
        %get3A_294 = tpu.memref_squeeze %get3A_293 : memref<1x128x128xf32, #tpu.memory_space<vmem>> -> memref<128x128xf32, #tpu.memory_space<vmem>>
        %get3A_295 = arith.index_cast %add3A_274 : i32 to index
        %get3A_296 = arith.constant 0 : index
        %get3A_297 = tpu.vector_load %get3A_294[%get3A_295, %get3A_296] {strides = array<i32>} : memref<128x128xf32, #tpu.memory_space<vmem>>, vector<1x16xf32>,
        %get3A_298 = vector.shape_cast %get3A_297 : vector<1x16xf32> to vector<16xf32>
        %add3A_299 = arith.addf %add3A_290, %get3A_298 : vector<16xf32>
        %max3A = arith.constant 0.000000e+00 : f32
        %max3A_300 = vector.broadcast %max3A : f32 to vector<16xf32>
        %max3A_301 = arith.maximumf %add3A_299, %max3A_300 : vector<16xf32>
        %swap3A = arith.index_cast %scan3A_269 : i32 to index
        %swap3A_302 = arith.constant 0 : index
        %swap3A_303 = tpu.vector_load %arg10[%swap3A, %swap3A_302] {strides = array<i32>} : memref<64x128xf32, #tpu.memory_space<vmem>>, vector<1x16xf32>,
        %swap3A_304 = vector.shape_cast %swap3A_303 : vector<1x16xf32> to vector<16xf32>
        %swap3A_305 = vector.shape_cast %max3A_301 : vector<16xf32> to vector<1x16xf32>
        tpu.vector_store %arg10[%swap3A, %swap3A_302], %swap3A_305 {strides = array<i32>} : memref<64x128xf32, #tpu.memory_space<vmem>>, vector<1x16xf32>,
        %get3A_306 = arith.constant 0 : i32
        %get3A_307 = arith.constant 0 : i32
        %get3A_308 = tpu.memref_slice %arg7[%scan3A_151, %get3A_306, %get3A_307] : memref<2x128x128xf32, #tpu.memory_space<vmem>> -> memref<1x128x128xf32, #tpu.memory_space<vmem>>
        %get3A_309 = tpu.memref_squeeze %get3A_308 : memref<1x128x128xf32, #tpu.memory_space<vmem>> -> memref<128x128xf32, #tpu.memory_space<vmem>>
        %get3A_310 = arith.index_cast %add3A_274 : i32 to index
        %get3A_311 = arith.constant 16 : index
        %get3A_312 = tpu.vector_load %get3A_309[%get3A_310, %get3A_311] {strides = array<i32>} : memref<128x128xf32, #tpu.memory_space<vmem>>, vector<1x16xf32>,
        %get3A_313 = vector.shape_cast %get3A_312 : vector<1x16xf32> to vector<16xf32>
        %get3A_314 = arith.constant 0 : i32
        %get3A_315 = arith.constant 0 : i32
        %get3A_316 = tpu.memref_slice %arg8[%scan3A_152, %get3A_314, %get3A_315] : memref<2x128x128xf32, #tpu.memory_space<vmem>> -> memref<1x128x128xf32, #tpu.memory_space<vmem>>
        %get3A_317 = tpu.memref_squeeze %get3A_316 : memref<1x128x128xf32, #tpu.memory_space<vmem>> -> memref<128x128xf32, #tpu.memory_space<vmem>>
        %get3A_318 = arith.index_cast %add3A_274 : i32 to index
        %get3A_319 = arith.constant 80 : index
        %get3A_320 = tpu.vector_load %get3A_317[%get3A_318, %get3A_319] {strides = array<i32>} : memref<128x128xf32, #tpu.memory_space<vmem>>, vector<1x16xf32>,
        %get3A_321 = vector.shape_cast %get3A_320 : vector<1x16xf32> to vector<16xf32>
        %add3A_322 = arith.addf %get3A_313, %get3A_321 : vector<16xf32>
        %get3A_323 = arith.constant 0 : i32
        %get3A_324 = arith.constant 0 : i32
        %get3A_325 = tpu.memref_slice %arg9[%scan3A_153, %get3A_323, %get3A_324] : memref<2x128x128xf32, #tpu.memory_space<vmem>> -> memref<1x128x128xf32, #tpu.memory_space<vmem>>
        %get3A_326 = tpu.memref_squeeze %get3A_325 : memref<1x128x128xf32, #tpu.memory_space<vmem>> -> memref<128x128xf32, #tpu.memory_space<vmem>>
        %get3A_327 = arith.index_cast %add3A_274 : i32 to index
        %get3A_328 = arith.constant 16 : index
        %get3A_329 = tpu.vector_load %get3A_326[%get3A_327, %get3A_328] {strides = array<i32>} : memref<128x128xf32, #tpu.memory_space<vmem>>, vector<1x16xf32>,
        %get3A_330 = vector.shape_cast %get3A_329 : vector<1x16xf32> to vector<16xf32>
        %add3A_331 = arith.addf %add3A_322, %get3A_330 : vector<16xf32>
        %max3A_332 = arith.constant 0.000000e+00 : f32
        %max3A_333 = vector.broadcast %max3A_332 : f32 to vector<16xf32>
        %max3A_334 = arith.maximumf %add3A_331, %max3A_333 : vector<16xf32>
        %swap3A_335 = arith.index_cast %scan3A_269 : i32 to index
        %swap3A_336 = arith.constant 16 : index
        %swap3A_337 = tpu.vector_load %arg10[%swap3A_335, %swap3A_336] {strides = array<i32>} : memref<64x128xf32, #tpu.memory_space<vmem>>, vector<1x16xf32>,
        %swap3A_338 = vector.shape_cast %swap3A_337 : vector<1x16xf32> to vector<16xf32>
        %swap3A_339 = vector.shape_cast %max3A_334 : vector<16xf32> to vector<1x16xf32>
        tpu.vector_store %arg10[%swap3A_335, %swap3A_336], %swap3A_339 {strides = array<i32>} : memref<64x128xf32, #tpu.memory_space<vmem>>, vector<1x16xf32>,
        %get3A_340 = arith.constant 0 : i32
        %get3A_341 = arith.constant 0 : i32
        %get3A_342 = tpu.memref_slice %arg7[%scan3A_151, %get3A_340, %get3A_341] : memref<2x128x128xf32, #tpu.memory_space<vmem>> -> memref<1x128x128xf32, #tpu.memory_space<vmem>>
        %get3A_343 = tpu.memref_squeeze %get3A_342 : memref<1x128x128xf32, #tpu.memory_space<vmem>> -> memref<128x128xf32, #tpu.memory_space<vmem>>
        %get3A_344 = arith.index_cast %add3A_274 : i32 to index
        %get3A_345 = arith.constant 32 : index
        %get3A_346 = tpu.vector_load %get3A_343[%get3A_344, %get3A_345] {strides = array<i32>} : memref<128x128xf32, #tpu.memory_space<vmem>>, vector<1x16xf32>,
        %get3A_347 = vector.shape_cast %get3A_346 : vector<1x16xf32> to vector<16xf32>
        %get3A_348 = arith.constant 0 : i32
        %get3A_349 = arith.constant 0 : i32
        %get3A_350 = tpu.memref_slice %arg8[%scan3A_152, %get3A_348, %get3A_349] : memref<2x128x128xf32, #tpu.memory_space<vmem>> -> memref<1x128x128xf32, #tpu.memory_space<vmem>>
        %get3A_351 = tpu.memref_squeeze %get3A_350 : memref<1x128x128xf32, #tpu.memory_space<vmem>> -> memref<128x128xf32, #tpu.memory_space<vmem>>
        %get3A_352 = arith.index_cast %add3A_274 : i32 to index
        %get3A_353 = arith.constant 96 : index
        %get3A_354 = tpu.vector_load %get3A_351[%get3A_352, %get3A_353] {strides = array<i32>} : memref<128x128xf32, #tpu.memory_space<vmem>>, vector<1x16xf32>,
        %get3A_355 = vector.shape_cast %get3A_354 : vector<1x16xf32> to vector<16xf32>
        %add3A_356 = arith.addf %get3A_347, %get3A_355 : vector<16xf32>
        %get3A_357 = arith.constant 0 : i32
        %get3A_358 = arith.constant 0 : i32
        %get3A_359 = tpu.memref_slice %arg9[%scan3A_153, %get3A_357, %get3A_358] : memref<2x128x128xf32, #tpu.memory_space<vmem>> -> memref<1x128x128xf32, #tpu.memory_space<vmem>>
        %get3A_360 = tpu.memref_squeeze %get3A_359 : memref<1x128x128xf32, #tpu.memory_space<vmem>> -> memref<128x128xf32, #tpu.memory_space<vmem>>
        %get3A_361 = arith.index_cast %add3A_274 : i32 to index
        %get3A_362 = arith.constant 32 : index
        %get3A_363 = tpu.vector_load %get3A_360[%get3A_361, %get3A_362] {strides = array<i32>} : memref<128x128xf32, #tpu.memory_space<vmem>>, vector<1x16xf32>,
        %get3A_364 = vector.shape_cast %get3A_363 : vector<1x16xf32> to vector<16xf32>
        %add3A_365 = arith.addf %add3A_356, %get3A_364 : vector<16xf32>
        %max3A_366 = arith.constant 0.000000e+00 : f32
        %max3A_367 = vector.broadcast %max3A_366 : f32 to vector<16xf32>
        %max3A_368 = arith.maximumf %add3A_365, %max3A_367 : vector<16xf32>
        %swap3A_369 = arith.index_cast %scan3A_269 : i32 to index
        %swap3A_370 = arith.constant 32 : index
        %swap3A_371 = tpu.vector_load %arg10[%swap3A_369, %swap3A_370] {strides = array<i32>} : memref<64x128xf32, #tpu.memory_space<vmem>>, vector<1x16xf32>,
        %swap3A_372 = vector.shape_cast %swap3A_371 : vector<1x16xf32> to vector<16xf32>
        %swap3A_373 = vector.shape_cast %max3A_368 : vector<16xf32> to vector<1x16xf32>
        tpu.vector_store %arg10[%swap3A_369, %swap3A_370], %swap3A_373 {strides = array<i32>} : memref<64x128xf32, #tpu.memory_space<vmem>>, vector<1x16xf32>,
        %get3A_374 = arith.constant 0 : i32
        %get3A_375 = arith.constant 0 : i32
        %get3A_376 = tpu.memref_slice %arg7[%scan3A_151, %get3A_374, %get3A_375] : memref<2x128x128xf32, #tpu.memory_space<vmem>> -> memref<1x128x128xf32, #tpu.memory_space<vmem>>
        %get3A_377 = tpu.memref_squeeze %get3A_376 : memref<1x128x128xf32, #tpu.memory_space<vmem>> -> memref<128x128xf32, #tpu.memory_space<vmem>>
        %get3A_378 = arith.index_cast %add3A_274 : i32 to index
        %get3A_379 = arith.constant 48 : index
        %get3A_380 = tpu.vector_load %get3A_377[%get3A_378, %get3A_379] {strides = array<i32>} : memref<128x128xf32, #tpu.memory_space<vmem>>, vector<1x16xf32>,
        %get3A_381 = vector.shape_cast %get3A_380 : vector<1x16xf32> to vector<16xf32>
        %get3A_382 = arith.constant 0 : i32
        %get3A_383 = arith.constant 0 : i32
        %get3A_384 = tpu.memref_slice %arg8[%scan3A_152, %get3A_382, %get3A_383] : memref<2x128x128xf32, #tpu.memory_space<vmem>> -> memref<1x128x128xf32, #tpu.memory_space<vmem>>
        %get3A_385 = tpu.memref_squeeze %get3A_384 : memref<1x128x128xf32, #tpu.memory_space<vmem>> -> memref<128x128xf32, #tpu.memory_space<vmem>>
        %get3A_386 = arith.index_cast %add3A_274 : i32 to index
        %get3A_387 = arith.constant 112 : index
        %get3A_388 = tpu.vector_load %get3A_385[%get3A_386, %get3A_387] {strides = array<i32>} : memref<128x128xf32, #tpu.memory_space<vmem>>, vector<1x16xf32>,
        %get3A_389 = vector.shape_cast %get3A_388 : vector<1x16xf32> to vector<16xf32>
        %add3A_390 = arith.addf %get3A_381, %get3A_389 : vector<16xf32>
        %get3A_391 = arith.constant 0 : i32
        %get3A_392 = arith.constant 0 : i32
        %get3A_393 = tpu.memref_slice %arg9[%scan3A_153, %get3A_391, %get3A_392] : memref<2x128x128xf32, #tpu.memory_space<vmem>> -> memref<1x128x128xf32, #tpu.memory_space<vmem>>
        %get3A_394 = tpu.memref_squeeze %get3A_393 : memref<1x128x128xf32, #tpu.memory_space<vmem>> -> memref<128x128xf32, #tpu.memory_space<vmem>>
        %get3A_395 = arith.index_cast %add3A_274 : i32 to index
        %get3A_396 = arith.constant 48 : index
        %get3A_397 = tpu.vector_load %get3A_394[%get3A_395, %get3A_396] {strides = array<i32>} : memref<128x128xf32, #tpu.memory_space<vmem>>, vector<1x16xf32>,
        %get3A_398 = vector.shape_cast %get3A_397 : vector<1x16xf32> to vector<16xf32>
        %add3A_399 = arith.addf %add3A_390, %get3A_398 : vector<16xf32>
        %max3A_400 = arith.constant 0.000000e+00 : f32
        %max3A_401 = vector.broadcast %max3A_400 : f32 to vector<16xf32>
        %max3A_402 = arith.maximumf %add3A_399, %max3A_401 : vector<16xf32>
        %swap3A_403 = arith.index_cast %scan3A_269 : i32 to index
        %swap3A_404 = arith.constant 48 : index
        %swap3A_405 = tpu.vector_load %arg10[%swap3A_403, %swap3A_404] {strides = array<i32>} : memref<64x128xf32, #tpu.memory_space<vmem>>, vector<1x16xf32>,
        %swap3A_406 = vector.shape_cast %swap3A_405 : vector<1x16xf32> to vector<16xf32>
        %swap3A_407 = vector.shape_cast %max3A_402 : vector<16xf32> to vector<1x16xf32>
        tpu.vector_store %arg10[%swap3A_403, %swap3A_404], %swap3A_407 {strides = array<i32>} : memref<64x128xf32, #tpu.memory_space<vmem>>, vector<1x16xf32>,
        %mul3A_408 = arith.constant 2 : i32
        %mul3A_409 = arith.muli %mul3A_408, %scan3A_269 : i32
        %add3A_410 = arith.constant 1 : i32
        %add3A_411 = arith.addi %mul3A_409, %add3A_410 : i32
        %get3A_412 = arith.constant 0 : i32
        %get3A_413 = arith.constant 0 : i32
        %get3A_414 = tpu.memref_slice %arg7[%scan3A_151, %get3A_412, %get3A_413] : memref<2x128x128xf32, #tpu.memory_space<vmem>> -> memref<1x128x128xf32, #tpu.memory_space<vmem>>
        %get3A_415 = tpu.memref_squeeze %get3A_414 : memref<1x128x128xf32, #tpu.memory_space<vmem>> -> memref<128x128xf32, #tpu.memory_space<vmem>>
        %get3A_416 = arith.index_cast %add3A_411 : i32 to index
        %get3A_417 = arith.constant 0 : index
        %get3A_418 = tpu.vector_load %get3A_415[%get3A_416, %get3A_417] {strides = array<i32>} : memref<128x128xf32, #tpu.memory_space<vmem>>, vector<1x16xf32>,
        %get3A_419 = vector.shape_cast %get3A_418 : vector<1x16xf32> to vector<16xf32>
        %get3A_420 = arith.constant 0 : i32
        %get3A_421 = arith.constant 0 : i32
        %get3A_422 = tpu.memref_slice %arg8[%scan3A_152, %get3A_420, %get3A_421] : memref<2x128x128xf32, #tpu.memory_space<vmem>> -> memref<1x128x128xf32, #tpu.memory_space<vmem>>
        %get3A_423 = tpu.memref_squeeze %get3A_422 : memref<1x128x128xf32, #tpu.memory_space<vmem>> -> memref<128x128xf32, #tpu.memory_space<vmem>>
        %get3A_424 = arith.index_cast %add3A_411 : i32 to index
        %get3A_425 = arith.constant 64 : index
        %get3A_426 = tpu.vector_load %get3A_423[%get3A_424, %get3A_425] {strides = array<i32>} : memref<128x128xf32, #tpu.memory_space<vmem>>, vector<1x16xf32>,
        %get3A_427 = vector.shape_cast %get3A_426 : vector<1x16xf32> to vector<16xf32>
        %add3A_428 = arith.addf %get3A_419, %get3A_427 : vector<16xf32>
        %get3A_429 = arith.constant 0 : i32
        %get3A_430 = arith.constant 0 : i32
        %get3A_431 = tpu.memref_slice %arg9[%scan3A_153, %get3A_429, %get3A_430] : memref<2x128x128xf32, #tpu.memory_space<vmem>> -> memref<1x128x128xf32, #tpu.memory_space<vmem>>
        %get3A_432 = tpu.memref_squeeze %get3A_431 : memref<1x128x128xf32, #tpu.memory_space<vmem>> -> memref<128x128xf32, #tpu.memory_space<vmem>>
        %get3A_433 = arith.index_cast %add3A_411 : i32 to index
        %get3A_434 = arith.constant 0 : index
        %get3A_435 = tpu.vector_load %get3A_432[%get3A_433, %get3A_434] {strides = array<i32>} : memref<128x128xf32, #tpu.memory_space<vmem>>, vector<1x16xf32>,
        %get3A_436 = vector.shape_cast %get3A_435 : vector<1x16xf32> to vector<16xf32>
        %add3A_437 = arith.addf %add3A_428, %get3A_436 : vector<16xf32>
        %max3A_438 = arith.constant 0.000000e+00 : f32
        %max3A_439 = vector.broadcast %max3A_438 : f32 to vector<16xf32>
        %max3A_440 = arith.maximumf %add3A_437, %max3A_439 : vector<16xf32>
        %swap3A_441 = arith.index_cast %scan3A_269 : i32 to index
        %swap3A_442 = arith.constant 64 : index
        %swap3A_443 = tpu.vector_load %arg10[%swap3A_441, %swap3A_442] {strides = array<i32>} : memref<64x128xf32, #tpu.memory_space<vmem>>, vector<1x16xf32>,
        %swap3A_444 = vector.shape_cast %swap3A_443 : vector<1x16xf32> to vector<16xf32>
        %swap3A_445 = vector.shape_cast %max3A_440 : vector<16xf32> to vector<1x16xf32>
        tpu.vector_store %arg10[%swap3A_441, %swap3A_442], %swap3A_445 {strides = array<i32>} : memref<64x128xf32, #tpu.memory_space<vmem>>, vector<1x16xf32>,
        %get3A_446 = arith.constant 0 : i32
        %get3A_447 = arith.constant 0 : i32
        %get3A_448 = tpu.memref_slice %arg7[%scan3A_151, %get3A_446, %get3A_447] : memref<2x128x128xf32, #tpu.memory_space<vmem>> -> memref<1x128x128xf32, #tpu.memory_space<vmem>>
        %get3A_449 = tpu.memref_squeeze %get3A_448 : memref<1x128x128xf32, #tpu.memory_space<vmem>> -> memref<128x128xf32, #tpu.memory_space<vmem>>
        %get3A_450 = arith.index_cast %add3A_411 : i32 to index
        %get3A_451 = arith.constant 16 : index
        %get3A_452 = tpu.vector_load %get3A_449[%get3A_450, %get3A_451] {strides = array<i32>} : memref<128x128xf32, #tpu.memory_space<vmem>>, vector<1x16xf32>,
        %get3A_453 = vector.shape_cast %get3A_452 : vector<1x16xf32> to vector<16xf32>
        %get3A_454 = arith.constant 0 : i32
        %get3A_455 = arith.constant 0 : i32
        %get3A_456 = tpu.memref_slice %arg8[%scan3A_152, %get3A_454, %get3A_455] : memref<2x128x128xf32, #tpu.memory_space<vmem>> -> memref<1x128x128xf32, #tpu.memory_space<vmem>>
        %get3A_457 = tpu.memref_squeeze %get3A_456 : memref<1x128x128xf32, #tpu.memory_space<vmem>> -> memref<128x128xf32, #tpu.memory_space<vmem>>
        %get3A_458 = arith.index_cast %add3A_411 : i32 to index
        %get3A_459 = arith.constant 80 : index
        %get3A_460 = tpu.vector_load %get3A_457[%get3A_458, %get3A_459] {strides = array<i32>} : memref<128x128xf32, #tpu.memory_space<vmem>>, vector<1x16xf32>,
        %get3A_461 = vector.shape_cast %get3A_460 : vector<1x16xf32> to vector<16xf32>
        %add3A_462 = arith.addf %get3A_453, %get3A_461 : vector<16xf32>
        %get3A_463 = arith.constant 0 : i32
        %get3A_464 = arith.constant 0 : i32
        %get3A_465 = tpu.memref_slice %arg9[%scan3A_153, %get3A_463, %get3A_464] : memref<2x128x128xf32, #tpu.memory_space<vmem>> -> memref<1x128x128xf32, #tpu.memory_space<vmem>>
        %get3A_466 = tpu.memref_squeeze %get3A_465 : memref<1x128x128xf32, #tpu.memory_space<vmem>> -> memref<128x128xf32, #tpu.memory_space<vmem>>
        %get3A_467 = arith.index_cast %add3A_411 : i32 to index
        %get3A_468 = arith.constant 16 : index
        %get3A_469 = tpu.vector_load %get3A_466[%get3A_467, %get3A_468] {strides = array<i32>} : memref<128x128xf32, #tpu.memory_space<vmem>>, vector<1x16xf32>,
        %get3A_470 = vector.shape_cast %get3A_469 : vector<1x16xf32> to vector<16xf32>
        %add3A_471 = arith.addf %add3A_462, %get3A_470 : vector<16xf32>
        %max3A_472 = arith.constant 0.000000e+00 : f32
        %max3A_473 = vector.broadcast %max3A_472 : f32 to vector<16xf32>
        %max3A_474 = arith.maximumf %add3A_471, %max3A_473 : vector<16xf32>
        %swap3A_475 = arith.index_cast %scan3A_269 : i32 to index
        %swap3A_476 = arith.constant 80 : index
        %swap3A_477 = tpu.vector_load %arg10[%swap3A_475, %swap3A_476] {strides = array<i32>} : memref<64x128xf32, #tpu.memory_space<vmem>>, vector<1x16xf32>,
        %swap3A_478 = vector.shape_cast %swap3A_477 : vector<1x16xf32> to vector<16xf32>
        %swap3A_479 = vector.shape_cast %max3A_474 : vector<16xf32> to vector<1x16xf32>
        tpu.vector_store %arg10[%swap3A_475, %swap3A_476], %swap3A_479 {strides = array<i32>} : memref<64x128xf32, #tpu.memory_space<vmem>>, vector<1x16xf32>,
        %get3A_480 = arith.constant 0 : i32
        %get3A_481 = arith.constant 0 : i32
        %get3A_482 = tpu.memref_slice %arg7[%scan3A_151, %get3A_480, %get3A_481] : memref<2x128x128xf32, #tpu.memory_space<vmem>> -> memref<1x128x128xf32, #tpu.memory_space<vmem>>
        %get3A_483 = tpu.memref_squeeze %get3A_482 : memref<1x128x128xf32, #tpu.memory_space<vmem>> -> memref<128x128xf32, #tpu.memory_space<vmem>>
        %get3A_484 = arith.index_cast %add3A_411 : i32 to index
        %get3A_485 = arith.constant 32 : index
        %get3A_486 = tpu.vector_load %get3A_483[%get3A_484, %get3A_485] {strides = array<i32>} : memref<128x128xf32, #tpu.memory_space<vmem>>, vector<1x16xf32>,
        %get3A_487 = vector.shape_cast %get3A_486 : vector<1x16xf32> to vector<16xf32>
        %get3A_488 = arith.constant 0 : i32
        %get3A_489 = arith.constant 0 : i32
        %get3A_490 = tpu.memref_slice %arg8[%scan3A_152, %get3A_488, %get3A_489] : memref<2x128x128xf32, #tpu.memory_space<vmem>> -> memref<1x128x128xf32, #tpu.memory_space<vmem>>
        %get3A_491 = tpu.memref_squeeze %get3A_490 : memref<1x128x128xf32, #tpu.memory_space<vmem>> -> memref<128x128xf32, #tpu.memory_space<vmem>>
        %get3A_492 = arith.index_cast %add3A_411 : i32 to index
        %get3A_493 = arith.constant 96 : index
        %get3A_494 = tpu.vector_load %get3A_491[%get3A_492, %get3A_493] {strides = array<i32>} : memref<128x128xf32, #tpu.memory_space<vmem>>, vector<1x16xf32>,
        %get3A_495 = vector.shape_cast %get3A_494 : vector<1x16xf32> to vector<16xf32>
        %add3A_496 = arith.addf %get3A_487, %get3A_495 : vector<16xf32>
        %get3A_497 = arith.constant 0 : i32
        %get3A_498 = arith.constant 0 : i32
        %get3A_499 = tpu.memref_slice %arg9[%scan3A_153, %get3A_497, %get3A_498] : memref<2x128x128xf32, #tpu.memory_space<vmem>> -> memref<1x128x128xf32, #tpu.memory_space<vmem>>
        %get3A_500 = tpu.memref_squeeze %get3A_499 : memref<1x128x128xf32, #tpu.memory_space<vmem>> -> memref<128x128xf32, #tpu.memory_space<vmem>>
        %get3A_501 = arith.index_cast %add3A_411 : i32 to index
        %get3A_502 = arith.constant 32 : index
        %get3A_503 = tpu.vector_load %get3A_500[%get3A_501, %get3A_502] {strides = array<i32>} : memref<128x128xf32, #tpu.memory_space<vmem>>, vector<1x16xf32>,
        %get3A_504 = vector.shape_cast %get3A_503 : vector<1x16xf32> to vector<16xf32>
        %add3A_505 = arith.addf %add3A_496, %get3A_504 : vector<16xf32>
        %max3A_506 = arith.constant 0.000000e+00 : f32
        %max3A_507 = vector.broadcast %max3A_506 : f32 to vector<16xf32>
        %max3A_508 = arith.maximumf %add3A_505, %max3A_507 : vector<16xf32>
        %swap3A_509 = arith.index_cast %scan3A_269 : i32 to index
        %swap3A_510 = arith.constant 96 : index
        %swap3A_511 = tpu.vector_load %arg10[%swap3A_509, %swap3A_510] {strides = array<i32>} : memref<64x128xf32, #tpu.memory_space<vmem>>, vector<1x16xf32>,
        %swap3A_512 = vector.shape_cast %swap3A_511 : vector<1x16xf32> to vector<16xf32>
        %swap3A_513 = vector.shape_cast %max3A_508 : vector<16xf32> to vector<1x16xf32>
        tpu.vector_store %arg10[%swap3A_509, %swap3A_510], %swap3A_513 {strides = array<i32>} : memref<64x128xf32, #tpu.memory_space<vmem>>, vector<1x16xf32>,
        %get3A_514 = arith.constant 0 : i32
        %get3A_515 = arith.constant 0 : i32
        %get3A_516 = tpu.memref_slice %arg7[%scan3A_151, %get3A_514, %get3A_515] : memref<2x128x128xf32, #tpu.memory_space<vmem>> -> memref<1x128x128xf32, #tpu.memory_space<vmem>>
        %get3A_517 = tpu.memref_squeeze %get3A_516 : memref<1x128x128xf32, #tpu.memory_space<vmem>> -> memref<128x128xf32, #tpu.memory_space<vmem>>
        %get3A_518 = arith.index_cast %add3A_411 : i32 to index
        %get3A_519 = arith.constant 48 : index
        %get3A_520 = tpu.vector_load %get3A_517[%get3A_518, %get3A_519] {strides = array<i32>} : memref<128x128xf32, #tpu.memory_space<vmem>>, vector<1x16xf32>,
        %get3A_521 = vector.shape_cast %get3A_520 : vector<1x16xf32> to vector<16xf32>
        %get3A_522 = arith.constant 0 : i32
        %get3A_523 = arith.constant 0 : i32
        %get3A_524 = tpu.memref_slice %arg8[%scan3A_152, %get3A_522, %get3A_523] : memref<2x128x128xf32, #tpu.memory_space<vmem>> -> memref<1x128x128xf32, #tpu.memory_space<vmem>>
        %get3A_525 = tpu.memref_squeeze %get3A_524 : memref<1x128x128xf32, #tpu.memory_space<vmem>> -> memref<128x128xf32, #tpu.memory_space<vmem>>
        %get3A_526 = arith.index_cast %add3A_411 : i32 to index
        %get3A_527 = arith.constant 112 : index
        %get3A_528 = tpu.vector_load %get3A_525[%get3A_526, %get3A_527] {strides = array<i32>} : memref<128x128xf32, #tpu.memory_space<vmem>>, vector<1x16xf32>,
        %get3A_529 = vector.shape_cast %get3A_528 : vector<1x16xf32> to vector<16xf32>
        %add3A_530 = arith.addf %get3A_521, %get3A_529 : vector<16xf32>
        %get3A_531 = arith.constant 0 : i32
        %get3A_532 = arith.constant 0 : i32
        %get3A_533 = tpu.memref_slice %arg9[%scan3A_153, %get3A_531, %get3A_532] : memref<2x128x128xf32, #tpu.memory_space<vmem>> -> memref<1x128x128xf32, #tpu.memory_space<vmem>>
        %get3A_534 = tpu.memref_squeeze %get3A_533 : memref<1x128x128xf32, #tpu.memory_space<vmem>> -> memref<128x128xf32, #tpu.memory_space<vmem>>
        %get3A_535 = arith.index_cast %add3A_411 : i32 to index
        %get3A_536 = arith.constant 48 : index
        %get3A_537 = tpu.vector_load %get3A_534[%get3A_535, %get3A_536] {strides = array<i32>} : memref<128x128xf32, #tpu.memory_space<vmem>>, vector<1x16xf32>,
        %get3A_538 = vector.shape_cast %get3A_537 : vector<1x16xf32> to vector<16xf32>
        %add3A_539 = arith.addf %add3A_530, %get3A_538 : vector<16xf32>
        %max3A_540 = arith.constant 0.000000e+00 : f32
        %max3A_541 = vector.broadcast %max3A_540 : f32 to vector<16xf32>
        %max3A_542 = arith.maximumf %add3A_539, %max3A_541 : vector<16xf32>
        %swap3A_543 = arith.index_cast %scan3A_269 : i32 to index
        %swap3A_544 = arith.constant 112 : index
        %swap3A_545 = tpu.vector_load %arg10[%swap3A_543, %swap3A_544] {strides = array<i32>} : memref<64x128xf32, #tpu.memory_space<vmem>>, vector<1x16xf32>,
        %swap3A_546 = vector.shape_cast %swap3A_545 : vector<1x16xf32> to vector<16xf32>
        %swap3A_547 = vector.shape_cast %max3A_542 : vector<16xf32> to vector<1x16xf32>
        tpu.vector_store %arg10[%swap3A_543, %swap3A_544], %swap3A_547 {strides = array<i32>} : memref<64x128xf32, #tpu.memory_space<vmem>>, vector<1x16xf32>,
        %scan3A_548 = arith.constant 0 : i32
        %scan3A_549 = arith.constant 1 : i32
        %scan3A_550 = arith.addi %scan3A_269, %scan3A_549 : i32
        %mul3A_551 = arith.constant 2 : i32
        %mul3A_552 = arith.muli %mul3A_551, %scan3A_550 : i32
        %add3A_553 = arith.constant 0 : i32
        %add3A_554 = arith.addi %mul3A_552, %add3A_553 : i32
        %get3A_555 = arith.constant 0 : i32
        %get3A_556 = arith.constant 0 : i32
        %get3A_557 = tpu.memref_slice %arg7[%scan3A_151, %get3A_555, %get3A_556] : memref<2x128x128xf32, #tpu.memory_space<vmem>> -> memref<1x128x128xf32, #tpu.memory_space<vmem>>
        %get3A_558 = tpu.memref_squeeze %get3A_557 : memref<1x128x128xf32, #tpu.memory_space<vmem>> -> memref<128x128xf32, #tpu.memory_space<vmem>>
        %get3A_559 = arith.index_cast %add3A_554 : i32 to index
        %get3A_560 = arith.constant 0 : index
        %get3A_561 = tpu.vector_load %get3A_558[%get3A_559, %get3A_560] {strides = array<i32>} : memref<128x128xf32, #tpu.memory_space<vmem>>, vector<1x16xf32>,
        %get3A_562 = vector.shape_cast %get3A_561 : vector<1x16xf32> to vector<16xf32>
        %get3A_563 = arith.constant 0 : i32
        %get3A_564 = arith.constant 0 : i32
        %get3A_565 = tpu.memref_slice %arg8[%scan3A_152, %get3A_563, %get3A_564] : memref<2x128x128xf32, #tpu.memory_space<vmem>> -> memref<1x128x128xf32, #tpu.memory_space<vmem>>
        %get3A_566 = tpu.memref_squeeze %get3A_565 : memref<1x128x128xf32, #tpu.memory_space<vmem>> -> memref<128x128xf32, #tpu.memory_space<vmem>>
        %get3A_567 = arith.index_cast %add3A_554 : i32 to index
        %get3A_568 = arith.constant 64 : index
        %get3A_569 = tpu.vector_load %get3A_566[%get3A_567, %get3A_568] {strides = array<i32>} : memref<128x128xf32, #tpu.memory_space<vmem>>, vector<1x16xf32>,
        %get3A_570 = vector.shape_cast %get3A_569 : vector<1x16xf32> to vector<16xf32>
        %add3A_571 = arith.addf %get3A_562, %get3A_570 : vector<16xf32>
        %get3A_572 = arith.constant 0 : i32
        %get3A_573 = arith.constant 0 : i32
        %get3A_574 = tpu.memref_slice %arg9[%scan3A_153, %get3A_572, %get3A_573] : memref<2x128x128xf32, #tpu.memory_space<vmem>> -> memref<1x128x128xf32, #tpu.memory_space<vmem>>
        %get3A_575 = tpu.memref_squeeze %get3A_574 : memref<1x128x128xf32, #tpu.memory_space<vmem>> -> memref<128x128xf32, #tpu.memory_space<vmem>>
        %get3A_576 = arith.index_cast %add3A_554 : i32 to index
        %get3A_577 = arith.constant 0 : index
        %get3A_578 = tpu.vector_load %get3A_575[%get3A_576, %get3A_577] {strides = array<i32>} : memref<128x128xf32, #tpu.memory_space<vmem>>, vector<1x16xf32>,
        %get3A_579 = vector.shape_cast %get3A_578 : vector<1x16xf32> to vector<16xf32>
        %add3A_580 = arith.addf %add3A_571, %get3A_579 : vector<16xf32>
        %max3A_581 = arith.constant 0.000000e+00 : f32
        %max3A_582 = vector.broadcast %max3A_581 : f32 to vector<16xf32>
        %max3A_583 = arith.maximumf %add3A_580, %max3A_582 : vector<16xf32>
        %swap3A_584 = arith.index_cast %scan3A_550 : i32 to index
        %swap3A_585 = arith.constant 0 : index
        %swap3A_586 = tpu.vector_load %arg10[%swap3A_584, %swap3A_585] {strides = array<i32>} : memref<64x128xf32, #tpu.memory_space<vmem>>, vector<1x16xf32>,
        %swap3A_587 = vector.shape_cast %swap3A_586 : vector<1x16xf32> to vector<16xf32>
        %swap3A_588 = vector.shape_cast %max3A_583 : vector<16xf32> to vector<1x16xf32>
        tpu.vector_store %arg10[%swap3A_584, %swap3A_585], %swap3A_588 {strides = array<i32>} : memref<64x128xf32, #tpu.memory_space<vmem>>, vector<1x16xf32>,
        %get3A_589 = arith.constant 0 : i32
        %get3A_590 = arith.constant 0 : i32
        %get3A_591 = tpu.memref_slice %arg7[%scan3A_151, %get3A_589, %get3A_590] : memref<2x128x128xf32, #tpu.memory_space<vmem>> -> memref<1x128x128xf32, #tpu.memory_space<vmem>>
        %get3A_592 = tpu.memref_squeeze %get3A_591 : memref<1x128x128xf32, #tpu.memory_space<vmem>> -> memref<128x128xf32, #tpu.memory_space<vmem>>
        %get3A_593 = arith.index_cast %add3A_554 : i32 to index
        %get3A_594 = arith.constant 16 : index
        %get3A_595 = tpu.vector_load %get3A_592[%get3A_593, %get3A_594] {strides = array<i32>} : memref<128x128xf32, #tpu.memory_space<vmem>>, vector<1x16xf32>,
        %get3A_596 = vector.shape_cast %get3A_595 : vector<1x16xf32> to vector<16xf32>
        %get3A_597 = arith.constant 0 : i32
        %get3A_598 = arith.constant 0 : i32
        %get3A_599 = tpu.memref_slice %arg8[%scan3A_152, %get3A_597, %get3A_598] : memref<2x128x128xf32, #tpu.memory_space<vmem>> -> memref<1x128x128xf32, #tpu.memory_space<vmem>>
        %get3A_600 = tpu.memref_squeeze %get3A_599 : memref<1x128x128xf32, #tpu.memory_space<vmem>> -> memref<128x128xf32, #tpu.memory_space<vmem>>
        %get3A_601 = arith.index_cast %add3A_554 : i32 to index
        %get3A_602 = arith.constant 80 : index
        %get3A_603 = tpu.vector_load %get3A_600[%get3A_601, %get3A_602] {strides = array<i32>} : memref<128x128xf32, #tpu.memory_space<vmem>>, vector<1x16xf32>,
        %get3A_604 = vector.shape_cast %get3A_603 : vector<1x16xf32> to vector<16xf32>
        %add3A_605 = arith.addf %get3A_596, %get3A_604 : vector<16xf32>
        %get3A_606 = arith.constant 0 : i32
        %get3A_607 = arith.constant 0 : i32
        %get3A_608 = tpu.memref_slice %arg9[%scan3A_153, %get3A_606, %get3A_607] : memref<2x128x128xf32, #tpu.memory_space<vmem>> -> memref<1x128x128xf32, #tpu.memory_space<vmem>>
        %get3A_609 = tpu.memref_squeeze %get3A_608 : memref<1x128x128xf32, #tpu.memory_space<vmem>> -> memref<128x128xf32, #tpu.memory_space<vmem>>
        %get3A_610 = arith.index_cast %add3A_554 : i32 to index
        %get3A_611 = arith.constant 16 : index
        %get3A_612 = tpu.vector_load %get3A_609[%get3A_610, %get3A_611] {strides = array<i32>} : memref<128x128xf32, #tpu.memory_space<vmem>>, vector<1x16xf32>,
        %get3A_613 = vector.shape_cast %get3A_612 : vector<1x16xf32> to vector<16xf32>
        %add3A_614 = arith.addf %add3A_605, %get3A_613 : vector<16xf32>
        %max3A_615 = arith.constant 0.000000e+00 : f32
        %max3A_616 = vector.broadcast %max3A_615 : f32 to vector<16xf32>
        %max3A_617 = arith.maximumf %add3A_614, %max3A_616 : vector<16xf32>
        %swap3A_618 = arith.index_cast %scan3A_550 : i32 to index
        %swap3A_619 = arith.constant 16 : index
        %swap3A_620 = tpu.vector_load %arg10[%swap3A_618, %swap3A_619] {strides = array<i32>} : memref<64x128xf32, #tpu.memory_space<vmem>>, vector<1x16xf32>,
        %swap3A_621 = vector.shape_cast %swap3A_620 : vector<1x16xf32> to vector<16xf32>
        %swap3A_622 = vector.shape_cast %max3A_617 : vector<16xf32> to vector<1x16xf32>
        tpu.vector_store %arg10[%swap3A_618, %swap3A_619], %swap3A_622 {strides = array<i32>} : memref<64x128xf32, #tpu.memory_space<vmem>>, vector<1x16xf32>,
        %get3A_623 = arith.constant 0 : i32
        %get3A_624 = arith.constant 0 : i32
        %get3A_625 = tpu.memref_slice %arg7[%scan3A_151, %get3A_623, %get3A_624] : memref<2x128x128xf32, #tpu.memory_space<vmem>> -> memref<1x128x128xf32, #tpu.memory_space<vmem>>
        %get3A_626 = tpu.memref_squeeze %get3A_625 : memref<1x128x128xf32, #tpu.memory_space<vmem>> -> memref<128x128xf32, #tpu.memory_space<vmem>>
        %get3A_627 = arith.index_cast %add3A_554 : i32 to index
        %get3A_628 = arith.constant 32 : index
        %get3A_629 = tpu.vector_load %get3A_626[%get3A_627, %get3A_628] {strides = array<i32>} : memref<128x128xf32, #tpu.memory_space<vmem>>, vector<1x16xf32>,
        %get3A_630 = vector.shape_cast %get3A_629 : vector<1x16xf32> to vector<16xf32>
        %get3A_631 = arith.constant 0 : i32
        %get3A_632 = arith.constant 0 : i32
        %get3A_633 = tpu.memref_slice %arg8[%scan3A_152, %get3A_631, %get3A_632] : memref<2x128x128xf32, #tpu.memory_space<vmem>> -> memref<1x128x128xf32, #tpu.memory_space<vmem>>
        %get3A_634 = tpu.memref_squeeze %get3A_633 : memref<1x128x128xf32, #tpu.memory_space<vmem>> -> memref<128x128xf32, #tpu.memory_space<vmem>>
        %get3A_635 = arith.index_cast %add3A_554 : i32 to index
        %get3A_636 = arith.constant 96 : index
        %get3A_637 = tpu.vector_load %get3A_634[%get3A_635, %get3A_636] {strides = array<i32>} : memref<128x128xf32, #tpu.memory_space<vmem>>, vector<1x16xf32>,
        %get3A_638 = vector.shape_cast %get3A_637 : vector<1x16xf32> to vector<16xf32>
        %add3A_639 = arith.addf %get3A_630, %get3A_638 : vector<16xf32>
        %get3A_640 = arith.constant 0 : i32
        %get3A_641 = arith.constant 0 : i32
        %get3A_642 = tpu.memref_slice %arg9[%scan3A_153, %get3A_640, %get3A_641] : memref<2x128x128xf32, #tpu.memory_space<vmem>> -> memref<1x128x128xf32, #tpu.memory_space<vmem>>
        %get3A_643 = tpu.memref_squeeze %get3A_642 : memref<1x128x128xf32, #tpu.memory_space<vmem>> -> memref<128x128xf32, #tpu.memory_space<vmem>>
        %get3A_644 = arith.index_cast %add3A_554 : i32 to index
        %get3A_645 = arith.constant 32 : index
        %get3A_646 = tpu.vector_load %get3A_643[%get3A_644, %get3A_645] {strides = array<i32>} : memref<128x128xf32, #tpu.memory_space<vmem>>, vector<1x16xf32>,
        %get3A_647 = vector.shape_cast %get3A_646 : vector<1x16xf32> to vector<16xf32>
        %add3A_648 = arith.addf %add3A_639, %get3A_647 : vector<16xf32>
        %max3A_649 = arith.constant 0.000000e+00 : f32
        %max3A_650 = vector.broadcast %max3A_649 : f32 to vector<16xf32>
        %max3A_651 = arith.maximumf %add3A_648, %max3A_650 : vector<16xf32>
        %swap3A_652 = arith.index_cast %scan3A_550 : i32 to index
        %swap3A_653 = arith.constant 32 : index
        %swap3A_654 = tpu.vector_load %arg10[%swap3A_652, %swap3A_653] {strides = array<i32>} : memref<64x128xf32, #tpu.memory_space<vmem>>, vector<1x16xf32>,
        %swap3A_655 = vector.shape_cast %swap3A_654 : vector<1x16xf32> to vector<16xf32>
        %swap3A_656 = vector.shape_cast %max3A_651 : vector<16xf32> to vector<1x16xf32>
        tpu.vector_store %arg10[%swap3A_652, %swap3A_653], %swap3A_656 {strides = array<i32>} : memref<64x128xf32, #tpu.memory_space<vmem>>, vector<1x16xf32>,
        %get3A_657 = arith.constant 0 : i32
        %get3A_658 = arith.constant 0 : i32
        %get3A_659 = tpu.memref_slice %arg7[%scan3A_151, %get3A_657, %get3A_658] : memref<2x128x128xf32, #tpu.memory_space<vmem>> -> memref<1x128x128xf32, #tpu.memory_space<vmem>>
        %get3A_660 = tpu.memref_squeeze %get3A_659 : memref<1x128x128xf32, #tpu.memory_space<vmem>> -> memref<128x128xf32, #tpu.memory_space<vmem>>
        %get3A_661 = arith.index_cast %add3A_554 : i32 to index
        %get3A_662 = arith.constant 48 : index
        %get3A_663 = tpu.vector_load %get3A_660[%get3A_661, %get3A_662] {strides = array<i32>} : memref<128x128xf32, #tpu.memory_space<vmem>>, vector<1x16xf32>,
        %get3A_664 = vector.shape_cast %get3A_663 : vector<1x16xf32> to vector<16xf32>
        %get3A_665 = arith.constant 0 : i32
        %get3A_666 = arith.constant 0 : i32
        %get3A_667 = tpu.memref_slice %arg8[%scan3A_152, %get3A_665, %get3A_666] : memref<2x128x128xf32, #tpu.memory_space<vmem>> -> memref<1x128x128xf32, #tpu.memory_space<vmem>>
        %get3A_668 = tpu.memref_squeeze %get3A_667 : memref<1x128x128xf32, #tpu.memory_space<vmem>> -> memref<128x128xf32, #tpu.memory_space<vmem>>
        %get3A_669 = arith.index_cast %add3A_554 : i32 to index
        %get3A_670 = arith.constant 112 : index
        %get3A_671 = tpu.vector_load %get3A_668[%get3A_669, %get3A_670] {strides = array<i32>} : memref<128x128xf32, #tpu.memory_space<vmem>>, vector<1x16xf32>,
        %get3A_672 = vector.shape_cast %get3A_671 : vector<1x16xf32> to vector<16xf32>
        %add3A_673 = arith.addf %get3A_664, %get3A_672 : vector<16xf32>
        %get3A_674 = arith.constant 0 : i32
        %get3A_675 = arith.constant 0 : i32
        %get3A_676 = tpu.memref_slice %arg9[%scan3A_153, %get3A_674, %get3A_675] : memref<2x128x128xf32, #tpu.memory_space<vmem>> -> memref<1x128x128xf32, #tpu.memory_space<vmem>>
        %get3A_677 = tpu.memref_squeeze %get3A_676 : memref<1x128x128xf32, #tpu.memory_space<vmem>> -> memref<128x128xf32, #tpu.memory_space<vmem>>
        %get3A_678 = arith.index_cast %add3A_554 : i32 to index
        %get3A_679 = arith.constant 48 : index
        %get3A_680 = tpu.vector_load %get3A_677[%get3A_678, %get3A_679] {strides = array<i32>} : memref<128x128xf32, #tpu.memory_space<vmem>>, vector<1x16xf32>,
        %get3A_681 = vector.shape_cast %get3A_680 : vector<1x16xf32> to vector<16xf32>
        %add3A_682 = arith.addf %add3A_673, %get3A_681 : vector<16xf32>
        %max3A_683 = arith.constant 0.000000e+00 : f32
        %max3A_684 = vector.broadcast %max3A_683 : f32 to vector<16xf32>
        %max3A_685 = arith.maximumf %add3A_682, %max3A_684 : vector<16xf32>
        %swap3A_686 = arith.index_cast %scan3A_550 : i32 to index
        %swap3A_687 = arith.constant 48 : index
        %swap3A_688 = tpu.vector_load %arg10[%swap3A_686, %swap3A_687] {strides = array<i32>} : memref<64x128xf32, #tpu.memory_space<vmem>>, vector<1x16xf32>,
        %swap3A_689 = vector.shape_cast %swap3A_688 : vector<1x16xf32> to vector<16xf32>
        %swap3A_690 = vector.shape_cast %max3A_685 : vector<16xf32> to vector<1x16xf32>
        tpu.vector_store %arg10[%swap3A_686, %swap3A_687], %swap3A_690 {strides = array<i32>} : memref<64x128xf32, #tpu.memory_space<vmem>>, vector<1x16xf32>,
        %mul3A_691 = arith.constant 2 : i32
        %mul3A_692 = arith.muli %mul3A_691, %scan3A_550 : i32
        %add3A_693 = arith.constant 1 : i32
        %add3A_694 = arith.addi %mul3A_692, %add3A_693 : i32
        %get3A_695 = arith.constant 0 : i32
        %get3A_696 = arith.constant 0 : i32
        %get3A_697 = tpu.memref_slice %arg7[%scan3A_151, %get3A_695, %get3A_696] : memref<2x128x128xf32, #tpu.memory_space<vmem>> -> memref<1x128x128xf32, #tpu.memory_space<vmem>>
        %get3A_698 = tpu.memref_squeeze %get3A_697 : memref<1x128x128xf32, #tpu.memory_space<vmem>> -> memref<128x128xf32, #tpu.memory_space<vmem>>
        %get3A_699 = arith.index_cast %add3A_694 : i32 to index
        %get3A_700 = arith.constant 0 : index
        %get3A_701 = tpu.vector_load %get3A_698[%get3A_699, %get3A_700] {strides = array<i32>} : memref<128x128xf32, #tpu.memory_space<vmem>>, vector<1x16xf32>,
        %get3A_702 = vector.shape_cast %get3A_701 : vector<1x16xf32> to vector<16xf32>
        %get3A_703 = arith.constant 0 : i32
        %get3A_704 = arith.constant 0 : i32
        %get3A_705 = tpu.memref_slice %arg8[%scan3A_152, %get3A_703, %get3A_704] : memref<2x128x128xf32, #tpu.memory_space<vmem>> -> memref<1x128x128xf32, #tpu.memory_space<vmem>>
        %get3A_706 = tpu.memref_squeeze %get3A_705 : memref<1x128x128xf32, #tpu.memory_space<vmem>> -> memref<128x128xf32, #tpu.memory_space<vmem>>
        %get3A_707 = arith.index_cast %add3A_694 : i32 to index
        %get3A_708 = arith.constant 64 : index
        %get3A_709 = tpu.vector_load %get3A_706[%get3A_707, %get3A_708] {strides = array<i32>} : memref<128x128xf32, #tpu.memory_space<vmem>>, vector<1x16xf32>,
        %get3A_710 = vector.shape_cast %get3A_709 : vector<1x16xf32> to vector<16xf32>
        %add3A_711 = arith.addf %get3A_702, %get3A_710 : vector<16xf32>
        %get3A_712 = arith.constant 0 : i32
        %get3A_713 = arith.constant 0 : i32
        %get3A_714 = tpu.memref_slice %arg9[%scan3A_153, %get3A_712, %get3A_713] : memref<2x128x128xf32, #tpu.memory_space<vmem>> -> memref<1x128x128xf32, #tpu.memory_space<vmem>>
        %get3A_715 = tpu.memref_squeeze %get3A_714 : memref<1x128x128xf32, #tpu.memory_space<vmem>> -> memref<128x128xf32, #tpu.memory_space<vmem>>
        %get3A_716 = arith.index_cast %add3A_694 : i32 to index
        %get3A_717 = arith.constant 0 : index
        %get3A_718 = tpu.vector_load %get3A_715[%get3A_716, %get3A_717] {strides = array<i32>} : memref<128x128xf32, #tpu.memory_space<vmem>>, vector<1x16xf32>,
        %get3A_719 = vector.shape_cast %get3A_718 : vector<1x16xf32> to vector<16xf32>
        %add3A_720 = arith.addf %add3A_711, %get3A_719 : vector<16xf32>
        %max3A_721 = arith.constant 0.000000e+00 : f32
        %max3A_722 = vector.broadcast %max3A_721 : f32 to vector<16xf32>
        %max3A_723 = arith.maximumf %add3A_720, %max3A_722 : vector<16xf32>
        %swap3A_724 = arith.index_cast %scan3A_550 : i32 to index
        %swap3A_725 = arith.constant 64 : index
        %swap3A_726 = tpu.vector_load %arg10[%swap3A_724, %swap3A_725] {strides = array<i32>} : memref<64x128xf32, #tpu.memory_space<vmem>>, vector<1x16xf32>,
        %swap3A_727 = vector.shape_cast %swap3A_726 : vector<1x16xf32> to vector<16xf32>
        %swap3A_728 = vector.shape_cast %max3A_723 : vector<16xf32> to vector<1x16xf32>
        tpu.vector_store %arg10[%swap3A_724, %swap3A_725], %swap3A_728 {strides = array<i32>} : memref<64x128xf32, #tpu.memory_space<vmem>>, vector<1x16xf32>,
        %get3A_729 = arith.constant 0 : i32
        %get3A_730 = arith.constant 0 : i32
        %get3A_731 = tpu.memref_slice %arg7[%scan3A_151, %get3A_729, %get3A_730] : memref<2x128x128xf32, #tpu.memory_space<vmem>> -> memref<1x128x128xf32, #tpu.memory_space<vmem>>
        %get3A_732 = tpu.memref_squeeze %get3A_731 : memref<1x128x128xf32, #tpu.memory_space<vmem>> -> memref<128x128xf32, #tpu.memory_space<vmem>>
        %get3A_733 = arith.index_cast %add3A_694 : i32 to index
        %get3A_734 = arith.constant 16 : index
        %get3A_735 = tpu.vector_load %get3A_732[%get3A_733, %get3A_734] {strides = array<i32>} : memref<128x128xf32, #tpu.memory_space<vmem>>, vector<1x16xf32>,
        %get3A_736 = vector.shape_cast %get3A_735 : vector<1x16xf32> to vector<16xf32>
        %get3A_737 = arith.constant 0 : i32
        %get3A_738 = arith.constant 0 : i32
        %get3A_739 = tpu.memref_slice %arg8[%scan3A_152, %get3A_737, %get3A_738] : memref<2x128x128xf32, #tpu.memory_space<vmem>> -> memref<1x128x128xf32, #tpu.memory_space<vmem>>
        %get3A_740 = tpu.memref_squeeze %get3A_739 : memref<1x128x128xf32, #tpu.memory_space<vmem>> -> memref<128x128xf32, #tpu.memory_space<vmem>>
        %get3A_741 = arith.index_cast %add3A_694 : i32 to index
        %get3A_742 = arith.constant 80 : index
        %get3A_743 = tpu.vector_load %get3A_740[%get3A_741, %get3A_742] {strides = array<i32>} : memref<128x128xf32, #tpu.memory_space<vmem>>, vector<1x16xf32>,
        %get3A_744 = vector.shape_cast %get3A_743 : vector<1x16xf32> to vector<16xf32>
        %add3A_745 = arith.addf %get3A_736, %get3A_744 : vector<16xf32>
        %get3A_746 = arith.constant 0 : i32
        %get3A_747 = arith.constant 0 : i32
        %get3A_748 = tpu.memref_slice %arg9[%scan3A_153, %get3A_746, %get3A_747] : memref<2x128x128xf32, #tpu.memory_space<vmem>> -> memref<1x128x128xf32, #tpu.memory_space<vmem>>
        %get3A_749 = tpu.memref_squeeze %get3A_748 : memref<1x128x128xf32, #tpu.memory_space<vmem>> -> memref<128x128xf32, #tpu.memory_space<vmem>>
        %get3A_750 = arith.index_cast %add3A_694 : i32 to index
        %get3A_751 = arith.constant 16 : index
        %get3A_752 = tpu.vector_load %get3A_749[%get3A_750, %get3A_751] {strides = array<i32>} : memref<128x128xf32, #tpu.memory_space<vmem>>, vector<1x16xf32>,
        %get3A_753 = vector.shape_cast %get3A_752 : vector<1x16xf32> to vector<16xf32>
        %add3A_754 = arith.addf %add3A_745, %get3A_753 : vector<16xf32>
        %max3A_755 = arith.constant 0.000000e+00 : f32
        %max3A_756 = vector.broadcast %max3A_755 : f32 to vector<16xf32>
        %max3A_757 = arith.maximumf %add3A_754, %max3A_756 : vector<16xf32>
        %swap3A_758 = arith.index_cast %scan3A_550 : i32 to index
        %swap3A_759 = arith.constant 80 : index
        %swap3A_760 = tpu.vector_load %arg10[%swap3A_758, %swap3A_759] {strides = array<i32>} : memref<64x128xf32, #tpu.memory_space<vmem>>, vector<1x16xf32>,
        %swap3A_761 = vector.shape_cast %swap3A_760 : vector<1x16xf32> to vector<16xf32>
        %swap3A_762 = vector.shape_cast %max3A_757 : vector<16xf32> to vector<1x16xf32>
        tpu.vector_store %arg10[%swap3A_758, %swap3A_759], %swap3A_762 {strides = array<i32>} : memref<64x128xf32, #tpu.memory_space<vmem>>, vector<1x16xf32>,
        %get3A_763 = arith.constant 0 : i32
        %get3A_764 = arith.constant 0 : i32
        %get3A_765 = tpu.memref_slice %arg7[%scan3A_151, %get3A_763, %get3A_764] : memref<2x128x128xf32, #tpu.memory_space<vmem>> -> memref<1x128x128xf32, #tpu.memory_space<vmem>>
        %get3A_766 = tpu.memref_squeeze %get3A_765 : memref<1x128x128xf32, #tpu.memory_space<vmem>> -> memref<128x128xf32, #tpu.memory_space<vmem>>
        %get3A_767 = arith.index_cast %add3A_694 : i32 to index
        %get3A_768 = arith.constant 32 : index
        %get3A_769 = tpu.vector_load %get3A_766[%get3A_767, %get3A_768] {strides = array<i32>} : memref<128x128xf32, #tpu.memory_space<vmem>>, vector<1x16xf32>,
        %get3A_770 = vector.shape_cast %get3A_769 : vector<1x16xf32> to vector<16xf32>
        %get3A_771 = arith.constant 0 : i32
        %get3A_772 = arith.constant 0 : i32
        %get3A_773 = tpu.memref_slice %arg8[%scan3A_152, %get3A_771, %get3A_772] : memref<2x128x128xf32, #tpu.memory_space<vmem>> -> memref<1x128x128xf32, #tpu.memory_space<vmem>>
        %get3A_774 = tpu.memref_squeeze %get3A_773 : memref<1x128x128xf32, #tpu.memory_space<vmem>> -> memref<128x128xf32, #tpu.memory_space<vmem>>
        %get3A_775 = arith.index_cast %add3A_694 : i32 to index
        %get3A_776 = arith.constant 96 : index
        %get3A_777 = tpu.vector_load %get3A_774[%get3A_775, %get3A_776] {strides = array<i32>} : memref<128x128xf32, #tpu.memory_space<vmem>>, vector<1x16xf32>,
        %get3A_778 = vector.shape_cast %get3A_777 : vector<1x16xf32> to vector<16xf32>
        %add3A_779 = arith.addf %get3A_770, %get3A_778 : vector<16xf32>
        %get3A_780 = arith.constant 0 : i32
        %get3A_781 = arith.constant 0 : i32
        %get3A_782 = tpu.memref_slice %arg9[%scan3A_153, %get3A_780, %get3A_781] : memref<2x128x128xf32, #tpu.memory_space<vmem>> -> memref<1x128x128xf32, #tpu.memory_space<vmem>>
        %get3A_783 = tpu.memref_squeeze %get3A_782 : memref<1x128x128xf32, #tpu.memory_space<vmem>> -> memref<128x128xf32, #tpu.memory_space<vmem>>
        %get3A_784 = arith.index_cast %add3A_694 : i32 to index
        %get3A_785 = arith.constant 32 : index
        %get3A_786 = tpu.vector_load %get3A_783[%get3A_784, %get3A_785] {strides = array<i32>} : memref<128x128xf32, #tpu.memory_space<vmem>>, vector<1x16xf32>,
        %get3A_787 = vector.shape_cast %get3A_786 : vector<1x16xf32> to vector<16xf32>
        %add3A_788 = arith.addf %add3A_779, %get3A_787 : vector<16xf32>
        %max3A_789 = arith.constant 0.000000e+00 : f32
        %max3A_790 = vector.broadcast %max3A_789 : f32 to vector<16xf32>
        %max3A_791 = arith.maximumf %add3A_788, %max3A_790 : vector<16xf32>
        %swap3A_792 = arith.index_cast %scan3A_550 : i32 to index
        %swap3A_793 = arith.constant 96 : index
        %swap3A_794 = tpu.vector_load %arg10[%swap3A_792, %swap3A_793] {strides = array<i32>} : memref<64x128xf32, #tpu.memory_space<vmem>>, vector<1x16xf32>,
        %swap3A_795 = vector.shape_cast %swap3A_794 : vector<1x16xf32> to vector<16xf32>
        %swap3A_796 = vector.shape_cast %max3A_791 : vector<16xf32> to vector<1x16xf32>
        tpu.vector_store %arg10[%swap3A_792, %swap3A_793], %swap3A_796 {strides = array<i32>} : memref<64x128xf32, #tpu.memory_space<vmem>>, vector<1x16xf32>,
        %get3A_797 = arith.constant 0 : i32
        %get3A_798 = arith.constant 0 : i32
        %get3A_799 = tpu.memref_slice %arg7[%scan3A_151, %get3A_797, %get3A_798] : memref<2x128x128xf32, #tpu.memory_space<vmem>> -> memref<1x128x128xf32, #tpu.memory_space<vmem>>
        %get3A_800 = tpu.memref_squeeze %get3A_799 : memref<1x128x128xf32, #tpu.memory_space<vmem>> -> memref<128x128xf32, #tpu.memory_space<vmem>>
        %get3A_801 = arith.index_cast %add3A_694 : i32 to index
        %get3A_802 = arith.constant 48 : index
        %get3A_803 = tpu.vector_load %get3A_800[%get3A_801, %get3A_802] {strides = array<i32>} : memref<128x128xf32, #tpu.memory_space<vmem>>, vector<1x16xf32>,
        %get3A_804 = vector.shape_cast %get3A_803 : vector<1x16xf32> to vector<16xf32>
        %get3A_805 = arith.constant 0 : i32
        %get3A_806 = arith.constant 0 : i32
        %get3A_807 = tpu.memref_slice %arg8[%scan3A_152, %get3A_805, %get3A_806] : memref<2x128x128xf32, #tpu.memory_space<vmem>> -> memref<1x128x128xf32, #tpu.memory_space<vmem>>
        %get3A_808 = tpu.memref_squeeze %get3A_807 : memref<1x128x128xf32, #tpu.memory_space<vmem>> -> memref<128x128xf32, #tpu.memory_space<vmem>>
        %get3A_809 = arith.index_cast %add3A_694 : i32 to index
        %get3A_810 = arith.constant 112 : index
        %get3A_811 = tpu.vector_load %get3A_808[%get3A_809, %get3A_810] {strides = array<i32>} : memref<128x128xf32, #tpu.memory_space<vmem>>, vector<1x16xf32>,
        %get3A_812 = vector.shape_cast %get3A_811 : vector<1x16xf32> to vector<16xf32>
        %add3A_813 = arith.addf %get3A_804, %get3A_812 : vector<16xf32>
        %get3A_814 = arith.constant 0 : i32
        %get3A_815 = arith.constant 0 : i32
        %get3A_816 = tpu.memref_slice %arg9[%scan3A_153, %get3A_814, %get3A_815] : memref<2x128x128xf32, #tpu.memory_space<vmem>> -> memref<1x128x128xf32, #tpu.memory_space<vmem>>
        %get3A_817 = tpu.memref_squeeze %get3A_816 : memref<1x128x128xf32, #tpu.memory_space<vmem>> -> memref<128x128xf32, #tpu.memory_space<vmem>>
        %get3A_818 = arith.index_cast %add3A_694 : i32 to index
        %get3A_819 = arith.constant 48 : index
        %get3A_820 = tpu.vector_load %get3A_817[%get3A_818, %get3A_819] {strides = array<i32>} : memref<128x128xf32, #tpu.memory_space<vmem>>, vector<1x16xf32>,
        %get3A_821 = vector.shape_cast %get3A_820 : vector<1x16xf32> to vector<16xf32>
        %add3A_822 = arith.addf %add3A_813, %get3A_821 : vector<16xf32>
        %max3A_823 = arith.constant 0.000000e+00 : f32
        %max3A_824 = vector.broadcast %max3A_823 : f32 to vector<16xf32>
        %max3A_825 = arith.maximumf %add3A_822, %max3A_824 : vector<16xf32>
        %swap3A_826 = arith.index_cast %scan3A_550 : i32 to index
        %swap3A_827 = arith.constant 112 : index
        %swap3A_828 = tpu.vector_load %arg10[%swap3A_826, %swap3A_827] {strides = array<i32>} : memref<64x128xf32, #tpu.memory_space<vmem>>, vector<1x16xf32>,
        %swap3A_829 = vector.shape_cast %swap3A_828 : vector<1x16xf32> to vector<16xf32>
        %swap3A_830 = vector.shape_cast %max3A_825 : vector<16xf32> to vector<1x16xf32>
        tpu.vector_store %arg10[%swap3A_826, %swap3A_827], %swap3A_830 {strides = array<i32>} : memref<64x128xf32, #tpu.memory_space<vmem>>, vector<1x16xf32>,
        %scan3A_831 = arith.constant 0 : i32
        scf.yield %scan3A_831 : i32
      }
      %scan3A_160 = arith.constant 64 : i32
      %mul3A_161 = arith.constant 128 : i32
      %mul3A_162 = arith.muli %mul3A_112, %mul3A_161 : i32
      %add3A_163 = arith.addi %mul3A_2, %mul3A_162 : i32
      %multiple_of3A_164 = tpu.assume_multiple %add3A_163, 128 : i32
      %jit3A = arith.constant 2 : i32
      %div3A = arith.divsi %multiple_of3A_164, %jit3A : i32
      %sign3A = arith.constant 0 : i32
      %sign3A_165 = arith.cmpi sgt, %multiple_of3A_164, %sign3A : i32
      %sign3A_166 = arith.extui %sign3A_165 : i1 to i32
      %sign3A_167 = arith.constant 0 : i32
      %sign3A_168 = arith.cmpi slt, %multiple_of3A_164, %sign3A_167 : i32
      %sign3A_169 = arith.extui %sign3A_168 : i1 to i32
      %sign3A_170 = arith.subi %sign3A_166, %sign3A_169 : i32
      %sign3A_171 = arith.constant 0 : i32
      %sign3A_172 = arith.cmpi sgt, %jit3A, %sign3A_171 : i32
      %sign3A_173 = arith.extui %sign3A_172 : i1 to i32
      %sign3A_174 = arith.constant 0 : i32
      %sign3A_175 = arith.cmpi slt, %jit3A, %sign3A_174 : i32
      %sign3A_176 = arith.extui %sign3A_175 : i1 to i32
      %sign3A_177 = arith.subi %sign3A_173, %sign3A_176 : i32
      %ne3A = arith.cmpi ne, %sign3A_170, %sign3A_177 : i32
      %rem3A = arith.remsi %multiple_of3A_164, %jit3A : i32
      %ne3A_178 = arith.constant 0 : i32
      %ne3A_179 = arith.cmpi ne, %rem3A, %ne3A_178 : i32
      %and3A = arith.andi %ne3A, %ne3A_179 : i1
      %sub3A = arith.constant 1 : i32
      %sub3A_180 = arith.subi %div3A, %sub3A : i32
      %select_n3A = arith.select %and3A, %sub3A_180, %div3A : i32
      %multiple_of3A_181 = tpu.assume_multiple %select_n3A, 64 : i32
      "tpu.region"() ({
        %run_scoped3A = tpu.sem_alloc : memref<!tpu.dma_semaphore, #tpu.memory_space<semaphore_mem>>
        %dma_start3A_269 = arith.constant 0 : i32
        %dma_start3A_270 = tpu.memref_slice %arg5[%multiple_of3A_181, %dma_start3A_269] : memref<102400x128xf32, #tpu.memory_space<hbm>> -> memref<64x128xf32, #tpu.memory_space<hbm>>
        %dma_start3A_271 = arith.constant 0 : i32
        %dma_start3A_272 = tpu.memref_slice %arg5[%multiple_of3A_181, %dma_start3A_271] : memref<102400x128xf32, #tpu.memory_space<hbm>> -> memref<64x128xf32, #tpu.memory_space<hbm>>
        tpu.enqueue_dma source(%arg10 : memref<64x128xf32, #tpu.memory_space<vmem>>) target(%dma_start3A_272 : memref<64x128xf32, #tpu.memory_space<hbm>>) target_semaphore(%run_scoped3A : memref<!tpu.dma_semaphore, #tpu.memory_space<semaphore_mem>>)
        %dma_wait3A_273 = arith.constant 0 : i32
        %dma_wait3A_274 = tpu.memref_slice %arg5[%multiple_of3A_181, %dma_wait3A_273] : memref<102400x128xf32, #tpu.memory_space<hbm>> -> memref<64x128xf32, #tpu.memory_space<hbm>>
        %dma_wait3A_275 = arith.constant 0 : i32
        %dma_wait3A_276 = tpu.memref_slice %arg5[%multiple_of3A_181, %dma_wait3A_275] : memref<102400x128xf32, #tpu.memory_space<hbm>> -> memref<64x128xf32, #tpu.memory_space<hbm>>
        tpu.wait_dma2 semaphore(%run_scoped3A : memref<!tpu.dma_semaphore, #tpu.memory_space<semaphore_mem>>) src(%arg10 : memref<64x128xf32, #tpu.memory_space<vmem>>) dst(%dma_wait3A_276 : memref<64x128xf32, #tpu.memory_space<hbm>>)
        tpu.yield
      }) : () -> ()
      %add3A_182 = arith.constant 1 : i32
      %add3A_183 = arith.addi %scan3A_60, %add3A_182 : i32
      %lt3A = arith.constant 25 : i32
      %lt3A_184 = arith.cmpi slt, %add3A_183, %lt3A : i32
      %convert_element_type3A = arith.extui %lt3A_184 : i1 to i32
      %cond3A = arith.constant 0 : i32
      %cond3A_185 = arith.cmpi ne, %convert_element_type3A, %cond3A : i32
      scf.if %cond3A_185 {
        %mul3A_269 = arith.constant 2 : i32
        %mul3A_270 = arith.muli %mul3A_269, %scan3A_60 : i32
        %add3A_271 = arith.constant 2 : i32
        %add3A_272 = arith.addi %mul3A_270, %add3A_271 : i32
        %mul3A_273 = arith.constant 128 : i32
        %mul3A_274 = arith.muli %add3A_272, %mul3A_273 : i32
        %multiple_of3A_275 = tpu.assume_multiple %mul3A_274, 128 : i32
        %add3A_276 = arith.constant 0 : i32
        %add3A_277 = arith.addi %add3A_276, %multiple_of3A_275 : i32
        %dma_start3A_278 = arith.constant 0 : i32
        %dma_start3A_279 = arith.constant 0 : i32
        %dma_start3A_280 = arith.constant 0 : i32
        %dma_start3A_281 = arith.constant 0 : i32
        %dma_start3A_282 = tpu.memref_slice %arg7[%dma_start3A_278, %dma_start3A_280, %dma_start3A_281] : memref<2x128x128xf32, #tpu.memory_space<vmem>> -> memref<1x128x128xf32, #tpu.memory_space<vmem>>
        %dma_start3A_283 = tpu.memref_squeeze %dma_start3A_282 : memref<1x128x128xf32, #tpu.memory_space<vmem>> -> memref<128x128xf32, #tpu.memory_space<vmem>>
        %dma_start3A_284 = tpu.memref_slice %arg6[%add3A_277] : memref<19200xi32, #tpu.memory_space<vmem>> -> memref<128xi32, #tpu.memory_space<vmem>>
        %dma_start3A_285 = arith.constant 0 : i32
        %dma_start3A_286 = arith.constant 0 : i32
        %dma_start3A_287 = tpu.memref_slice %arg2[%dma_start3A_285, %dma_start3A_286] : memref<100000x128xf32, #tpu.memory_space<hbm>> -> memref<100000x128xf32, #tpu.memory_space<hbm>>
        %dma_start3A_288 = tpu.memref_slice %arg11[%dma_start3A_279] : memref<2x!tpu.dma_semaphore, #tpu.memory_space<semaphore_mem>> -> memref<1x!tpu.dma_semaphore, #tpu.memory_space<semaphore_mem>>
        %dma_start3A_289 = tpu.memref_squeeze %dma_start3A_288 : memref<1x!tpu.dma_semaphore, #tpu.memory_space<semaphore_mem>> -> memref<!tpu.dma_semaphore, #tpu.memory_space<semaphore_mem>>
        tpu.enqueue_indirect_dma source(%dma_start3A_287 : memref<100000x128xf32, #tpu.memory_space<hbm>>) target(%dma_start3A_283 : memref<128x128xf32, #tpu.memory_space<vmem>>) offsets(%dma_start3A_284 : memref<128xi32, #tpu.memory_space<vmem>>) semaphore(%dma_start3A_289 : memref<!tpu.dma_semaphore, #tpu.memory_space<semaphore_mem>>)
        %add3A_290 = arith.constant 6400 : i32
        %add3A_291 = arith.addi %add3A_290, %multiple_of3A_275 : i32
        %dma_start3A_292 = arith.constant 0 : i32
        %dma_start3A_293 = arith.constant 0 : i32
        %dma_start3A_294 = arith.constant 0 : i32
        %dma_start3A_295 = arith.constant 0 : i32
        %dma_start3A_296 = tpu.memref_slice %arg8[%dma_start3A_292, %dma_start3A_294, %dma_start3A_295] : memref<2x128x128xf32, #tpu.memory_space<vmem>> -> memref<1x128x128xf32, #tpu.memory_space<vmem>>
        %dma_start3A_297 = tpu.memref_squeeze %dma_start3A_296 : memref<1x128x128xf32, #tpu.memory_space<vmem>> -> memref<128x128xf32, #tpu.memory_space<vmem>>
        %dma_start3A_298 = tpu.memref_slice %arg6[%add3A_291] : memref<19200xi32, #tpu.memory_space<vmem>> -> memref<128xi32, #tpu.memory_space<vmem>>
        %dma_start3A_299 = arith.constant 0 : i32
        %dma_start3A_300 = arith.constant 0 : i32
        %dma_start3A_301 = tpu.memref_slice %arg2[%dma_start3A_299, %dma_start3A_300] : memref<100000x128xf32, #tpu.memory_space<hbm>> -> memref<100000x128xf32, #tpu.memory_space<hbm>>
        %dma_start3A_302 = tpu.memref_slice %arg11[%dma_start3A_293] : memref<2x!tpu.dma_semaphore, #tpu.memory_space<semaphore_mem>> -> memref<1x!tpu.dma_semaphore, #tpu.memory_space<semaphore_mem>>
        %dma_start3A_303 = tpu.memref_squeeze %dma_start3A_302 : memref<1x!tpu.dma_semaphore, #tpu.memory_space<semaphore_mem>> -> memref<!tpu.dma_semaphore, #tpu.memory_space<semaphore_mem>>
        tpu.enqueue_indirect_dma source(%dma_start3A_301 : memref<100000x128xf32, #tpu.memory_space<hbm>>) target(%dma_start3A_297 : memref<128x128xf32, #tpu.memory_space<vmem>>) offsets(%dma_start3A_298 : memref<128xi32, #tpu.memory_space<vmem>>) semaphore(%dma_start3A_303 : memref<!tpu.dma_semaphore, #tpu.memory_space<semaphore_mem>>)
        %add3A_304 = arith.constant 12800 : i32
        %add3A_305 = arith.addi %add3A_304, %multiple_of3A_275 : i32
        %dma_start3A_306 = arith.constant 0 : i32
        %dma_start3A_307 = arith.constant 0 : i32
        %dma_start3A_308 = arith.constant 0 : i32
        %dma_start3A_309 = arith.constant 0 : i32
        %dma_start3A_310 = tpu.memref_slice %arg9[%dma_start3A_306, %dma_start3A_308, %dma_start3A_309] : memref<2x128x128xf32, #tpu.memory_space<vmem>> -> memref<1x128x128xf32, #tpu.memory_space<vmem>>
        %dma_start3A_311 = tpu.memref_squeeze %dma_start3A_310 : memref<1x128x128xf32, #tpu.memory_space<vmem>> -> memref<128x128xf32, #tpu.memory_space<vmem>>
        %dma_start3A_312 = tpu.memref_slice %arg6[%add3A_305] : memref<19200xi32, #tpu.memory_space<vmem>> -> memref<128xi32, #tpu.memory_space<vmem>>
        %dma_start3A_313 = arith.constant 0 : i32
        %dma_start3A_314 = arith.constant 0 : i32
        %dma_start3A_315 = tpu.memref_slice %arg3[%dma_start3A_313, %dma_start3A_314] : memref<100000x128xf32, #tpu.memory_space<hbm>> -> memref<100000x128xf32, #tpu.memory_space<hbm>>
        %dma_start3A_316 = tpu.memref_slice %arg11[%dma_start3A_307] : memref<2x!tpu.dma_semaphore, #tpu.memory_space<semaphore_mem>> -> memref<1x!tpu.dma_semaphore, #tpu.memory_space<semaphore_mem>>
        %dma_start3A_317 = tpu.memref_squeeze %dma_start3A_316 : memref<1x!tpu.dma_semaphore, #tpu.memory_space<semaphore_mem>> -> memref<!tpu.dma_semaphore, #tpu.memory_space<semaphore_mem>>
        tpu.enqueue_indirect_dma source(%dma_start3A_315 : memref<100000x128xf32, #tpu.memory_space<hbm>>) target(%dma_start3A_311 : memref<128x128xf32, #tpu.memory_space<vmem>>) offsets(%dma_start3A_312 : memref<128xi32, #tpu.memory_space<vmem>>) semaphore(%dma_start3A_317 : memref<!tpu.dma_semaphore, #tpu.memory_space<semaphore_mem>>)
      } else {
      }
      %mul3A_186 = arith.constant 2 : i32
      %mul3A_187 = arith.muli %mul3A_186, %scan3A_60 : i32
      %add3A_188 = arith.constant 1 : i32
      %add3A_189 = arith.addi %mul3A_187, %add3A_188 : i32
      %dma_wait3A_190 = arith.constant 1 : i32
      %dma_wait3A_191 = arith.constant 1 : i32
      %dma_wait3A_192 = arith.constant 0 : i32
      %dma_wait3A_193 = arith.constant 0 : i32
      %dma_wait3A_194 = tpu.memref_slice %arg7[%dma_wait3A_190, %dma_wait3A_192, %dma_wait3A_193] : memref<2x128x128xf32, #tpu.memory_space<vmem>> -> memref<1x128x128xf32, #tpu.memory_space<vmem>>
      %dma_wait3A_195 = tpu.memref_squeeze %dma_wait3A_194 : memref<1x128x128xf32, #tpu.memory_space<vmem>> -> memref<128x128xf32, #tpu.memory_space<vmem>>
      %dma_wait3A_196 = arith.constant 0 : i32
      %dma_wait3A_197 = tpu.memref_slice %arg6[%dma_wait3A_196] : memref<19200xi32, #tpu.memory_space<vmem>> -> memref<128xi32, #tpu.memory_space<vmem>>
      %dma_wait3A_198 = arith.constant 0 : i32
      %dma_wait3A_199 = arith.constant 0 : i32
      %dma_wait3A_200 = tpu.memref_slice %arg2[%dma_wait3A_198, %dma_wait3A_199] : memref<100000x128xf32, #tpu.memory_space<hbm>> -> memref<100000x128xf32, #tpu.memory_space<hbm>>
      %dma_wait3A_201 = tpu.memref_slice %arg11[%dma_wait3A_191] : memref<2x!tpu.dma_semaphore, #tpu.memory_space<semaphore_mem>> -> memref<1x!tpu.dma_semaphore, #tpu.memory_space<semaphore_mem>>
      %dma_wait3A_202 = tpu.memref_squeeze %dma_wait3A_201 : memref<1x!tpu.dma_semaphore, #tpu.memory_space<semaphore_mem>> -> memref<!tpu.dma_semaphore, #tpu.memory_space<semaphore_mem>>
      tpu.wait_indirect_dma semaphore(%dma_wait3A_202 : memref<!tpu.dma_semaphore, #tpu.memory_space<semaphore_mem>>) src(%dma_wait3A_200 : memref<100000x128xf32, #tpu.memory_space<hbm>>) dst(%dma_wait3A_195 : memref<128x128xf32, #tpu.memory_space<vmem>>)
      %dma_wait3A_203 = arith.constant 1 : i32
      %dma_wait3A_204 = arith.constant 1 : i32
      %dma_wait3A_205 = arith.constant 0 : i32
      %dma_wait3A_206 = arith.constant 0 : i32
      %dma_wait3A_207 = tpu.memref_slice %arg8[%dma_wait3A_203, %dma_wait3A_205, %dma_wait3A_206] : memref<2x128x128xf32, #tpu.memory_space<vmem>> -> memref<1x128x128xf32, #tpu.memory_space<vmem>>
      %dma_wait3A_208 = tpu.memref_squeeze %dma_wait3A_207 : memref<1x128x128xf32, #tpu.memory_space<vmem>> -> memref<128x128xf32, #tpu.memory_space<vmem>>
      %dma_wait3A_209 = arith.constant 0 : i32
      %dma_wait3A_210 = tpu.memref_slice %arg6[%dma_wait3A_209] : memref<19200xi32, #tpu.memory_space<vmem>> -> memref<128xi32, #tpu.memory_space<vmem>>
      %dma_wait3A_211 = arith.constant 0 : i32
      %dma_wait3A_212 = arith.constant 0 : i32
      %dma_wait3A_213 = tpu.memref_slice %arg2[%dma_wait3A_211, %dma_wait3A_212] : memref<100000x128xf32, #tpu.memory_space<hbm>> -> memref<100000x128xf32, #tpu.memory_space<hbm>>
      %dma_wait3A_214 = tpu.memref_slice %arg11[%dma_wait3A_204] : memref<2x!tpu.dma_semaphore, #tpu.memory_space<semaphore_mem>> -> memref<1x!tpu.dma_semaphore, #tpu.memory_space<semaphore_mem>>
      %dma_wait3A_215 = tpu.memref_squeeze %dma_wait3A_214 : memref<1x!tpu.dma_semaphore, #tpu.memory_space<semaphore_mem>> -> memref<!tpu.dma_semaphore, #tpu.memory_space<semaphore_mem>>
      tpu.wait_indirect_dma semaphore(%dma_wait3A_215 : memref<!tpu.dma_semaphore, #tpu.memory_space<semaphore_mem>>) src(%dma_wait3A_213 : memref<100000x128xf32, #tpu.memory_space<hbm>>) dst(%dma_wait3A_208 : memref<128x128xf32, #tpu.memory_space<vmem>>)
      %dma_wait3A_216 = arith.constant 1 : i32
      %dma_wait3A_217 = arith.constant 1 : i32
      %dma_wait3A_218 = arith.constant 0 : i32
      %dma_wait3A_219 = arith.constant 0 : i32
      %dma_wait3A_220 = tpu.memref_slice %arg9[%dma_wait3A_216, %dma_wait3A_218, %dma_wait3A_219] : memref<2x128x128xf32, #tpu.memory_space<vmem>> -> memref<1x128x128xf32, #tpu.memory_space<vmem>>
      %dma_wait3A_221 = tpu.memref_squeeze %dma_wait3A_220 : memref<1x128x128xf32, #tpu.memory_space<vmem>> -> memref<128x128xf32, #tpu.memory_space<vmem>>
      %dma_wait3A_222 = arith.constant 0 : i32
      %dma_wait3A_223 = tpu.memref_slice %arg6[%dma_wait3A_222] : memref<19200xi32, #tpu.memory_space<vmem>> -> memref<128xi32, #tpu.memory_space<vmem>>
      %dma_wait3A_224 = arith.constant 0 : i32
      %dma_wait3A_225 = arith.constant 0 : i32
      %dma_wait3A_226 = tpu.memref_slice %arg2[%dma_wait3A_224, %dma_wait3A_225] : memref<100000x128xf32, #tpu.memory_space<hbm>> -> memref<100000x128xf32, #tpu.memory_space<hbm>>
      %dma_wait3A_227 = tpu.memref_slice %arg11[%dma_wait3A_217] : memref<2x!tpu.dma_semaphore, #tpu.memory_space<semaphore_mem>> -> memref<1x!tpu.dma_semaphore, #tpu.memory_space<semaphore_mem>>
      %dma_wait3A_228 = tpu.memref_squeeze %dma_wait3A_227 : memref<1x!tpu.dma_semaphore, #tpu.memory_space<semaphore_mem>> -> memref<!tpu.dma_semaphore, #tpu.memory_space<semaphore_mem>>
      tpu.wait_indirect_dma semaphore(%dma_wait3A_228 : memref<!tpu.dma_semaphore, #tpu.memory_space<semaphore_mem>>) src(%dma_wait3A_226 : memref<100000x128xf32, #tpu.memory_space<hbm>>) dst(%dma_wait3A_221 : memref<128x128xf32, #tpu.memory_space<vmem>>)
      %scan3A_229 = arith.constant 1 : i32
      %scan3A_230 = arith.constant 1 : i32
      %scan3A_231 = arith.constant 1 : i32
      %scan3A_232 = arith.constant 0 : i32
      %scan3A_233 = arith.constant 0 : i32
      %scan3A_234 = arith.constant 64 : i32
      %scan3A_235 = arith.addi %scan3A_233, %scan3A_234 : i32
      %scan3A_236 = arith.constant 2 : i32
      %scan3A_237 = scf.for %scan3A_269 = %scan3A_233 to %scan3A_235 step %scan3A_236 iter_args(%scan3A_270 = %scan3A_232) -> (i32)  : i32 {
        %mul3A_271 = arith.constant 2 : i32
        %mul3A_272 = arith.muli %mul3A_271, %scan3A_269 : i32
        %add3A_273 = arith.constant 0 : i32
        %add3A_274 = arith.addi %mul3A_272, %add3A_273 : i32
        %get3A = arith.constant 0 : i32
        %get3A_275 = arith.constant 0 : i32
        %get3A_276 = tpu.memref_slice %arg7[%scan3A_229, %get3A, %get3A_275] : memref<2x128x128xf32, #tpu.memory_space<vmem>> -> memref<1x128x128xf32, #tpu.memory_space<vmem>>
        %get3A_277 = tpu.memref_squeeze %get3A_276 : memref<1x128x128xf32, #tpu.memory_space<vmem>> -> memref<128x128xf32, #tpu.memory_space<vmem>>
        %get3A_278 = arith.index_cast %add3A_274 : i32 to index
        %get3A_279 = arith.constant 0 : index
        %get3A_280 = tpu.vector_load %get3A_277[%get3A_278, %get3A_279] {strides = array<i32>} : memref<128x128xf32, #tpu.memory_space<vmem>>, vector<1x16xf32>,
        %get3A_281 = vector.shape_cast %get3A_280 : vector<1x16xf32> to vector<16xf32>
        %get3A_282 = arith.constant 0 : i32
        %get3A_283 = arith.constant 0 : i32
        %get3A_284 = tpu.memref_slice %arg8[%scan3A_230, %get3A_282, %get3A_283] : memref<2x128x128xf32, #tpu.memory_space<vmem>> -> memref<1x128x128xf32, #tpu.memory_space<vmem>>
        %get3A_285 = tpu.memref_squeeze %get3A_284 : memref<1x128x128xf32, #tpu.memory_space<vmem>> -> memref<128x128xf32, #tpu.memory_space<vmem>>
        %get3A_286 = arith.index_cast %add3A_274 : i32 to index
        %get3A_287 = arith.constant 64 : index
        %get3A_288 = tpu.vector_load %get3A_285[%get3A_286, %get3A_287] {strides = array<i32>} : memref<128x128xf32, #tpu.memory_space<vmem>>, vector<1x16xf32>,
        %get3A_289 = vector.shape_cast %get3A_288 : vector<1x16xf32> to vector<16xf32>
        %add3A_290 = arith.addf %get3A_281, %get3A_289 : vector<16xf32>
        %get3A_291 = arith.constant 0 : i32
        %get3A_292 = arith.constant 0 : i32
        %get3A_293 = tpu.memref_slice %arg9[%scan3A_231, %get3A_291, %get3A_292] : memref<2x128x128xf32, #tpu.memory_space<vmem>> -> memref<1x128x128xf32, #tpu.memory_space<vmem>>
        %get3A_294 = tpu.memref_squeeze %get3A_293 : memref<1x128x128xf32, #tpu.memory_space<vmem>> -> memref<128x128xf32, #tpu.memory_space<vmem>>
        %get3A_295 = arith.index_cast %add3A_274 : i32 to index
        %get3A_296 = arith.constant 0 : index
        %get3A_297 = tpu.vector_load %get3A_294[%get3A_295, %get3A_296] {strides = array<i32>} : memref<128x128xf32, #tpu.memory_space<vmem>>, vector<1x16xf32>,
        %get3A_298 = vector.shape_cast %get3A_297 : vector<1x16xf32> to vector<16xf32>
        %add3A_299 = arith.addf %add3A_290, %get3A_298 : vector<16xf32>
        %max3A = arith.constant 0.000000e+00 : f32
        %max3A_300 = vector.broadcast %max3A : f32 to vector<16xf32>
        %max3A_301 = arith.maximumf %add3A_299, %max3A_300 : vector<16xf32>
        %swap3A = arith.index_cast %scan3A_269 : i32 to index
        %swap3A_302 = arith.constant 0 : index
        %swap3A_303 = tpu.vector_load %arg10[%swap3A, %swap3A_302] {strides = array<i32>} : memref<64x128xf32, #tpu.memory_space<vmem>>, vector<1x16xf32>,
        %swap3A_304 = vector.shape_cast %swap3A_303 : vector<1x16xf32> to vector<16xf32>
        %swap3A_305 = vector.shape_cast %max3A_301 : vector<16xf32> to vector<1x16xf32>
        tpu.vector_store %arg10[%swap3A, %swap3A_302], %swap3A_305 {strides = array<i32>} : memref<64x128xf32, #tpu.memory_space<vmem>>, vector<1x16xf32>,
        %get3A_306 = arith.constant 0 : i32
        %get3A_307 = arith.constant 0 : i32
        %get3A_308 = tpu.memref_slice %arg7[%scan3A_229, %get3A_306, %get3A_307] : memref<2x128x128xf32, #tpu.memory_space<vmem>> -> memref<1x128x128xf32, #tpu.memory_space<vmem>>
        %get3A_309 = tpu.memref_squeeze %get3A_308 : memref<1x128x128xf32, #tpu.memory_space<vmem>> -> memref<128x128xf32, #tpu.memory_space<vmem>>
        %get3A_310 = arith.index_cast %add3A_274 : i32 to index
        %get3A_311 = arith.constant 16 : index
        %get3A_312 = tpu.vector_load %get3A_309[%get3A_310, %get3A_311] {strides = array<i32>} : memref<128x128xf32, #tpu.memory_space<vmem>>, vector<1x16xf32>,
        %get3A_313 = vector.shape_cast %get3A_312 : vector<1x16xf32> to vector<16xf32>
        %get3A_314 = arith.constant 0 : i32
        %get3A_315 = arith.constant 0 : i32
        %get3A_316 = tpu.memref_slice %arg8[%scan3A_230, %get3A_314, %get3A_315] : memref<2x128x128xf32, #tpu.memory_space<vmem>> -> memref<1x128x128xf32, #tpu.memory_space<vmem>>
        %get3A_317 = tpu.memref_squeeze %get3A_316 : memref<1x128x128xf32, #tpu.memory_space<vmem>> -> memref<128x128xf32, #tpu.memory_space<vmem>>
        %get3A_318 = arith.index_cast %add3A_274 : i32 to index
        %get3A_319 = arith.constant 80 : index
        %get3A_320 = tpu.vector_load %get3A_317[%get3A_318, %get3A_319] {strides = array<i32>} : memref<128x128xf32, #tpu.memory_space<vmem>>, vector<1x16xf32>,
        %get3A_321 = vector.shape_cast %get3A_320 : vector<1x16xf32> to vector<16xf32>
        %add3A_322 = arith.addf %get3A_313, %get3A_321 : vector<16xf32>
        %get3A_323 = arith.constant 0 : i32
        %get3A_324 = arith.constant 0 : i32
        %get3A_325 = tpu.memref_slice %arg9[%scan3A_231, %get3A_323, %get3A_324] : memref<2x128x128xf32, #tpu.memory_space<vmem>> -> memref<1x128x128xf32, #tpu.memory_space<vmem>>
        %get3A_326 = tpu.memref_squeeze %get3A_325 : memref<1x128x128xf32, #tpu.memory_space<vmem>> -> memref<128x128xf32, #tpu.memory_space<vmem>>
        %get3A_327 = arith.index_cast %add3A_274 : i32 to index
        %get3A_328 = arith.constant 16 : index
        %get3A_329 = tpu.vector_load %get3A_326[%get3A_327, %get3A_328] {strides = array<i32>} : memref<128x128xf32, #tpu.memory_space<vmem>>, vector<1x16xf32>,
        %get3A_330 = vector.shape_cast %get3A_329 : vector<1x16xf32> to vector<16xf32>
        %add3A_331 = arith.addf %add3A_322, %get3A_330 : vector<16xf32>
        %max3A_332 = arith.constant 0.000000e+00 : f32
        %max3A_333 = vector.broadcast %max3A_332 : f32 to vector<16xf32>
        %max3A_334 = arith.maximumf %add3A_331, %max3A_333 : vector<16xf32>
        %swap3A_335 = arith.index_cast %scan3A_269 : i32 to index
        %swap3A_336 = arith.constant 16 : index
        %swap3A_337 = tpu.vector_load %arg10[%swap3A_335, %swap3A_336] {strides = array<i32>} : memref<64x128xf32, #tpu.memory_space<vmem>>, vector<1x16xf32>,
        %swap3A_338 = vector.shape_cast %swap3A_337 : vector<1x16xf32> to vector<16xf32>
        %swap3A_339 = vector.shape_cast %max3A_334 : vector<16xf32> to vector<1x16xf32>
        tpu.vector_store %arg10[%swap3A_335, %swap3A_336], %swap3A_339 {strides = array<i32>} : memref<64x128xf32, #tpu.memory_space<vmem>>, vector<1x16xf32>,
        %get3A_340 = arith.constant 0 : i32
        %get3A_341 = arith.constant 0 : i32
        %get3A_342 = tpu.memref_slice %arg7[%scan3A_229, %get3A_340, %get3A_341] : memref<2x128x128xf32, #tpu.memory_space<vmem>> -> memref<1x128x128xf32, #tpu.memory_space<vmem>>
        %get3A_343 = tpu.memref_squeeze %get3A_342 : memref<1x128x128xf32, #tpu.memory_space<vmem>> -> memref<128x128xf32, #tpu.memory_space<vmem>>
        %get3A_344 = arith.index_cast %add3A_274 : i32 to index
        %get3A_345 = arith.constant 32 : index
        %get3A_346 = tpu.vector_load %get3A_343[%get3A_344, %get3A_345] {strides = array<i32>} : memref<128x128xf32, #tpu.memory_space<vmem>>, vector<1x16xf32>,
        %get3A_347 = vector.shape_cast %get3A_346 : vector<1x16xf32> to vector<16xf32>
        %get3A_348 = arith.constant 0 : i32
        %get3A_349 = arith.constant 0 : i32
        %get3A_350 = tpu.memref_slice %arg8[%scan3A_230, %get3A_348, %get3A_349] : memref<2x128x128xf32, #tpu.memory_space<vmem>> -> memref<1x128x128xf32, #tpu.memory_space<vmem>>
        %get3A_351 = tpu.memref_squeeze %get3A_350 : memref<1x128x128xf32, #tpu.memory_space<vmem>> -> memref<128x128xf32, #tpu.memory_space<vmem>>
        %get3A_352 = arith.index_cast %add3A_274 : i32 to index
        %get3A_353 = arith.constant 96 : index
        %get3A_354 = tpu.vector_load %get3A_351[%get3A_352, %get3A_353] {strides = array<i32>} : memref<128x128xf32, #tpu.memory_space<vmem>>, vector<1x16xf32>,
        %get3A_355 = vector.shape_cast %get3A_354 : vector<1x16xf32> to vector<16xf32>
        %add3A_356 = arith.addf %get3A_347, %get3A_355 : vector<16xf32>
        %get3A_357 = arith.constant 0 : i32
        %get3A_358 = arith.constant 0 : i32
        %get3A_359 = tpu.memref_slice %arg9[%scan3A_231, %get3A_357, %get3A_358] : memref<2x128x128xf32, #tpu.memory_space<vmem>> -> memref<1x128x128xf32, #tpu.memory_space<vmem>>
        %get3A_360 = tpu.memref_squeeze %get3A_359 : memref<1x128x128xf32, #tpu.memory_space<vmem>> -> memref<128x128xf32, #tpu.memory_space<vmem>>
        %get3A_361 = arith.index_cast %add3A_274 : i32 to index
        %get3A_362 = arith.constant 32 : index
        %get3A_363 = tpu.vector_load %get3A_360[%get3A_361, %get3A_362] {strides = array<i32>} : memref<128x128xf32, #tpu.memory_space<vmem>>, vector<1x16xf32>,
        %get3A_364 = vector.shape_cast %get3A_363 : vector<1x16xf32> to vector<16xf32>
        %add3A_365 = arith.addf %add3A_356, %get3A_364 : vector<16xf32>
        %max3A_366 = arith.constant 0.000000e+00 : f32
        %max3A_367 = vector.broadcast %max3A_366 : f32 to vector<16xf32>
        %max3A_368 = arith.maximumf %add3A_365, %max3A_367 : vector<16xf32>
        %swap3A_369 = arith.index_cast %scan3A_269 : i32 to index
        %swap3A_370 = arith.constant 32 : index
        %swap3A_371 = tpu.vector_load %arg10[%swap3A_369, %swap3A_370] {strides = array<i32>} : memref<64x128xf32, #tpu.memory_space<vmem>>, vector<1x16xf32>,
        %swap3A_372 = vector.shape_cast %swap3A_371 : vector<1x16xf32> to vector<16xf32>
        %swap3A_373 = vector.shape_cast %max3A_368 : vector<16xf32> to vector<1x16xf32>
        tpu.vector_store %arg10[%swap3A_369, %swap3A_370], %swap3A_373 {strides = array<i32>} : memref<64x128xf32, #tpu.memory_space<vmem>>, vector<1x16xf32>,
        %get3A_374 = arith.constant 0 : i32
        %get3A_375 = arith.constant 0 : i32
        %get3A_376 = tpu.memref_slice %arg7[%scan3A_229, %get3A_374, %get3A_375] : memref<2x128x128xf32, #tpu.memory_space<vmem>> -> memref<1x128x128xf32, #tpu.memory_space<vmem>>
        %get3A_377 = tpu.memref_squeeze %get3A_376 : memref<1x128x128xf32, #tpu.memory_space<vmem>> -> memref<128x128xf32, #tpu.memory_space<vmem>>
        %get3A_378 = arith.index_cast %add3A_274 : i32 to index
        %get3A_379 = arith.constant 48 : index
        %get3A_380 = tpu.vector_load %get3A_377[%get3A_378, %get3A_379] {strides = array<i32>} : memref<128x128xf32, #tpu.memory_space<vmem>>, vector<1x16xf32>,
        %get3A_381 = vector.shape_cast %get3A_380 : vector<1x16xf32> to vector<16xf32>
        %get3A_382 = arith.constant 0 : i32
        %get3A_383 = arith.constant 0 : i32
        %get3A_384 = tpu.memref_slice %arg8[%scan3A_230, %get3A_382, %get3A_383] : memref<2x128x128xf32, #tpu.memory_space<vmem>> -> memref<1x128x128xf32, #tpu.memory_space<vmem>>
        %get3A_385 = tpu.memref_squeeze %get3A_384 : memref<1x128x128xf32, #tpu.memory_space<vmem>> -> memref<128x128xf32, #tpu.memory_space<vmem>>
        %get3A_386 = arith.index_cast %add3A_274 : i32 to index
        %get3A_387 = arith.constant 112 : index
        %get3A_388 = tpu.vector_load %get3A_385[%get3A_386, %get3A_387] {strides = array<i32>} : memref<128x128xf32, #tpu.memory_space<vmem>>, vector<1x16xf32>,
        %get3A_389 = vector.shape_cast %get3A_388 : vector<1x16xf32> to vector<16xf32>
        %add3A_390 = arith.addf %get3A_381, %get3A_389 : vector<16xf32>
        %get3A_391 = arith.constant 0 : i32
        %get3A_392 = arith.constant 0 : i32
        %get3A_393 = tpu.memref_slice %arg9[%scan3A_231, %get3A_391, %get3A_392] : memref<2x128x128xf32, #tpu.memory_space<vmem>> -> memref<1x128x128xf32, #tpu.memory_space<vmem>>
        %get3A_394 = tpu.memref_squeeze %get3A_393 : memref<1x128x128xf32, #tpu.memory_space<vmem>> -> memref<128x128xf32, #tpu.memory_space<vmem>>
        %get3A_395 = arith.index_cast %add3A_274 : i32 to index
        %get3A_396 = arith.constant 48 : index
        %get3A_397 = tpu.vector_load %get3A_394[%get3A_395, %get3A_396] {strides = array<i32>} : memref<128x128xf32, #tpu.memory_space<vmem>>, vector<1x16xf32>,
        %get3A_398 = vector.shape_cast %get3A_397 : vector<1x16xf32> to vector<16xf32>
        %add3A_399 = arith.addf %add3A_390, %get3A_398 : vector<16xf32>
        %max3A_400 = arith.constant 0.000000e+00 : f32
        %max3A_401 = vector.broadcast %max3A_400 : f32 to vector<16xf32>
        %max3A_402 = arith.maximumf %add3A_399, %max3A_401 : vector<16xf32>
        %swap3A_403 = arith.index_cast %scan3A_269 : i32 to index
        %swap3A_404 = arith.constant 48 : index
        %swap3A_405 = tpu.vector_load %arg10[%swap3A_403, %swap3A_404] {strides = array<i32>} : memref<64x128xf32, #tpu.memory_space<vmem>>, vector<1x16xf32>,
        %swap3A_406 = vector.shape_cast %swap3A_405 : vector<1x16xf32> to vector<16xf32>
        %swap3A_407 = vector.shape_cast %max3A_402 : vector<16xf32> to vector<1x16xf32>
        tpu.vector_store %arg10[%swap3A_403, %swap3A_404], %swap3A_407 {strides = array<i32>} : memref<64x128xf32, #tpu.memory_space<vmem>>, vector<1x16xf32>,
        %mul3A_408 = arith.constant 2 : i32
        %mul3A_409 = arith.muli %mul3A_408, %scan3A_269 : i32
        %add3A_410 = arith.constant 1 : i32
        %add3A_411 = arith.addi %mul3A_409, %add3A_410 : i32
        %get3A_412 = arith.constant 0 : i32
        %get3A_413 = arith.constant 0 : i32
        %get3A_414 = tpu.memref_slice %arg7[%scan3A_229, %get3A_412, %get3A_413] : memref<2x128x128xf32, #tpu.memory_space<vmem>> -> memref<1x128x128xf32, #tpu.memory_space<vmem>>
        %get3A_415 = tpu.memref_squeeze %get3A_414 : memref<1x128x128xf32, #tpu.memory_space<vmem>> -> memref<128x128xf32, #tpu.memory_space<vmem>>
        %get3A_416 = arith.index_cast %add3A_411 : i32 to index
        %get3A_417 = arith.constant 0 : index
        %get3A_418 = tpu.vector_load %get3A_415[%get3A_416, %get3A_417] {strides = array<i32>} : memref<128x128xf32, #tpu.memory_space<vmem>>, vector<1x16xf32>,
        %get3A_419 = vector.shape_cast %get3A_418 : vector<1x16xf32> to vector<16xf32>
        %get3A_420 = arith.constant 0 : i32
        %get3A_421 = arith.constant 0 : i32
        %get3A_422 = tpu.memref_slice %arg8[%scan3A_230, %get3A_420, %get3A_421] : memref<2x128x128xf32, #tpu.memory_space<vmem>> -> memref<1x128x128xf32, #tpu.memory_space<vmem>>
        %get3A_423 = tpu.memref_squeeze %get3A_422 : memref<1x128x128xf32, #tpu.memory_space<vmem>> -> memref<128x128xf32, #tpu.memory_space<vmem>>
        %get3A_424 = arith.index_cast %add3A_411 : i32 to index
        %get3A_425 = arith.constant 64 : index
        %get3A_426 = tpu.vector_load %get3A_423[%get3A_424, %get3A_425] {strides = array<i32>} : memref<128x128xf32, #tpu.memory_space<vmem>>, vector<1x16xf32>,
        %get3A_427 = vector.shape_cast %get3A_426 : vector<1x16xf32> to vector<16xf32>
        %add3A_428 = arith.addf %get3A_419, %get3A_427 : vector<16xf32>
        %get3A_429 = arith.constant 0 : i32
        %get3A_430 = arith.constant 0 : i32
        %get3A_431 = tpu.memref_slice %arg9[%scan3A_231, %get3A_429, %get3A_430] : memref<2x128x128xf32, #tpu.memory_space<vmem>> -> memref<1x128x128xf32, #tpu.memory_space<vmem>>
        %get3A_432 = tpu.memref_squeeze %get3A_431 : memref<1x128x128xf32, #tpu.memory_space<vmem>> -> memref<128x128xf32, #tpu.memory_space<vmem>>
        %get3A_433 = arith.index_cast %add3A_411 : i32 to index
        %get3A_434 = arith.constant 0 : index
        %get3A_435 = tpu.vector_load %get3A_432[%get3A_433, %get3A_434] {strides = array<i32>} : memref<128x128xf32, #tpu.memory_space<vmem>>, vector<1x16xf32>,
        %get3A_436 = vector.shape_cast %get3A_435 : vector<1x16xf32> to vector<16xf32>
        %add3A_437 = arith.addf %add3A_428, %get3A_436 : vector<16xf32>
        %max3A_438 = arith.constant 0.000000e+00 : f32
        %max3A_439 = vector.broadcast %max3A_438 : f32 to vector<16xf32>
        %max3A_440 = arith.maximumf %add3A_437, %max3A_439 : vector<16xf32>
        %swap3A_441 = arith.index_cast %scan3A_269 : i32 to index
        %swap3A_442 = arith.constant 64 : index
        %swap3A_443 = tpu.vector_load %arg10[%swap3A_441, %swap3A_442] {strides = array<i32>} : memref<64x128xf32, #tpu.memory_space<vmem>>, vector<1x16xf32>,
        %swap3A_444 = vector.shape_cast %swap3A_443 : vector<1x16xf32> to vector<16xf32>
        %swap3A_445 = vector.shape_cast %max3A_440 : vector<16xf32> to vector<1x16xf32>
        tpu.vector_store %arg10[%swap3A_441, %swap3A_442], %swap3A_445 {strides = array<i32>} : memref<64x128xf32, #tpu.memory_space<vmem>>, vector<1x16xf32>,
        %get3A_446 = arith.constant 0 : i32
        %get3A_447 = arith.constant 0 : i32
        %get3A_448 = tpu.memref_slice %arg7[%scan3A_229, %get3A_446, %get3A_447] : memref<2x128x128xf32, #tpu.memory_space<vmem>> -> memref<1x128x128xf32, #tpu.memory_space<vmem>>
        %get3A_449 = tpu.memref_squeeze %get3A_448 : memref<1x128x128xf32, #tpu.memory_space<vmem>> -> memref<128x128xf32, #tpu.memory_space<vmem>>
        %get3A_450 = arith.index_cast %add3A_411 : i32 to index
        %get3A_451 = arith.constant 16 : index
        %get3A_452 = tpu.vector_load %get3A_449[%get3A_450, %get3A_451] {strides = array<i32>} : memref<128x128xf32, #tpu.memory_space<vmem>>, vector<1x16xf32>,
        %get3A_453 = vector.shape_cast %get3A_452 : vector<1x16xf32> to vector<16xf32>
        %get3A_454 = arith.constant 0 : i32
        %get3A_455 = arith.constant 0 : i32
        %get3A_456 = tpu.memref_slice %arg8[%scan3A_230, %get3A_454, %get3A_455] : memref<2x128x128xf32, #tpu.memory_space<vmem>> -> memref<1x128x128xf32, #tpu.memory_space<vmem>>
        %get3A_457 = tpu.memref_squeeze %get3A_456 : memref<1x128x128xf32, #tpu.memory_space<vmem>> -> memref<128x128xf32, #tpu.memory_space<vmem>>
        %get3A_458 = arith.index_cast %add3A_411 : i32 to index
        %get3A_459 = arith.constant 80 : index
        %get3A_460 = tpu.vector_load %get3A_457[%get3A_458, %get3A_459] {strides = array<i32>} : memref<128x128xf32, #tpu.memory_space<vmem>>, vector<1x16xf32>,
        %get3A_461 = vector.shape_cast %get3A_460 : vector<1x16xf32> to vector<16xf32>
        %add3A_462 = arith.addf %get3A_453, %get3A_461 : vector<16xf32>
        %get3A_463 = arith.constant 0 : i32
        %get3A_464 = arith.constant 0 : i32
        %get3A_465 = tpu.memref_slice %arg9[%scan3A_231, %get3A_463, %get3A_464] : memref<2x128x128xf32, #tpu.memory_space<vmem>> -> memref<1x128x128xf32, #tpu.memory_space<vmem>>
        %get3A_466 = tpu.memref_squeeze %get3A_465 : memref<1x128x128xf32, #tpu.memory_space<vmem>> -> memref<128x128xf32, #tpu.memory_space<vmem>>
        %get3A_467 = arith.index_cast %add3A_411 : i32 to index
        %get3A_468 = arith.constant 16 : index
        %get3A_469 = tpu.vector_load %get3A_466[%get3A_467, %get3A_468] {strides = array<i32>} : memref<128x128xf32, #tpu.memory_space<vmem>>, vector<1x16xf32>,
        %get3A_470 = vector.shape_cast %get3A_469 : vector<1x16xf32> to vector<16xf32>
        %add3A_471 = arith.addf %add3A_462, %get3A_470 : vector<16xf32>
        %max3A_472 = arith.constant 0.000000e+00 : f32
        %max3A_473 = vector.broadcast %max3A_472 : f32 to vector<16xf32>
        %max3A_474 = arith.maximumf %add3A_471, %max3A_473 : vector<16xf32>
        %swap3A_475 = arith.index_cast %scan3A_269 : i32 to index
        %swap3A_476 = arith.constant 80 : index
        %swap3A_477 = tpu.vector_load %arg10[%swap3A_475, %swap3A_476] {strides = array<i32>} : memref<64x128xf32, #tpu.memory_space<vmem>>, vector<1x16xf32>,
        %swap3A_478 = vector.shape_cast %swap3A_477 : vector<1x16xf32> to vector<16xf32>
        %swap3A_479 = vector.shape_cast %max3A_474 : vector<16xf32> to vector<1x16xf32>
        tpu.vector_store %arg10[%swap3A_475, %swap3A_476], %swap3A_479 {strides = array<i32>} : memref<64x128xf32, #tpu.memory_space<vmem>>, vector<1x16xf32>,
        %get3A_480 = arith.constant 0 : i32
        %get3A_481 = arith.constant 0 : i32
        %get3A_482 = tpu.memref_slice %arg7[%scan3A_229, %get3A_480, %get3A_481] : memref<2x128x128xf32, #tpu.memory_space<vmem>> -> memref<1x128x128xf32, #tpu.memory_space<vmem>>
        %get3A_483 = tpu.memref_squeeze %get3A_482 : memref<1x128x128xf32, #tpu.memory_space<vmem>> -> memref<128x128xf32, #tpu.memory_space<vmem>>
        %get3A_484 = arith.index_cast %add3A_411 : i32 to index
        %get3A_485 = arith.constant 32 : index
        %get3A_486 = tpu.vector_load %get3A_483[%get3A_484, %get3A_485] {strides = array<i32>} : memref<128x128xf32, #tpu.memory_space<vmem>>, vector<1x16xf32>,
        %get3A_487 = vector.shape_cast %get3A_486 : vector<1x16xf32> to vector<16xf32>
        %get3A_488 = arith.constant 0 : i32
        %get3A_489 = arith.constant 0 : i32
        %get3A_490 = tpu.memref_slice %arg8[%scan3A_230, %get3A_488, %get3A_489] : memref<2x128x128xf32, #tpu.memory_space<vmem>> -> memref<1x128x128xf32, #tpu.memory_space<vmem>>
        %get3A_491 = tpu.memref_squeeze %get3A_490 : memref<1x128x128xf32, #tpu.memory_space<vmem>> -> memref<128x128xf32, #tpu.memory_space<vmem>>
        %get3A_492 = arith.index_cast %add3A_411 : i32 to index
        %get3A_493 = arith.constant 96 : index
        %get3A_494 = tpu.vector_load %get3A_491[%get3A_492, %get3A_493] {strides = array<i32>} : memref<128x128xf32, #tpu.memory_space<vmem>>, vector<1x16xf32>,
        %get3A_495 = vector.shape_cast %get3A_494 : vector<1x16xf32> to vector<16xf32>
        %add3A_496 = arith.addf %get3A_487, %get3A_495 : vector<16xf32>
        %get3A_497 = arith.constant 0 : i32
        %get3A_498 = arith.constant 0 : i32
        %get3A_499 = tpu.memref_slice %arg9[%scan3A_231, %get3A_497, %get3A_498] : memref<2x128x128xf32, #tpu.memory_space<vmem>> -> memref<1x128x128xf32, #tpu.memory_space<vmem>>
        %get3A_500 = tpu.memref_squeeze %get3A_499 : memref<1x128x128xf32, #tpu.memory_space<vmem>> -> memref<128x128xf32, #tpu.memory_space<vmem>>
        %get3A_501 = arith.index_cast %add3A_411 : i32 to index
        %get3A_502 = arith.constant 32 : index
        %get3A_503 = tpu.vector_load %get3A_500[%get3A_501, %get3A_502] {strides = array<i32>} : memref<128x128xf32, #tpu.memory_space<vmem>>, vector<1x16xf32>,
        %get3A_504 = vector.shape_cast %get3A_503 : vector<1x16xf32> to vector<16xf32>
        %add3A_505 = arith.addf %add3A_496, %get3A_504 : vector<16xf32>
        %max3A_506 = arith.constant 0.000000e+00 : f32
        %max3A_507 = vector.broadcast %max3A_506 : f32 to vector<16xf32>
        %max3A_508 = arith.maximumf %add3A_505, %max3A_507 : vector<16xf32>
        %swap3A_509 = arith.index_cast %scan3A_269 : i32 to index
        %swap3A_510 = arith.constant 96 : index
        %swap3A_511 = tpu.vector_load %arg10[%swap3A_509, %swap3A_510] {strides = array<i32>} : memref<64x128xf32, #tpu.memory_space<vmem>>, vector<1x16xf32>,
        %swap3A_512 = vector.shape_cast %swap3A_511 : vector<1x16xf32> to vector<16xf32>
        %swap3A_513 = vector.shape_cast %max3A_508 : vector<16xf32> to vector<1x16xf32>
        tpu.vector_store %arg10[%swap3A_509, %swap3A_510], %swap3A_513 {strides = array<i32>} : memref<64x128xf32, #tpu.memory_space<vmem>>, vector<1x16xf32>,
        %get3A_514 = arith.constant 0 : i32
        %get3A_515 = arith.constant 0 : i32
        %get3A_516 = tpu.memref_slice %arg7[%scan3A_229, %get3A_514, %get3A_515] : memref<2x128x128xf32, #tpu.memory_space<vmem>> -> memref<1x128x128xf32, #tpu.memory_space<vmem>>
        %get3A_517 = tpu.memref_squeeze %get3A_516 : memref<1x128x128xf32, #tpu.memory_space<vmem>> -> memref<128x128xf32, #tpu.memory_space<vmem>>
        %get3A_518 = arith.index_cast %add3A_411 : i32 to index
        %get3A_519 = arith.constant 48 : index
        %get3A_520 = tpu.vector_load %get3A_517[%get3A_518, %get3A_519] {strides = array<i32>} : memref<128x128xf32, #tpu.memory_space<vmem>>, vector<1x16xf32>,
        %get3A_521 = vector.shape_cast %get3A_520 : vector<1x16xf32> to vector<16xf32>
        %get3A_522 = arith.constant 0 : i32
        %get3A_523 = arith.constant 0 : i32
        %get3A_524 = tpu.memref_slice %arg8[%scan3A_230, %get3A_522, %get3A_523] : memref<2x128x128xf32, #tpu.memory_space<vmem>> -> memref<1x128x128xf32, #tpu.memory_space<vmem>>
        %get3A_525 = tpu.memref_squeeze %get3A_524 : memref<1x128x128xf32, #tpu.memory_space<vmem>> -> memref<128x128xf32, #tpu.memory_space<vmem>>
        %get3A_526 = arith.index_cast %add3A_411 : i32 to index
        %get3A_527 = arith.constant 112 : index
        %get3A_528 = tpu.vector_load %get3A_525[%get3A_526, %get3A_527] {strides = array<i32>} : memref<128x128xf32, #tpu.memory_space<vmem>>, vector<1x16xf32>,
        %get3A_529 = vector.shape_cast %get3A_528 : vector<1x16xf32> to vector<16xf32>
        %add3A_530 = arith.addf %get3A_521, %get3A_529 : vector<16xf32>
        %get3A_531 = arith.constant 0 : i32
        %get3A_532 = arith.constant 0 : i32
        %get3A_533 = tpu.memref_slice %arg9[%scan3A_231, %get3A_531, %get3A_532] : memref<2x128x128xf32, #tpu.memory_space<vmem>> -> memref<1x128x128xf32, #tpu.memory_space<vmem>>
        %get3A_534 = tpu.memref_squeeze %get3A_533 : memref<1x128x128xf32, #tpu.memory_space<vmem>> -> memref<128x128xf32, #tpu.memory_space<vmem>>
        %get3A_535 = arith.index_cast %add3A_411 : i32 to index
        %get3A_536 = arith.constant 48 : index
        %get3A_537 = tpu.vector_load %get3A_534[%get3A_535, %get3A_536] {strides = array<i32>} : memref<128x128xf32, #tpu.memory_space<vmem>>, vector<1x16xf32>,
        %get3A_538 = vector.shape_cast %get3A_537 : vector<1x16xf32> to vector<16xf32>
        %add3A_539 = arith.addf %add3A_530, %get3A_538 : vector<16xf32>
        %max3A_540 = arith.constant 0.000000e+00 : f32
        %max3A_541 = vector.broadcast %max3A_540 : f32 to vector<16xf32>
        %max3A_542 = arith.maximumf %add3A_539, %max3A_541 : vector<16xf32>
        %swap3A_543 = arith.index_cast %scan3A_269 : i32 to index
        %swap3A_544 = arith.constant 112 : index
        %swap3A_545 = tpu.vector_load %arg10[%swap3A_543, %swap3A_544] {strides = array<i32>} : memref<64x128xf32, #tpu.memory_space<vmem>>, vector<1x16xf32>,
        %swap3A_546 = vector.shape_cast %swap3A_545 : vector<1x16xf32> to vector<16xf32>
        %swap3A_547 = vector.shape_cast %max3A_542 : vector<16xf32> to vector<1x16xf32>
        tpu.vector_store %arg10[%swap3A_543, %swap3A_544], %swap3A_547 {strides = array<i32>} : memref<64x128xf32, #tpu.memory_space<vmem>>, vector<1x16xf32>,
        %scan3A_548 = arith.constant 0 : i32
        %scan3A_549 = arith.constant 1 : i32
        %scan3A_550 = arith.addi %scan3A_269, %scan3A_549 : i32
        %mul3A_551 = arith.constant 2 : i32
        %mul3A_552 = arith.muli %mul3A_551, %scan3A_550 : i32
        %add3A_553 = arith.constant 0 : i32
        %add3A_554 = arith.addi %mul3A_552, %add3A_553 : i32
        %get3A_555 = arith.constant 0 : i32
        %get3A_556 = arith.constant 0 : i32
        %get3A_557 = tpu.memref_slice %arg7[%scan3A_229, %get3A_555, %get3A_556] : memref<2x128x128xf32, #tpu.memory_space<vmem>> -> memref<1x128x128xf32, #tpu.memory_space<vmem>>
        %get3A_558 = tpu.memref_squeeze %get3A_557 : memref<1x128x128xf32, #tpu.memory_space<vmem>> -> memref<128x128xf32, #tpu.memory_space<vmem>>
        %get3A_559 = arith.index_cast %add3A_554 : i32 to index
        %get3A_560 = arith.constant 0 : index
        %get3A_561 = tpu.vector_load %get3A_558[%get3A_559, %get3A_560] {strides = array<i32>} : memref<128x128xf32, #tpu.memory_space<vmem>>, vector<1x16xf32>,
        %get3A_562 = vector.shape_cast %get3A_561 : vector<1x16xf32> to vector<16xf32>
        %get3A_563 = arith.constant 0 : i32
        %get3A_564 = arith.constant 0 : i32
        %get3A_565 = tpu.memref_slice %arg8[%scan3A_230, %get3A_563, %get3A_564] : memref<2x128x128xf32, #tpu.memory_space<vmem>> -> memref<1x128x128xf32, #tpu.memory_space<vmem>>
        %get3A_566 = tpu.memref_squeeze %get3A_565 : memref<1x128x128xf32, #tpu.memory_space<vmem>> -> memref<128x128xf32, #tpu.memory_space<vmem>>
        %get3A_567 = arith.index_cast %add3A_554 : i32 to index
        %get3A_568 = arith.constant 64 : index
        %get3A_569 = tpu.vector_load %get3A_566[%get3A_567, %get3A_568] {strides = array<i32>} : memref<128x128xf32, #tpu.memory_space<vmem>>, vector<1x16xf32>,
        %get3A_570 = vector.shape_cast %get3A_569 : vector<1x16xf32> to vector<16xf32>
        %add3A_571 = arith.addf %get3A_562, %get3A_570 : vector<16xf32>
        %get3A_572 = arith.constant 0 : i32
        %get3A_573 = arith.constant 0 : i32
        %get3A_574 = tpu.memref_slice %arg9[%scan3A_231, %get3A_572, %get3A_573] : memref<2x128x128xf32, #tpu.memory_space<vmem>> -> memref<1x128x128xf32, #tpu.memory_space<vmem>>
        %get3A_575 = tpu.memref_squeeze %get3A_574 : memref<1x128x128xf32, #tpu.memory_space<vmem>> -> memref<128x128xf32, #tpu.memory_space<vmem>>
        %get3A_576 = arith.index_cast %add3A_554 : i32 to index
        %get3A_577 = arith.constant 0 : index
        %get3A_578 = tpu.vector_load %get3A_575[%get3A_576, %get3A_577] {strides = array<i32>} : memref<128x128xf32, #tpu.memory_space<vmem>>, vector<1x16xf32>,
        %get3A_579 = vector.shape_cast %get3A_578 : vector<1x16xf32> to vector<16xf32>
        %add3A_580 = arith.addf %add3A_571, %get3A_579 : vector<16xf32>
        %max3A_581 = arith.constant 0.000000e+00 : f32
        %max3A_582 = vector.broadcast %max3A_581 : f32 to vector<16xf32>
        %max3A_583 = arith.maximumf %add3A_580, %max3A_582 : vector<16xf32>
        %swap3A_584 = arith.index_cast %scan3A_550 : i32 to index
        %swap3A_585 = arith.constant 0 : index
        %swap3A_586 = tpu.vector_load %arg10[%swap3A_584, %swap3A_585] {strides = array<i32>} : memref<64x128xf32, #tpu.memory_space<vmem>>, vector<1x16xf32>,
        %swap3A_587 = vector.shape_cast %swap3A_586 : vector<1x16xf32> to vector<16xf32>
        %swap3A_588 = vector.shape_cast %max3A_583 : vector<16xf32> to vector<1x16xf32>
        tpu.vector_store %arg10[%swap3A_584, %swap3A_585], %swap3A_588 {strides = array<i32>} : memref<64x128xf32, #tpu.memory_space<vmem>>, vector<1x16xf32>,
        %get3A_589 = arith.constant 0 : i32
        %get3A_590 = arith.constant 0 : i32
        %get3A_591 = tpu.memref_slice %arg7[%scan3A_229, %get3A_589, %get3A_590] : memref<2x128x128xf32, #tpu.memory_space<vmem>> -> memref<1x128x128xf32, #tpu.memory_space<vmem>>
        %get3A_592 = tpu.memref_squeeze %get3A_591 : memref<1x128x128xf32, #tpu.memory_space<vmem>> -> memref<128x128xf32, #tpu.memory_space<vmem>>
        %get3A_593 = arith.index_cast %add3A_554 : i32 to index
        %get3A_594 = arith.constant 16 : index
        %get3A_595 = tpu.vector_load %get3A_592[%get3A_593, %get3A_594] {strides = array<i32>} : memref<128x128xf32, #tpu.memory_space<vmem>>, vector<1x16xf32>,
        %get3A_596 = vector.shape_cast %get3A_595 : vector<1x16xf32> to vector<16xf32>
        %get3A_597 = arith.constant 0 : i32
        %get3A_598 = arith.constant 0 : i32
        %get3A_599 = tpu.memref_slice %arg8[%scan3A_230, %get3A_597, %get3A_598] : memref<2x128x128xf32, #tpu.memory_space<vmem>> -> memref<1x128x128xf32, #tpu.memory_space<vmem>>
        %get3A_600 = tpu.memref_squeeze %get3A_599 : memref<1x128x128xf32, #tpu.memory_space<vmem>> -> memref<128x128xf32, #tpu.memory_space<vmem>>
        %get3A_601 = arith.index_cast %add3A_554 : i32 to index
        %get3A_602 = arith.constant 80 : index
        %get3A_603 = tpu.vector_load %get3A_600[%get3A_601, %get3A_602] {strides = array<i32>} : memref<128x128xf32, #tpu.memory_space<vmem>>, vector<1x16xf32>,
        %get3A_604 = vector.shape_cast %get3A_603 : vector<1x16xf32> to vector<16xf32>
        %add3A_605 = arith.addf %get3A_596, %get3A_604 : vector<16xf32>
        %get3A_606 = arith.constant 0 : i32
        %get3A_607 = arith.constant 0 : i32
        %get3A_608 = tpu.memref_slice %arg9[%scan3A_231, %get3A_606, %get3A_607] : memref<2x128x128xf32, #tpu.memory_space<vmem>> -> memref<1x128x128xf32, #tpu.memory_space<vmem>>
        %get3A_609 = tpu.memref_squeeze %get3A_608 : memref<1x128x128xf32, #tpu.memory_space<vmem>> -> memref<128x128xf32, #tpu.memory_space<vmem>>
        %get3A_610 = arith.index_cast %add3A_554 : i32 to index
        %get3A_611 = arith.constant 16 : index
        %get3A_612 = tpu.vector_load %get3A_609[%get3A_610, %get3A_611] {strides = array<i32>} : memref<128x128xf32, #tpu.memory_space<vmem>>, vector<1x16xf32>,
        %get3A_613 = vector.shape_cast %get3A_612 : vector<1x16xf32> to vector<16xf32>
        %add3A_614 = arith.addf %add3A_605, %get3A_613 : vector<16xf32>
        %max3A_615 = arith.constant 0.000000e+00 : f32
        %max3A_616 = vector.broadcast %max3A_615 : f32 to vector<16xf32>
        %max3A_617 = arith.maximumf %add3A_614, %max3A_616 : vector<16xf32>
        %swap3A_618 = arith.index_cast %scan3A_550 : i32 to index
        %swap3A_619 = arith.constant 16 : index
        %swap3A_620 = tpu.vector_load %arg10[%swap3A_618, %swap3A_619] {strides = array<i32>} : memref<64x128xf32, #tpu.memory_space<vmem>>, vector<1x16xf32>,
        %swap3A_621 = vector.shape_cast %swap3A_620 : vector<1x16xf32> to vector<16xf32>
        %swap3A_622 = vector.shape_cast %max3A_617 : vector<16xf32> to vector<1x16xf32>
        tpu.vector_store %arg10[%swap3A_618, %swap3A_619], %swap3A_622 {strides = array<i32>} : memref<64x128xf32, #tpu.memory_space<vmem>>, vector<1x16xf32>,
        %get3A_623 = arith.constant 0 : i32
        %get3A_624 = arith.constant 0 : i32
        %get3A_625 = tpu.memref_slice %arg7[%scan3A_229, %get3A_623, %get3A_624] : memref<2x128x128xf32, #tpu.memory_space<vmem>> -> memref<1x128x128xf32, #tpu.memory_space<vmem>>
        %get3A_626 = tpu.memref_squeeze %get3A_625 : memref<1x128x128xf32, #tpu.memory_space<vmem>> -> memref<128x128xf32, #tpu.memory_space<vmem>>
        %get3A_627 = arith.index_cast %add3A_554 : i32 to index
        %get3A_628 = arith.constant 32 : index
        %get3A_629 = tpu.vector_load %get3A_626[%get3A_627, %get3A_628] {strides = array<i32>} : memref<128x128xf32, #tpu.memory_space<vmem>>, vector<1x16xf32>,
        %get3A_630 = vector.shape_cast %get3A_629 : vector<1x16xf32> to vector<16xf32>
        %get3A_631 = arith.constant 0 : i32
        %get3A_632 = arith.constant 0 : i32
        %get3A_633 = tpu.memref_slice %arg8[%scan3A_230, %get3A_631, %get3A_632] : memref<2x128x128xf32, #tpu.memory_space<vmem>> -> memref<1x128x128xf32, #tpu.memory_space<vmem>>
        %get3A_634 = tpu.memref_squeeze %get3A_633 : memref<1x128x128xf32, #tpu.memory_space<vmem>> -> memref<128x128xf32, #tpu.memory_space<vmem>>
        %get3A_635 = arith.index_cast %add3A_554 : i32 to index
        %get3A_636 = arith.constant 96 : index
        %get3A_637 = tpu.vector_load %get3A_634[%get3A_635, %get3A_636] {strides = array<i32>} : memref<128x128xf32, #tpu.memory_space<vmem>>, vector<1x16xf32>,
        %get3A_638 = vector.shape_cast %get3A_637 : vector<1x16xf32> to vector<16xf32>
        %add3A_639 = arith.addf %get3A_630, %get3A_638 : vector<16xf32>
        %get3A_640 = arith.constant 0 : i32
        %get3A_641 = arith.constant 0 : i32
        %get3A_642 = tpu.memref_slice %arg9[%scan3A_231, %get3A_640, %get3A_641] : memref<2x128x128xf32, #tpu.memory_space<vmem>> -> memref<1x128x128xf32, #tpu.memory_space<vmem>>
        %get3A_643 = tpu.memref_squeeze %get3A_642 : memref<1x128x128xf32, #tpu.memory_space<vmem>> -> memref<128x128xf32, #tpu.memory_space<vmem>>
        %get3A_644 = arith.index_cast %add3A_554 : i32 to index
        %get3A_645 = arith.constant 32 : index
        %get3A_646 = tpu.vector_load %get3A_643[%get3A_644, %get3A_645] {strides = array<i32>} : memref<128x128xf32, #tpu.memory_space<vmem>>, vector<1x16xf32>,
        %get3A_647 = vector.shape_cast %get3A_646 : vector<1x16xf32> to vector<16xf32>
        %add3A_648 = arith.addf %add3A_639, %get3A_647 : vector<16xf32>
        %max3A_649 = arith.constant 0.000000e+00 : f32
        %max3A_650 = vector.broadcast %max3A_649 : f32 to vector<16xf32>
        %max3A_651 = arith.maximumf %add3A_648, %max3A_650 : vector<16xf32>
        %swap3A_652 = arith.index_cast %scan3A_550 : i32 to index
        %swap3A_653 = arith.constant 32 : index
        %swap3A_654 = tpu.vector_load %arg10[%swap3A_652, %swap3A_653] {strides = array<i32>} : memref<64x128xf32, #tpu.memory_space<vmem>>, vector<1x16xf32>,
        %swap3A_655 = vector.shape_cast %swap3A_654 : vector<1x16xf32> to vector<16xf32>
        %swap3A_656 = vector.shape_cast %max3A_651 : vector<16xf32> to vector<1x16xf32>
        tpu.vector_store %arg10[%swap3A_652, %swap3A_653], %swap3A_656 {strides = array<i32>} : memref<64x128xf32, #tpu.memory_space<vmem>>, vector<1x16xf32>,
        %get3A_657 = arith.constant 0 : i32
        %get3A_658 = arith.constant 0 : i32
        %get3A_659 = tpu.memref_slice %arg7[%scan3A_229, %get3A_657, %get3A_658] : memref<2x128x128xf32, #tpu.memory_space<vmem>> -> memref<1x128x128xf32, #tpu.memory_space<vmem>>
        %get3A_660 = tpu.memref_squeeze %get3A_659 : memref<1x128x128xf32, #tpu.memory_space<vmem>> -> memref<128x128xf32, #tpu.memory_space<vmem>>
        %get3A_661 = arith.index_cast %add3A_554 : i32 to index
        %get3A_662 = arith.constant 48 : index
        %get3A_663 = tpu.vector_load %get3A_660[%get3A_661, %get3A_662] {strides = array<i32>} : memref<128x128xf32, #tpu.memory_space<vmem>>, vector<1x16xf32>,
        %get3A_664 = vector.shape_cast %get3A_663 : vector<1x16xf32> to vector<16xf32>
        %get3A_665 = arith.constant 0 : i32
        %get3A_666 = arith.constant 0 : i32
        %get3A_667 = tpu.memref_slice %arg8[%scan3A_230, %get3A_665, %get3A_666] : memref<2x128x128xf32, #tpu.memory_space<vmem>> -> memref<1x128x128xf32, #tpu.memory_space<vmem>>
        %get3A_668 = tpu.memref_squeeze %get3A_667 : memref<1x128x128xf32, #tpu.memory_space<vmem>> -> memref<128x128xf32, #tpu.memory_space<vmem>>
        %get3A_669 = arith.index_cast %add3A_554 : i32 to index
        %get3A_670 = arith.constant 112 : index
        %get3A_671 = tpu.vector_load %get3A_668[%get3A_669, %get3A_670] {strides = array<i32>} : memref<128x128xf32, #tpu.memory_space<vmem>>, vector<1x16xf32>,
        %get3A_672 = vector.shape_cast %get3A_671 : vector<1x16xf32> to vector<16xf32>
        %add3A_673 = arith.addf %get3A_664, %get3A_672 : vector<16xf32>
        %get3A_674 = arith.constant 0 : i32
        %get3A_675 = arith.constant 0 : i32
        %get3A_676 = tpu.memref_slice %arg9[%scan3A_231, %get3A_674, %get3A_675] : memref<2x128x128xf32, #tpu.memory_space<vmem>> -> memref<1x128x128xf32, #tpu.memory_space<vmem>>
        %get3A_677 = tpu.memref_squeeze %get3A_676 : memref<1x128x128xf32, #tpu.memory_space<vmem>> -> memref<128x128xf32, #tpu.memory_space<vmem>>
        %get3A_678 = arith.index_cast %add3A_554 : i32 to index
        %get3A_679 = arith.constant 48 : index
        %get3A_680 = tpu.vector_load %get3A_677[%get3A_678, %get3A_679] {strides = array<i32>} : memref<128x128xf32, #tpu.memory_space<vmem>>, vector<1x16xf32>,
        %get3A_681 = vector.shape_cast %get3A_680 : vector<1x16xf32> to vector<16xf32>
        %add3A_682 = arith.addf %add3A_673, %get3A_681 : vector<16xf32>
        %max3A_683 = arith.constant 0.000000e+00 : f32
        %max3A_684 = vector.broadcast %max3A_683 : f32 to vector<16xf32>
        %max3A_685 = arith.maximumf %add3A_682, %max3A_684 : vector<16xf32>
        %swap3A_686 = arith.index_cast %scan3A_550 : i32 to index
        %swap3A_687 = arith.constant 48 : index
        %swap3A_688 = tpu.vector_load %arg10[%swap3A_686, %swap3A_687] {strides = array<i32>} : memref<64x128xf32, #tpu.memory_space<vmem>>, vector<1x16xf32>,
        %swap3A_689 = vector.shape_cast %swap3A_688 : vector<1x16xf32> to vector<16xf32>
        %swap3A_690 = vector.shape_cast %max3A_685 : vector<16xf32> to vector<1x16xf32>
        tpu.vector_store %arg10[%swap3A_686, %swap3A_687], %swap3A_690 {strides = array<i32>} : memref<64x128xf32, #tpu.memory_space<vmem>>, vector<1x16xf32>,
        %mul3A_691 = arith.constant 2 : i32
        %mul3A_692 = arith.muli %mul3A_691, %scan3A_550 : i32
        %add3A_693 = arith.constant 1 : i32
        %add3A_694 = arith.addi %mul3A_692, %add3A_693 : i32
        %get3A_695 = arith.constant 0 : i32
        %get3A_696 = arith.constant 0 : i32
        %get3A_697 = tpu.memref_slice %arg7[%scan3A_229, %get3A_695, %get3A_696] : memref<2x128x128xf32, #tpu.memory_space<vmem>> -> memref<1x128x128xf32, #tpu.memory_space<vmem>>
        %get3A_698 = tpu.memref_squeeze %get3A_697 : memref<1x128x128xf32, #tpu.memory_space<vmem>> -> memref<128x128xf32, #tpu.memory_space<vmem>>
        %get3A_699 = arith.index_cast %add3A_694 : i32 to index
        %get3A_700 = arith.constant 0 : index
        %get3A_701 = tpu.vector_load %get3A_698[%get3A_699, %get3A_700] {strides = array<i32>} : memref<128x128xf32, #tpu.memory_space<vmem>>, vector<1x16xf32>,
        %get3A_702 = vector.shape_cast %get3A_701 : vector<1x16xf32> to vector<16xf32>
        %get3A_703 = arith.constant 0 : i32
        %get3A_704 = arith.constant 0 : i32
        %get3A_705 = tpu.memref_slice %arg8[%scan3A_230, %get3A_703, %get3A_704] : memref<2x128x128xf32, #tpu.memory_space<vmem>> -> memref<1x128x128xf32, #tpu.memory_space<vmem>>
        %get3A_706 = tpu.memref_squeeze %get3A_705 : memref<1x128x128xf32, #tpu.memory_space<vmem>> -> memref<128x128xf32, #tpu.memory_space<vmem>>
        %get3A_707 = arith.index_cast %add3A_694 : i32 to index
        %get3A_708 = arith.constant 64 : index
        %get3A_709 = tpu.vector_load %get3A_706[%get3A_707, %get3A_708] {strides = array<i32>} : memref<128x128xf32, #tpu.memory_space<vmem>>, vector<1x16xf32>,
        %get3A_710 = vector.shape_cast %get3A_709 : vector<1x16xf32> to vector<16xf32>
        %add3A_711 = arith.addf %get3A_702, %get3A_710 : vector<16xf32>
        %get3A_712 = arith.constant 0 : i32
        %get3A_713 = arith.constant 0 : i32
        %get3A_714 = tpu.memref_slice %arg9[%scan3A_231, %get3A_712, %get3A_713] : memref<2x128x128xf32, #tpu.memory_space<vmem>> -> memref<1x128x128xf32, #tpu.memory_space<vmem>>
        %get3A_715 = tpu.memref_squeeze %get3A_714 : memref<1x128x128xf32, #tpu.memory_space<vmem>> -> memref<128x128xf32, #tpu.memory_space<vmem>>
        %get3A_716 = arith.index_cast %add3A_694 : i32 to index
        %get3A_717 = arith.constant 0 : index
        %get3A_718 = tpu.vector_load %get3A_715[%get3A_716, %get3A_717] {strides = array<i32>} : memref<128x128xf32, #tpu.memory_space<vmem>>, vector<1x16xf32>,
        %get3A_719 = vector.shape_cast %get3A_718 : vector<1x16xf32> to vector<16xf32>
        %add3A_720 = arith.addf %add3A_711, %get3A_719 : vector<16xf32>
        %max3A_721 = arith.constant 0.000000e+00 : f32
        %max3A_722 = vector.broadcast %max3A_721 : f32 to vector<16xf32>
        %max3A_723 = arith.maximumf %add3A_720, %max3A_722 : vector<16xf32>
        %swap3A_724 = arith.index_cast %scan3A_550 : i32 to index
        %swap3A_725 = arith.constant 64 : index
        %swap3A_726 = tpu.vector_load %arg10[%swap3A_724, %swap3A_725] {strides = array<i32>} : memref<64x128xf32, #tpu.memory_space<vmem>>, vector<1x16xf32>,
        %swap3A_727 = vector.shape_cast %swap3A_726 : vector<1x16xf32> to vector<16xf32>
        %swap3A_728 = vector.shape_cast %max3A_723 : vector<16xf32> to vector<1x16xf32>
        tpu.vector_store %arg10[%swap3A_724, %swap3A_725], %swap3A_728 {strides = array<i32>} : memref<64x128xf32, #tpu.memory_space<vmem>>, vector<1x16xf32>,
        %get3A_729 = arith.constant 0 : i32
        %get3A_730 = arith.constant 0 : i32
        %get3A_731 = tpu.memref_slice %arg7[%scan3A_229, %get3A_729, %get3A_730] : memref<2x128x128xf32, #tpu.memory_space<vmem>> -> memref<1x128x128xf32, #tpu.memory_space<vmem>>
        %get3A_732 = tpu.memref_squeeze %get3A_731 : memref<1x128x128xf32, #tpu.memory_space<vmem>> -> memref<128x128xf32, #tpu.memory_space<vmem>>
        %get3A_733 = arith.index_cast %add3A_694 : i32 to index
        %get3A_734 = arith.constant 16 : index
        %get3A_735 = tpu.vector_load %get3A_732[%get3A_733, %get3A_734] {strides = array<i32>} : memref<128x128xf32, #tpu.memory_space<vmem>>, vector<1x16xf32>,
        %get3A_736 = vector.shape_cast %get3A_735 : vector<1x16xf32> to vector<16xf32>
        %get3A_737 = arith.constant 0 : i32
        %get3A_738 = arith.constant 0 : i32
        %get3A_739 = tpu.memref_slice %arg8[%scan3A_230, %get3A_737, %get3A_738] : memref<2x128x128xf32, #tpu.memory_space<vmem>> -> memref<1x128x128xf32, #tpu.memory_space<vmem>>
        %get3A_740 = tpu.memref_squeeze %get3A_739 : memref<1x128x128xf32, #tpu.memory_space<vmem>> -> memref<128x128xf32, #tpu.memory_space<vmem>>
        %get3A_741 = arith.index_cast %add3A_694 : i32 to index
        %get3A_742 = arith.constant 80 : index
        %get3A_743 = tpu.vector_load %get3A_740[%get3A_741, %get3A_742] {strides = array<i32>} : memref<128x128xf32, #tpu.memory_space<vmem>>, vector<1x16xf32>,
        %get3A_744 = vector.shape_cast %get3A_743 : vector<1x16xf32> to vector<16xf32>
        %add3A_745 = arith.addf %get3A_736, %get3A_744 : vector<16xf32>
        %get3A_746 = arith.constant 0 : i32
        %get3A_747 = arith.constant 0 : i32
        %get3A_748 = tpu.memref_slice %arg9[%scan3A_231, %get3A_746, %get3A_747] : memref<2x128x128xf32, #tpu.memory_space<vmem>> -> memref<1x128x128xf32, #tpu.memory_space<vmem>>
        %get3A_749 = tpu.memref_squeeze %get3A_748 : memref<1x128x128xf32, #tpu.memory_space<vmem>> -> memref<128x128xf32, #tpu.memory_space<vmem>>
        %get3A_750 = arith.index_cast %add3A_694 : i32 to index
        %get3A_751 = arith.constant 16 : index
        %get3A_752 = tpu.vector_load %get3A_749[%get3A_750, %get3A_751] {strides = array<i32>} : memref<128x128xf32, #tpu.memory_space<vmem>>, vector<1x16xf32>,
        %get3A_753 = vector.shape_cast %get3A_752 : vector<1x16xf32> to vector<16xf32>
        %add3A_754 = arith.addf %add3A_745, %get3A_753 : vector<16xf32>
        %max3A_755 = arith.constant 0.000000e+00 : f32
        %max3A_756 = vector.broadcast %max3A_755 : f32 to vector<16xf32>
        %max3A_757 = arith.maximumf %add3A_754, %max3A_756 : vector<16xf32>
        %swap3A_758 = arith.index_cast %scan3A_550 : i32 to index
        %swap3A_759 = arith.constant 80 : index
        %swap3A_760 = tpu.vector_load %arg10[%swap3A_758, %swap3A_759] {strides = array<i32>} : memref<64x128xf32, #tpu.memory_space<vmem>>, vector<1x16xf32>,
        %swap3A_761 = vector.shape_cast %swap3A_760 : vector<1x16xf32> to vector<16xf32>
        %swap3A_762 = vector.shape_cast %max3A_757 : vector<16xf32> to vector<1x16xf32>
        tpu.vector_store %arg10[%swap3A_758, %swap3A_759], %swap3A_762 {strides = array<i32>} : memref<64x128xf32, #tpu.memory_space<vmem>>, vector<1x16xf32>,
        %get3A_763 = arith.constant 0 : i32
        %get3A_764 = arith.constant 0 : i32
        %get3A_765 = tpu.memref_slice %arg7[%scan3A_229, %get3A_763, %get3A_764] : memref<2x128x128xf32, #tpu.memory_space<vmem>> -> memref<1x128x128xf32, #tpu.memory_space<vmem>>
        %get3A_766 = tpu.memref_squeeze %get3A_765 : memref<1x128x128xf32, #tpu.memory_space<vmem>> -> memref<128x128xf32, #tpu.memory_space<vmem>>
        %get3A_767 = arith.index_cast %add3A_694 : i32 to index
        %get3A_768 = arith.constant 32 : index
        %get3A_769 = tpu.vector_load %get3A_766[%get3A_767, %get3A_768] {strides = array<i32>} : memref<128x128xf32, #tpu.memory_space<vmem>>, vector<1x16xf32>,
        %get3A_770 = vector.shape_cast %get3A_769 : vector<1x16xf32> to vector<16xf32>
        %get3A_771 = arith.constant 0 : i32
        %get3A_772 = arith.constant 0 : i32
        %get3A_773 = tpu.memref_slice %arg8[%scan3A_230, %get3A_771, %get3A_772] : memref<2x128x128xf32, #tpu.memory_space<vmem>> -> memref<1x128x128xf32, #tpu.memory_space<vmem>>
        %get3A_774 = tpu.memref_squeeze %get3A_773 : memref<1x128x128xf32, #tpu.memory_space<vmem>> -> memref<128x128xf32, #tpu.memory_space<vmem>>
        %get3A_775 = arith.index_cast %add3A_694 : i32 to index
        %get3A_776 = arith.constant 96 : index
        %get3A_777 = tpu.vector_load %get3A_774[%get3A_775, %get3A_776] {strides = array<i32>} : memref<128x128xf32, #tpu.memory_space<vmem>>, vector<1x16xf32>,
        %get3A_778 = vector.shape_cast %get3A_777 : vector<1x16xf32> to vector<16xf32>
        %add3A_779 = arith.addf %get3A_770, %get3A_778 : vector<16xf32>
        %get3A_780 = arith.constant 0 : i32
        %get3A_781 = arith.constant 0 : i32
        %get3A_782 = tpu.memref_slice %arg9[%scan3A_231, %get3A_780, %get3A_781] : memref<2x128x128xf32, #tpu.memory_space<vmem>> -> memref<1x128x128xf32, #tpu.memory_space<vmem>>
        %get3A_783 = tpu.memref_squeeze %get3A_782 : memref<1x128x128xf32, #tpu.memory_space<vmem>> -> memref<128x128xf32, #tpu.memory_space<vmem>>
        %get3A_784 = arith.index_cast %add3A_694 : i32 to index
        %get3A_785 = arith.constant 32 : index
        %get3A_786 = tpu.vector_load %get3A_783[%get3A_784, %get3A_785] {strides = array<i32>} : memref<128x128xf32, #tpu.memory_space<vmem>>, vector<1x16xf32>,
        %get3A_787 = vector.shape_cast %get3A_786 : vector<1x16xf32> to vector<16xf32>
        %add3A_788 = arith.addf %add3A_779, %get3A_787 : vector<16xf32>
        %max3A_789 = arith.constant 0.000000e+00 : f32
        %max3A_790 = vector.broadcast %max3A_789 : f32 to vector<16xf32>
        %max3A_791 = arith.maximumf %add3A_788, %max3A_790 : vector<16xf32>
        %swap3A_792 = arith.index_cast %scan3A_550 : i32 to index
        %swap3A_793 = arith.constant 96 : index
        %swap3A_794 = tpu.vector_load %arg10[%swap3A_792, %swap3A_793] {strides = array<i32>} : memref<64x128xf32, #tpu.memory_space<vmem>>, vector<1x16xf32>,
        %swap3A_795 = vector.shape_cast %swap3A_794 : vector<1x16xf32> to vector<16xf32>
        %swap3A_796 = vector.shape_cast %max3A_791 : vector<16xf32> to vector<1x16xf32>
        tpu.vector_store %arg10[%swap3A_792, %swap3A_793], %swap3A_796 {strides = array<i32>} : memref<64x128xf32, #tpu.memory_space<vmem>>, vector<1x16xf32>,
        %get3A_797 = arith.constant 0 : i32
        %get3A_798 = arith.constant 0 : i32
        %get3A_799 = tpu.memref_slice %arg7[%scan3A_229, %get3A_797, %get3A_798] : memref<2x128x128xf32, #tpu.memory_space<vmem>> -> memref<1x128x128xf32, #tpu.memory_space<vmem>>
        %get3A_800 = tpu.memref_squeeze %get3A_799 : memref<1x128x128xf32, #tpu.memory_space<vmem>> -> memref<128x128xf32, #tpu.memory_space<vmem>>
        %get3A_801 = arith.index_cast %add3A_694 : i32 to index
        %get3A_802 = arith.constant 48 : index
        %get3A_803 = tpu.vector_load %get3A_800[%get3A_801, %get3A_802] {strides = array<i32>} : memref<128x128xf32, #tpu.memory_space<vmem>>, vector<1x16xf32>,
        %get3A_804 = vector.shape_cast %get3A_803 : vector<1x16xf32> to vector<16xf32>
        %get3A_805 = arith.constant 0 : i32
        %get3A_806 = arith.constant 0 : i32
        %get3A_807 = tpu.memref_slice %arg8[%scan3A_230, %get3A_805, %get3A_806] : memref<2x128x128xf32, #tpu.memory_space<vmem>> -> memref<1x128x128xf32, #tpu.memory_space<vmem>>
        %get3A_808 = tpu.memref_squeeze %get3A_807 : memref<1x128x128xf32, #tpu.memory_space<vmem>> -> memref<128x128xf32, #tpu.memory_space<vmem>>
        %get3A_809 = arith.index_cast %add3A_694 : i32 to index
        %get3A_810 = arith.constant 112 : index
        %get3A_811 = tpu.vector_load %get3A_808[%get3A_809, %get3A_810] {strides = array<i32>} : memref<128x128xf32, #tpu.memory_space<vmem>>, vector<1x16xf32>,
        %get3A_812 = vector.shape_cast %get3A_811 : vector<1x16xf32> to vector<16xf32>
        %add3A_813 = arith.addf %get3A_804, %get3A_812 : vector<16xf32>
        %get3A_814 = arith.constant 0 : i32
        %get3A_815 = arith.constant 0 : i32
        %get3A_816 = tpu.memref_slice %arg9[%scan3A_231, %get3A_814, %get3A_815] : memref<2x128x128xf32, #tpu.memory_space<vmem>> -> memref<1x128x128xf32, #tpu.memory_space<vmem>>
        %get3A_817 = tpu.memref_squeeze %get3A_816 : memref<1x128x128xf32, #tpu.memory_space<vmem>> -> memref<128x128xf32, #tpu.memory_space<vmem>>
        %get3A_818 = arith.index_cast %add3A_694 : i32 to index
        %get3A_819 = arith.constant 48 : index
        %get3A_820 = tpu.vector_load %get3A_817[%get3A_818, %get3A_819] {strides = array<i32>} : memref<128x128xf32, #tpu.memory_space<vmem>>, vector<1x16xf32>,
        %get3A_821 = vector.shape_cast %get3A_820 : vector<1x16xf32> to vector<16xf32>
        %add3A_822 = arith.addf %add3A_813, %get3A_821 : vector<16xf32>
        %max3A_823 = arith.constant 0.000000e+00 : f32
        %max3A_824 = vector.broadcast %max3A_823 : f32 to vector<16xf32>
        %max3A_825 = arith.maximumf %add3A_822, %max3A_824 : vector<16xf32>
        %swap3A_826 = arith.index_cast %scan3A_550 : i32 to index
        %swap3A_827 = arith.constant 112 : index
        %swap3A_828 = tpu.vector_load %arg10[%swap3A_826, %swap3A_827] {strides = array<i32>} : memref<64x128xf32, #tpu.memory_space<vmem>>, vector<1x16xf32>,
        %swap3A_829 = vector.shape_cast %swap3A_828 : vector<1x16xf32> to vector<16xf32>
        %swap3A_830 = vector.shape_cast %max3A_825 : vector<16xf32> to vector<1x16xf32>
        tpu.vector_store %arg10[%swap3A_826, %swap3A_827], %swap3A_830 {strides = array<i32>} : memref<64x128xf32, #tpu.memory_space<vmem>>, vector<1x16xf32>,
        %scan3A_831 = arith.constant 0 : i32
        scf.yield %scan3A_831 : i32
      }
      %scan3A_238 = arith.constant 64 : i32
      %mul3A_239 = arith.constant 128 : i32
      %mul3A_240 = arith.muli %add3A_189, %mul3A_239 : i32
      %add3A_241 = arith.addi %mul3A_2, %mul3A_240 : i32
      %multiple_of3A_242 = tpu.assume_multiple %add3A_241, 128 : i32
      %jit3A_243 = arith.constant 2 : i32
      %div3A_244 = arith.divsi %multiple_of3A_242, %jit3A_243 : i32
      %sign3A_245 = arith.constant 0 : i32
      %sign3A_246 = arith.cmpi sgt, %multiple_of3A_242, %sign3A_245 : i32
      %sign3A_247 = arith.extui %sign3A_246 : i1 to i32
      %sign3A_248 = arith.constant 0 : i32
      %sign3A_249 = arith.cmpi slt, %multiple_of3A_242, %sign3A_248 : i32
      %sign3A_250 = arith.extui %sign3A_249 : i1 to i32
      %sign3A_251 = arith.subi %sign3A_247, %sign3A_250 : i32
      %sign3A_252 = arith.constant 0 : i32
      %sign3A_253 = arith.cmpi sgt, %jit3A_243, %sign3A_252 : i32
      %sign3A_254 = arith.extui %sign3A_253 : i1 to i32
      %sign3A_255 = arith.constant 0 : i32
      %sign3A_256 = arith.cmpi slt, %jit3A_243, %sign3A_255 : i32
      %sign3A_257 = arith.extui %sign3A_256 : i1 to i32
      %sign3A_258 = arith.subi %sign3A_254, %sign3A_257 : i32
      %ne3A_259 = arith.cmpi ne, %sign3A_251, %sign3A_258 : i32
      %rem3A_260 = arith.remsi %multiple_of3A_242, %jit3A_243 : i32
      %ne3A_261 = arith.constant 0 : i32
      %ne3A_262 = arith.cmpi ne, %rem3A_260, %ne3A_261 : i32
      %and3A_263 = arith.andi %ne3A_259, %ne3A_262 : i1
      %sub3A_264 = arith.constant 1 : i32
      %sub3A_265 = arith.subi %div3A_244, %sub3A_264 : i32
      %select_n3A_266 = arith.select %and3A_263, %sub3A_265, %div3A_244 : i32
      %multiple_of3A_267 = tpu.assume_multiple %select_n3A_266, 64 : i32
      "tpu.region"() ({
        %run_scoped3A = tpu.sem_alloc : memref<!tpu.dma_semaphore, #tpu.memory_space<semaphore_mem>>
        %dma_start3A_269 = arith.constant 0 : i32
        %dma_start3A_270 = tpu.memref_slice %arg5[%multiple_of3A_267, %dma_start3A_269] : memref<102400x128xf32, #tpu.memory_space<hbm>> -> memref<64x128xf32, #tpu.memory_space<hbm>>
        %dma_start3A_271 = arith.constant 0 : i32
        %dma_start3A_272 = tpu.memref_slice %arg5[%multiple_of3A_267, %dma_start3A_271] : memref<102400x128xf32, #tpu.memory_space<hbm>> -> memref<64x128xf32, #tpu.memory_space<hbm>>
        tpu.enqueue_dma source(%arg10 : memref<64x128xf32, #tpu.memory_space<vmem>>) target(%dma_start3A_272 : memref<64x128xf32, #tpu.memory_space<hbm>>) target_semaphore(%run_scoped3A : memref<!tpu.dma_semaphore, #tpu.memory_space<semaphore_mem>>)
        %dma_wait3A_273 = arith.constant 0 : i32
        %dma_wait3A_274 = tpu.memref_slice %arg5[%multiple_of3A_267, %dma_wait3A_273] : memref<102400x128xf32, #tpu.memory_space<hbm>> -> memref<64x128xf32, #tpu.memory_space<hbm>>
        %dma_wait3A_275 = arith.constant 0 : i32
        %dma_wait3A_276 = tpu.memref_slice %arg5[%multiple_of3A_267, %dma_wait3A_275] : memref<102400x128xf32, #tpu.memory_space<hbm>> -> memref<64x128xf32, #tpu.memory_space<hbm>>
        tpu.wait_dma2 semaphore(%run_scoped3A : memref<!tpu.dma_semaphore, #tpu.memory_space<semaphore_mem>>) src(%arg10 : memref<64x128xf32, #tpu.memory_space<vmem>>) dst(%dma_wait3A_276 : memref<64x128xf32, #tpu.memory_space<hbm>>)
        tpu.yield
      }) : () -> ()
      %scan3A_268 = arith.constant 0 : i32
      scf.yield %scan3A_268 : i32
    }
    %scan3A_59 = arith.constant 25 : i32
    return
  }
}

module attributes {stable_mosaic.version = 14 : i64} {
  func.func @_project_kernel(%arg0: i32, %arg1: memref<64x2048xf32, #tpu.memory_space<vmem>>, %arg2: memref<64x2048xf32, #tpu.memory_space<vmem>>, %arg3: memref<64x2048xf32, #tpu.memory_space<vmem>>, %arg4: memref<64x64xf32, #tpu.memory_space<vmem>>, %arg5: memref<64x64xf32, #tpu.memory_space<vmem>>, %arg6: memref<64x64xf32, #tpu.memory_space<vmem>>, %arg7: memref<1x64xf32, #tpu.memory_space<vmem>>, %arg8: memref<2048x128xf32, #tpu.memory_space<vmem>>, %arg9: memref<2048x128xf32, #tpu.memory_space<vmem>>) attributes {dimension_semantics = [#tpu.dimension_semantics<arbitrary>], iteration_bounds = array<i64: 49>, scalar_prefetch = 0 : i64, scratch_operands = 0 : i64, tpu.core_type = #tpu.core_type<tc>, window_params = [{transform_indices = @transform_0, window_bounds = array<i64: 64, 2048>}, {transform_indices = @transform_1, window_bounds = array<i64: 64, 2048>}, {transform_indices = @transform_2, window_bounds = array<i64: 64, 2048>}, {pipeline_mode = #tpu.pipeline_mode<synchronous>, transform_indices = @transform_3, window_bounds = array<i64: 64, 64>}, {pipeline_mode = #tpu.pipeline_mode<synchronous>, transform_indices = @transform_4, window_bounds = array<i64: 64, 64>}, {pipeline_mode = #tpu.pipeline_mode<synchronous>, transform_indices = @transform_5, window_bounds = array<i64: 64, 64>}, {pipeline_mode = #tpu.pipeline_mode<synchronous>, transform_indices = @transform_6, window_bounds = array<i64: 1, 64>}, {transform_indices = @transform_7, window_bounds = array<i64: 2048, 128>}, {transform_indices = @transform_8, window_bounds = array<i64: 2048, 128>}]} {
    %get3A = arith.constant 0 : index
    %get3A_0 = arith.constant 0 : index
    %get3A_1 = vector.load %arg1[%get3A, %get3A_0] : memref<64x2048xf32, #tpu.memory_space<vmem>>, vector<64x2048xf32>
    %get3A_2 = arith.constant 0 : index
    %get3A_3 = arith.constant 0 : index
    %get3A_4 = vector.load %arg4[%get3A_2, %get3A_3] : memref<64x64xf32, #tpu.memory_space<vmem>>, vector<64x64xf32>
    %dot_general3A = arith.constant dense<0.000000e+00> : vector<2048x64xf32>
    %dot_general3A_5 = tpu.matmul %get3A_1, %get3A_4, %dot_general3A {dimension_numbers = #tpu.dot_dimension_numbers<[0], [0], [1], [1], [0, 1, 1, 1], [], []>, transpose_lhs_hint = false} : vector<64x2048xf32>, vector<64x64xf32>, vector<2048x64xf32> -> vector<2048x64xf32>
    %get3A_6 = arith.constant 0 : index
    %get3A_7 = arith.constant 0 : index
    %get3A_8 = vector.load %arg2[%get3A_6, %get3A_7] : memref<64x2048xf32, #tpu.memory_space<vmem>>, vector<64x2048xf32>
    %get3A_9 = arith.constant 0 : index
    %get3A_10 = arith.constant 0 : index
    %get3A_11 = vector.load %arg5[%get3A_9, %get3A_10] : memref<64x64xf32, #tpu.memory_space<vmem>>, vector<64x64xf32>
    %dot_general3A_12 = arith.constant dense<0.000000e+00> : vector<2048x64xf32>
    %dot_general3A_13 = tpu.matmul %get3A_8, %get3A_11, %dot_general3A_12 {dimension_numbers = #tpu.dot_dimension_numbers<[0], [0], [1], [1], [0, 1, 1, 1], [], []>, transpose_lhs_hint = false} : vector<64x2048xf32>, vector<64x64xf32>, vector<2048x64xf32> -> vector<2048x64xf32>
    %get3A_14 = arith.constant 0 : index
    %get3A_15 = arith.constant 0 : index
    %get3A_16 = vector.load %arg3[%get3A_14, %get3A_15] : memref<64x2048xf32, #tpu.memory_space<vmem>>, vector<64x2048xf32>
    %get3A_17 = arith.constant 0 : index
    %get3A_18 = arith.constant 0 : index
    %get3A_19 = vector.load %arg6[%get3A_17, %get3A_18] : memref<64x64xf32, #tpu.memory_space<vmem>>, vector<64x64xf32>
    %dot_general3A_20 = arith.constant dense<0.000000e+00> : vector<2048x64xf32>
    %dot_general3A_21 = tpu.matmul %get3A_16, %get3A_19, %dot_general3A_20 {dimension_numbers = #tpu.dot_dimension_numbers<[0], [0], [1], [1], [0, 1, 1, 1], [], []>, transpose_lhs_hint = false} : vector<64x2048xf32>, vector<64x64xf32>, vector<2048x64xf32> -> vector<2048x64xf32>
    %get3A_22 = arith.constant 0 : index
    %get3A_23 = arith.constant 0 : index
    %get3A_24 = vector.load %arg7[%get3A_22, %get3A_23] : memref<1x64xf32, #tpu.memory_space<vmem>>, vector<1x64xf32>
    %add3A = vector.broadcast %get3A_24 : vector<1x64xf32> to vector<2048x64xf32>
    %add3A_25 = arith.addf %dot_general3A_5, %add3A : vector<2048x64xf32>
    %add3A_26 = vector.broadcast %get3A_24 : vector<1x64xf32> to vector<2048x64xf32>
    %add3A_27 = arith.addf %dot_general3A_13, %add3A_26 : vector<2048x64xf32>
    %concatenate3A = tpu.concatenate %add3A_25, %add3A_27 in 1 : vector<2048x64xf32>, vector<2048x64xf32> -> vector<2048x128xf32>
    %swap3A = arith.constant 0 : index
    %swap3A_28 = arith.constant 0 : index
    %swap3A_29 = vector.load %arg8[%swap3A, %swap3A_28] : memref<2048x128xf32, #tpu.memory_space<vmem>>, vector<2048x128xf32>
    tpu.vector_store %arg8[%swap3A, %swap3A_28], %concatenate3A {strides = array<i32>} : memref<2048x128xf32, #tpu.memory_space<vmem>>, vector<2048x128xf32>,
    %add3A_30 = vector.broadcast %get3A_24 : vector<1x64xf32> to vector<2048x64xf32>
    %add3A_31 = arith.addf %dot_general3A_21, %add3A_30 : vector<2048x64xf32>
    %add3A_32 = vector.broadcast %get3A_24 : vector<1x64xf32> to vector<2048x64xf32>
    %add3A_33 = arith.addf %dot_general3A_21, %add3A_32 : vector<2048x64xf32>
    %concatenate3A_34 = tpu.concatenate %add3A_31, %add3A_33 in 1 : vector<2048x64xf32>, vector<2048x64xf32> -> vector<2048x128xf32>
    %swap3A_35 = arith.constant 0 : index
    %swap3A_36 = arith.constant 0 : index
    %swap3A_37 = vector.load %arg9[%swap3A_35, %swap3A_36] : memref<2048x128xf32, #tpu.memory_space<vmem>>, vector<2048x128xf32>
    tpu.vector_store %arg9[%swap3A_35, %swap3A_36], %concatenate3A_34 {strides = array<i32>} : memref<2048x128xf32, #tpu.memory_space<vmem>>, vector<2048x128xf32>,
    return
  }
  func.func @transform_0(%arg0: i32) -> (i32, i32) {
    %c0_i32 = arith.constant 0 : i32
    %c0_i32_0 = arith.constant 0 : i32
    return %c0_i32, %arg0 : i32, i32
  }
  func.func @transform_1(%arg0: i32) -> (i32, i32) {
    %c0_i32 = arith.constant 0 : i32
    %c0_i32_0 = arith.constant 0 : i32
    return %c0_i32, %arg0 : i32, i32
  }
  func.func @transform_2(%arg0: i32) -> (i32, i32) {
    %c0_i32 = arith.constant 0 : i32
    %c0_i32_0 = arith.constant 0 : i32
    return %c0_i32, %arg0 : i32, i32
  }
  func.func @transform_3(%arg0: i32) -> (i32, i32) {
    %c0_i32 = arith.constant 0 : i32
    %c0_i32_0 = arith.constant 0 : i32
    %c0_i32_1 = arith.constant 0 : i32
    return %c0_i32, %c0_i32_0 : i32, i32
  }
  func.func @transform_4(%arg0: i32) -> (i32, i32) {
    %c0_i32 = arith.constant 0 : i32
    %c0_i32_0 = arith.constant 0 : i32
    %c0_i32_1 = arith.constant 0 : i32
    return %c0_i32, %c0_i32_0 : i32, i32
  }
  func.func @transform_5(%arg0: i32) -> (i32, i32) {
    %c0_i32 = arith.constant 0 : i32
    %c0_i32_0 = arith.constant 0 : i32
    %c0_i32_1 = arith.constant 0 : i32
    return %c0_i32, %c0_i32_0 : i32, i32
  }
  func.func @transform_6(%arg0: i32) -> (i32, i32) {
    %c0_i32 = arith.constant 0 : i32
    %c0_i32_0 = arith.constant 0 : i32
    %c0_i32_1 = arith.constant 0 : i32
    return %c0_i32, %c0_i32_0 : i32, i32
  }
  func.func @transform_7(%arg0: i32) -> (i32, i32) {
    %c0_i32 = arith.constant 0 : i32
    %c0_i32_0 = arith.constant 0 : i32
    return %arg0, %c0_i32 : i32, i32
  }
  func.func @transform_8(%arg0: i32) -> (i32, i32) {
    %c0_i32 = arith.constant 0 : i32
    %c0_i32_0 = arith.constant 0 : i32
    return %arg0, %c0_i32 : i32, i32
  }
}

</mosaic_0001>

<sc_bundles>
// kernel: kernel.4.cloned.1.call-start
scs
__scs_entry_jumppad:
0x0: {  	(pc) =	sbr.rel $0x88, $3  }
0x1: {  	(tag) =	ssettag $0x0;
	lr =	simm.s32 $0x1  }
0x2: {  	[smem:$0x3F9B] =	sst lr;
	_ =	strace $0xD0000000  }
0x3: {  	_ = 	snop  }
0x4: {  	_ = 	snop  }
0x5: {  	_ = 	snop  }
0x6: {  	_ = 	snop  }
0x7: {  	_ = 	snop  }
__scs_overlays_trampoline_lowered:
0x8: {  	[smem:$0x3FAA] =	sst s0  }
0x9: {  	[smem:$0x3FAB] =	sst s1  }
0xa: {  	[smem:$0x3FAC] =	sst s2  }
0xb: {  	[smem:$0x3FAD] =	sst s3  }
0xc: {  	[smem:$0x3FAE] =	sst s4  }
0xd: {  	[smem:$0x3FAF] =	sst s5  }
0xe: {  	[smem:$0x3FB0] =	sst s6  }
0xf: {  	[smem:$0x3FB1] =	sst s7  }
0x10: {  	[smem:$0x3FB2] =	sst s8  }
0x11: {  	[smem:$0x3FB3] =	sst s9;
	s0 =	simm.s32 @!p0 $0x0  }
0x12: {  	s1 =	sld [smem:$0x3F99];
	s0 =	simm.s32 @p0 $0x1  }
0x13: {  	[smem:$0x3FB4] =	sst s0;
	s0 =	simm.s32 @!p1 $0x0  }
0x14: {  	s2 =	sld [smem:$0x3F98];
	s0 =	simm.s32 @p1 $0x1  }
0x15: {  	[smem:$0x3FB5] =	sst s0;
	s0 =	simm.s32 @!p2 $0x0  }
0x16: {  	s3 =	sld [smem:$0x3FDB];
	s0 =	simm.s32 @p2 $0x1  }
0x17: {  	s4 =	simm.s32 $0x1BF5;
	[smem:$0x3FB7] =	sst s0  }
0x18: {  	s0 =	sld [smem:$0x3F9A];
	_ =	swait.ge [sflag:s4], $0x0  }
0x19: {  	s7 =	sld [smem:$0x3F9B]  }
0x1a: {  	s8 =	sadd.s32 $0xFFFFE003, lr  }
0x1b: {  	s9 =	sadd.s32 $0xFFFFFEF7, lr;
	s5 =	simm.s32 $0xFFFFFFFF;
	p2 =	slt.u32 s8, $0xFFFFF086  }
0x1c: {  	p1 =	slt.u32 s9, $0xF7A;
	s5 =	simm.s32 @!p2 $0x0  }
0x1d: {  	s5 =	simm.s32 @p1 $0x1;
	p0 =	seq.s32 s7, s2  }
0x1e: {  	s7 =	smul.u32 @!p0 $0xF7A, s2;
	p2 =	seq.s32 @!p0 s5, $0x0  }
0x1f: {  	s9 =	smul.u32 $0xF7A, s1;
	s8 =	simm.s32 @!p0 $0x1BF5;
	p2 =	por !p2, p0  }
0x20: {  	[sflag:s8] =	ssyncset.s32 @!p0 $0xFFFFF086;
	s6 =	sadd.s32 @!p0 s3, s7;
	s7 =	simm.s32 @!p0 $0x108  }
0x21: {  	s3 =	sadd.s32 s3, s9;
	s6 =	sadd.s32 @!p0 $0x88, s6;
	s7 =	simm.s32 @p2 $0x1082  }
0x22: {  	[simem:s7], [sflag:s8] =	dma.local @!p0 [hbm:s6], $0xF7A  }
0x23: {  	s9 =	sor.u32 $0xD0000000, s2;
	s6 =	simm.s32 $0x108;
	_ =	swait.ge @!p0 [sflag:s8], $0x0  }
0x24: {  	s3 =	sadd.s32 $0x88, s3;
	s6 =	simm.s32 @!p1 $0x1082;
	[sflag:s4] =	ssyncset.s32 $0xFFFFF086  }
0x25: {  	[simem:s6], [sflag:s4] =	dma.local [hbm:s3], $0xF7A  }
0x26: {  	[smem:$0x3F9B] =	sst s1;
	(tag) =	ssettag s2;
	_ =	strace s9  }
0x27: {  	s1 =	sld [smem:$0x3FAB]  }
0x28: {  	s2 =	sld [smem:$0x3FAC]  }
0x29: {  	s4 =	sld [smem:$0x3FAE]  }
0x2a: {  	p0 =	seq.s32 s5, $0x0;
	s5 =	sld [smem:$0x3FAF]  }
0x2b: {  	s6 =	sld [smem:$0x3FB0]  }
0x2c: {  	s7 =	sld [smem:$0x3FB1]  }
0x2d: {  	s3 =	simm.s32 $0x108;
	s8 =	sld [smem:$0x3FB2]  }
0x2e: {  	s3 =	simm.s32 @!p0 $0x1082;
	s9 =	sld [smem:$0x3FB3]  }
0x2f: {  	lr =	sadd.s32 s0, s3;
	s0 =	sld [smem:$0x3FAA]  }
0x30: {  	s3 =	sld [smem:$0x3FAD]  }
0x31: {  	[smem:$0x3FB6] =	sst s10  }
0x32: {  	s10 =	sld [smem:$0x3FB4];
	_ =	sdelay $0x3  }
0x33: {  	p0 =	seq.s32 s10, $0x1;
	s10 =	sld [smem:$0x3FB6];
	_ =	sdelay $0x3  }
0x34: {  	[smem:$0x3FB6] =	sst s10  }
0x35: {  	s10 =	sld [smem:$0x3FB5];
	_ =	sdelay $0x3  }
0x36: {  	p1 =	seq.s32 s10, $0x1;
	s10 =	sld [smem:$0x3FB6];
	_ =	sdelay $0x3  }
0x37: {  	[smem:$0x3FB6] =	sst s10  }
0x38: {  	s10 =	sld [smem:$0x3FB7]  }
0x39: {  	_ = 	snop;
	(pc) =	sbr.ind lr, $3  }
0x3a: {  	_ = 	snop  }
0x3b: {  	_ = 	snop  }
0x3c: {  	p2 =	seq.s32 s10, $0x1;
	s10 =	sld [smem:$0x3FB6]  }
0x3d: {  	_ =	shalt  }
0x3e: {  	_ =	shalt  }
0x3f: {  	_ =	shalt  }
0x40: {  	_ =	shalt  }
0x41: {  	_ =	shalt  }
0x42: {  	_ =	shalt  }
0x43: {  	_ =	shalt  }
0x44: {  	_ =	shalt  }
0x45: {  	_ =	shalt  }
0x46: {  	_ =	shalt  }
0x47: {  	_ =	shalt  }
0x48: {  	_ =	shalt  }
0x49: {  	_ =	shalt  }
0x4a: {  	_ =	shalt  }
0x4b: {  	_ =	shalt  }
0x4c: {  	_ =	shalt  }
0x4d: {  	_ =	shalt  }
0x4e: {  	_ =	shalt  }
0x4f: {  	_ =	shalt  }
0x50: {  	_ =	shalt  }
0x51: {  	_ =	shalt  }
0x52: {  	_ =	shalt  }
0x53: {  	_ =	shalt  }
0x54: {  	_ =	shalt  }
0x55: {  	_ =	shalt  }
0x56: {  	_ =	shalt  }
0x57: {  	_ =	shalt  }
0x58: {  	_ =	shalt  }
0x59: {  	_ =	shalt  }
0x5a: {  	_ =	shalt  }
0x5b: {  	_ =	shalt  }
0x5c: {  	_ =	shalt  }
0x5d: {  	_ =	shalt  }
0x5e: {  	_ =	shalt  }
0x5f: {  	_ =	shalt  }
0x60: {  	_ =	shalt  }
0x61: {  	_ =	shalt  }
0x62: {  	_ =	shalt  }
0x63: {  	_ =	shalt  }
0x64: {  	_ =	shalt  }
0x65: {  	_ =	shalt  }
0x66: {  	_ =	shalt  }
0x67: {  	_ =	shalt  }
0x68: {  	_ =	shalt  }
0x69: {  	_ =	shalt  }
0x6a: {  	_ =	shalt  }
0x6b: {  	_ =	shalt  }
0x6c: {  	_ =	shalt  }
0x6d: {  	_ =	shalt  }
0x6e: {  	_ =	shalt  }
0x6f: {  	_ =	shalt  }
0x70: {  	_ =	shalt  }
0x71: {  	_ =	shalt  }
0x72: {  	_ =	shalt  }
0x73: {  	_ =	shalt  }
0x74: {  	_ =	shalt  }
0x75: {  	_ =	shalt  }
0x76: {  	_ =	shalt  }
0x77: {  	_ =	shalt  }
0x78: {  	_ =	shalt  }
0x79: {  	_ =	shalt  }
0x7a: {  	_ =	shalt  }
0x7b: {  	_ =	shalt  }
0x7c: {  	_ =	shalt  }
0x7d: {  	_ =	shalt  }
0x7e: {  	_ =	shalt  }
0x7f: {  	_ =	shalt  }
0x80: {  	_ =	shalt  }
0x81: {  	_ =	shalt  }
0x82: {  	_ =	shalt  }
0x83: {  	_ =	shalt  }
0x84: {  	_ =	shalt  }
0x85: {  	_ =	shalt  }
0x86: {  	_ =	shalt  }
0x87: {  	_ =	shalt  }
.Lfunc_end0:
.L_simem_size_0:
called_computation.1_lowered:
.L_overlay_start_0:
0x88: {  	s2 =	sld [smem:$0x3FD9]  }
0x89: {  	s3 =	sld [smem:$0x3FFE];
	_ =	sdelay $0x1  }
0x8a: {  	s1 =	srdreg.scid  }
0x8b: {  	s0 =	sand.u32 $0x1, s1  }
0x8c: {  	s17 =	sshll.u32 s0, $0xA;
	s2 =	sadd.s32 s3, s2  }
0x8d: {  	s2 =	sadd.s32 s2, s17  }
0x8e: {  	[smem:$0x3FC2] =	sst s2  }
0x8f: {  	_ = 	snop  }
0x90: {  	s2 =	sld [smem:$0x3FD0];
	(tm) =	ssettm $0x1  }
0x91: {  	s18 =	sld [smem:$0x3FFB];
	_ =	sdelay $0x3  }
0x92: {  	_ =	strace s18  }
0x93: {  	s3 =	sld [smem:$0x3FFC];
	_ =	sdelay $0x3  }
0x94: {  	_ =	strace s3  }
0x95: {  	s3 =	sld [smem:$0x3FFD];
	_ =	sdelay $0x3  }
0x96: {  	_ =	strace s3  }
0x97: {  	_ =	strace $0x8FFFFFFF  }
0x98: {  	s19 =	sld [smem:$0x3FDB];
	_ =	sdelay $0x1  }
0x99: {  	s4 =	simm.s32 $_scs_section_size  }
0x9a: {  	s5 =	simm.s32 $_size__tile_overlayer_lowered;
	s6 =	simm.s32 $_tile_overlayer_lowered  }
0x9b: {  	s22 =	simm.s32 $0x1BFF;
	s21 =	sshll.u32 s6, $0x1;
	s3 =	sadd.s32 s4, s19  }
0x9c: {  	s7 =	simm.s32 $0x0;
	s20 =	sshll.u32 s5, $0x1;
	s5 =	sadd.s32 s21, s3  }
0x9d: {  	[timem:s7], [sflag:s22] =	dma.local [hbm:s5], s20  }
0x9e: {  	_ =	swait.ge [sflag:s22], s20  }
0x9f: {  	s4 =	ssub.s32 $0x0, s20;
	[sflag:s22] =	ssyncset.done $0x0  }
0xa0: {  	[sflag:s22] =	ssyncadd.s32 s4;
	_ =	sdelay $0x1  }
0xa1: {  	s23 =	simm.s32 $0x1B8B  }
0xa2: {  	_ =	swait.ge [sflag:s23], $0x1  }
0xa3: {  	[sflag:s23] =	ssyncset.done $0x0  }
0xa4: {  	s25 =	simm.s32 $0x1B8E;
	s24 =	sld [smem:$0x3FFE];
	[sflag:s23] =	ssyncadd.s32 $0xFFFFFFFF  }
0xa5: {  	s26 =	simm.s32 $execute0_lowered;
	[smem:$0x3FD2] =	sst s25  }
0xa6: {  	s5 =	sshll.u32 s26, $0x1;
	_ =	strace $0x80000046;
	[dreg:$0x1] =	wrdreg $0xFFFFFFFF  }
0xa7: {  	s28 =	simm.s32 $_size_execute0_lowered;
	s3 =	sadd.s32 s3, s5;
	[dreg:$0x0] =	wrdreg $0x0  }
0xa8: {  	s5 =	sshll.u32 s28, $0x1;
	[dreg:$0x2] =	wrdreg s3  }
0xa9: {  	[dreg:$0x3] =	wrdreg s5  }
0xaa: {  	[dreg:$0x4] =	wrdreg $0xC0  }
0xab: {  	_ =	task [dreg:s7], $0x5FFFF  }
0xac: {  	[dreg:$0x1] =	wrdreg $0xFFFFFFFF  }
0xad: {  	[dreg:$0x0] =	wrdreg $0x60  }
0xae: {  	[dreg:$0x2] =	wrdreg s24  }
0xaf: {  	[dreg:$0x3] =	wrdreg s2  }
0xb0: {  	[dreg:$0x4] =	wrdreg $0x9  }
0xb1: {  	_ =	task.clear_ibuf [dreg:s7], $0x5FFFF;
	_ =	strace $0x90000046  }
0xb2: {  	s29 =	simm.s32 $0x9;
	_ =	strace $0x80000048  }
0xb3: {  	_ =	swait.ge [sflag:s29], $0x1  }
0xb4: {  	[sflag:s29] =	ssyncadd.s32 $0xFFFFFFFF  }
0xb5: {  	_ =	strace $0x90000048  }
0xb6: {  	_ =	sfence  }
0xb7: {  	s30 =	sld [smem:$0x0];
	_ =	sdelay $0x2  }
0xb8: {  	s31 =	sshll.u32 s1, $0xD;
	s1 =	sshrl.u32 s1, $0x2  }
0xb9: {  	s3 =	sand.u32 $0x4000, s31;
	s1 =	sadd.s32 s1, s30  }
0xba: {  	s0 =	sor.u32 s3, s0;
	s1 =	sshll.u32 s1, $0x11  }
0xbb: {  	s0 =	sor.u32 s1, s0  }
0xbc: {  	s0 =	sadd.s32 $0x8F2B, s0  }
0xbd: {  	[sflag:s0] =	ssyncadd.remote.s32 $0x1  }
0xbe: {  	_ =	sfence.sel $0xFFFF  }
0xbf: {  	[dreg:$0x0] =	wrdreg $0xFFFFFFFF;
	(pc) =	sbr.abs _section_cstart, $3  }
0xc0: {  	[dreg:$0x1] =	wrdreg $0xFFFFFFFF  }
0xc1: {  	_ =	task.clear_ibuf [dreg:s7], $0x2FFFF;
	_ =	strace $0x9FFFFFFF  }
0xc2: {  	(tm) =	ssettm $0x7FFFFFFF  }
0xc3: {  	_ =	shalt  }
tec
execute0_lowered:
.L_overlay_start_1:
0x0: {  	(tag) =	ssettag $0x1  }
0x1: {  	s0 =	rddreg [dreg:$0x0];
	s1 =	srdreg.scid  }
0x2: {  	s3 =	stileid.u32;
	s2 =	rddreg [dreg:$0x1]  }
0x3: {  	s12 =	simm.s32 $0x3;
	s15 =	simm.s32 $0x80;
	s19 =	simm.s32 $0x8B00  }
0x4: {  	s20 =	simm.s32 $0x10B00;
	s21 =	simm.s32 $0x18B00;
	s22 =	simm.s32 $0x1  }
0x5: {  	s23 =	simm.s32 $0x1CB00;
	s1 =	sand.u32 $0x1, s1;
	s4 =	sshll.u32 s3, $0x1  }
0x6: {  	s24 =	simm.s32 $0x2;
	s25 =	simm.s32 $0x0;
	s10 =	sor.u32 s1, s4  }
0x7: {  	s3 =	simm.s32 $0x0;
	s5 =	sadd.s32 $0x12C00, s0;
	s4 =	smul.u32 $0x1900, s10  }
0x8: {  	s6 =	sadd.s32 $0x199600, s0;
	[smem:$0x7FF] =	sst s3;
	s1 =	ssub.s32 $0x2, s1  }
0x9: {  	_ =	strace $0x80000047;
	s7 =	sshrl.u32 s1, $0x1;
	s8 =	sshrl.u32 s4, $0x3  }
0xa: {  	s10 =	smul.u32 $0x64000, s10;
	s1 =	ssub.s32 s1, s7;
	s7 =	sadd.s32 s0, s8  }
0xb: {  	s11 =	smax.u32 s1, $0x1;
	s8 =	sadd.s32 $0x6400, s7;
	s9 =	sadd.s32 $0xC800, s7  }
.LBB2_1:
0xc: {  	[tilespmem:s3], [sflag:$0x3] =	stream.linear.gather [hbm4b:s7+s3], $0x1900, $0x38;
	[tilespmem:$0x1EB00] =	vst v63  }
0xd: {  	_ =	swait.ge [sflag:s12], $0x1900  }
0xe: {  	[sflag:s12] =	ssyncset.done $0x0  }
0xf: {  	s0 =	simm.s32 $0x1900;
	[sflag:s12] =	ssyncadd.s32 $0xFFFFE700  }
0x10: {  	[tilespmem:s0], [sflag:$0x3] =	stream.linear.gather [hbm4b:s8+s3], $0x1900, $0x38;
	[tilespmem:$0x1EB00] =	vst v63  }
0x11: {  	_ =	swait.ge [sflag:s12], $0x1900  }
0x12: {  	[sflag:s12] =	ssyncset.done $0x0  }
0x13: {  	s1 =	simm.s32 $0x3200;
	[sflag:s12] =	ssyncadd.s32 $0xFFFFE700  }
0x14: {  	[tilespmem:s1], [sflag:$0x3] =	stream.linear.gather [hbm4b:s9+s3], $0x1900, $0x38;
	[tilespmem:$0x1EB00] =	vst v63  }
0x15: {  	_ =	swait.ge [sflag:s12], $0x1900  }
0x16: {  	[sflag:s12] =	ssyncset.done $0x0  }
0x17: {  	s13 =	simm.s32 $0x4B00;
	[sflag:s12] =	ssyncadd.s32 $0xFFFFE700  }
0x18: {  	[tilespmem:s13], [sflag:$0x1] =	stream.indirect.gather [hbm4b:s5+s15], $0x80, s3, s15, $0xb8;
	[tilespmem:$0x1EB00] =	vst v63  }
0x19: {  	s30 =	simm.s32 $0xCB00  }
0x1a: {  	[tilespmem:s30], [sflag:$0x1] =	stream.indirect.gather [hbm4b:s5+s15], $0x80, s0, s15, $0xb8;
	[tilespmem:$0x1EB00] =	vst v63  }
0x1b: {  	s31 =	simm.s32 $0x14B00;
	s28 =	simm.s32 $0x0  }
0x1c: {  	[tilespmem:s31], [sflag:$0x1] =	stream.indirect.gather [hbm4b:s6+s15], $0x80, s1, s15, $0xb8;
	[tilespmem:$0x1EB00] =	vst v63  }
.LBB2_2:
0x1d: {  	s29 =	sshll.u32 s28, $0x8  }
0x1e: {  	s26 =	sor.u32 $0x80, s29  }
0x1f: {  	[tilespmem:s19], [sflag:$0x2] =	stream.indirect.gather [hbm4b:s5+s15], $0x80, s26, s15, $0xb8;
	[tilespmem:$0x1EB00] =	vst v63  }
0x20: {  	s0 =	sadd.s32 $0x1980, s29  }
0x21: {  	[tilespmem:s20], [sflag:$0x2] =	stream.indirect.gather [hbm4b:s5+s15], $0x80, s0, s15, $0xb8;
	[tilespmem:$0x1EB00] =	vst v63  }
0x22: {  	s18 =	sadd.s32 $0x3280, s29  }
0x23: {  	[tilespmem:s21], [sflag:$0x2] =	stream.indirect.gather [hbm4b:s6+s15], $0x80, s18, s15, $0xb8;
	[tilespmem:$0x1EB00] =	vst v63  }
0x24: {  	_ =	swait.ge [sflag:s22], $0x4000  }
0x25: {  	[sflag:s22] =	ssyncset.done $0x0  }
0x26: {  	[sflag:s22] =	ssyncadd.s32 $0xFFFFC000  }
0x27: {  	_ =	swait.ge [sflag:s22], $0x4000  }
0x28: {  	[sflag:s22] =	ssyncset.done $0x0  }
0x29: {  	[sflag:s22] =	ssyncadd.s32 $0xFFFFC000  }
0x2a: {  	_ =	swait.ge [sflag:s22], $0x4000  }
0x2b: {  	[sflag:s22] =	ssyncset.done $0x0  }
0x2c: {  	s1 =	simm.s32 $0xCC40;
	[sflag:s22] =	ssyncadd.s32 $0xFFFFC000  }
0x2d: {  	s31 =	simm.s32 $0x4C00;
	v0 =	vld [tilespmem:s1+$0xFFFFFF00]  }
0x2e: {  	v1 =	vld [tilespmem:s31+$0xFFFFFF00]  }
0x2f: {  	s0 =	simm.s32 $0x14C00  }
0x30: {  	v2 =	vld [tilespmem:s0+$0xFFFFFF00];
	_ =	sdelay $0x2  }
0x31: {  	v0 =	vadd.f32 v0, v1;
	_ =	sdelay $0x1  }
0x32: {  	v0 =	vadd.f32 v2, v0;
	_ =	sdelay $0x1  }
0x33: {  	s30 =	simm.s32 $0x1CB80;
	v0 =	vmax.f32 v0, $0.0e+00  }
0x34: {  	[tilespmem:s30+$0xFFFFFF80] =	vst v0  }
0x35: {  	v0 =	vld [tilespmem:s31+$0xFFFFFF10]  }
0x36: {  	v1 =	vld [tilespmem:s1+$0xFFFFFF10];
	_ =	sdelay $0x1  }
0x37: {  	v2 =	vld [tilespmem:s0+$0xFFFFFF10];
	_ =	sdelay $0x2  }
0x38: {  	v0 =	vadd.f32 v1, v0;
	_ =	sdelay $0x1  }
0x39: {  	v0 =	vadd.f32 v2, v0;
	_ =	sdelay $0x1  }
0x3a: {  	v0 =	vmax.f32 v0, $0.0e+00  }
0x3b: {  	[tilespmem:s30+$0xFFFFFF90] =	vst v0  }
0x3c: {  	v0 =	vld [tilespmem:s31+$0xFFFFFF20]  }
0x3d: {  	v1 =	vld [tilespmem:s1+$0xFFFFFF20];
	_ =	sdelay $0x1  }
0x3e: {  	v2 =	vld [tilespmem:s0+$0xFFFFFF20];
	_ =	sdelay $0x2  }
0x3f: {  	v0 =	vadd.f32 v1, v0;
	_ =	sdelay $0x1  }
0x40: {  	v0 =	vadd.f32 v2, v0;
	_ =	sdelay $0x1  }
0x41: {  	v0 =	vmax.f32 v0, $0.0e+00  }
0x42: {  	[tilespmem:s30+$0xFFFFFFA0] =	vst v0  }
0x43: {  	v0 =	vld [tilespmem:s31+$0xFFFFFF30]  }
0x44: {  	v1 =	vld [tilespmem:s1+$0xFFFFFF30];
	_ =	sdelay $0x1  }
0x45: {  	v2 =	vld [tilespmem:s0+$0xFFFFFF30];
	_ =	sdelay $0x2  }
0x46: {  	v0 =	vadd.f32 v1, v0;
	_ =	sdelay $0x1  }
0x47: {  	v0 =	vadd.f32 v2, v0;
	_ =	sdelay $0x1  }
0x48: {  	v0 =	vmax.f32 v0, $0.0e+00  }
0x49: {  	[tilespmem:s30+$0xFFFFFFB0] =	vst v0  }
0x4a: {  	v0 =	vld [tilespmem:s31+$0xFFFFFF80]  }
0x4b: {  	v1 =	vld [tilespmem:s1+$0xFFFFFF80];
	_ =	sdelay $0x1  }
0x4c: {  	v2 =	vld [tilespmem:s0+$0xFFFFFF80];
	_ =	sdelay $0x2  }
0x4d: {  	v0 =	vadd.f32 v1, v0;
	_ =	sdelay $0x1  }
0x4e: {  	v0 =	vadd.f32 v2, v0;
	_ =	sdelay $0x1  }
0x4f: {  	v0 =	vmax.f32 v0, $0.0e+00  }
0x50: {  	[tilespmem:s30+$0xFFFFFFC0] =	vst v0  }
0x51: {  	v0 =	vld [tilespmem:s31+$0xFFFFFF90]  }
0x52: {  	v1 =	vld [tilespmem:s1+$0xFFFFFF90];
	_ =	sdelay $0x1  }
0x53: {  	v2 =	vld [tilespmem:s0+$0xFFFFFF90];
	_ =	sdelay $0x2  }
0x54: {  	v0 =	vadd.f32 v1, v0;
	_ =	sdelay $0x1  }
0x55: {  	v0 =	vadd.f32 v2, v0;
	_ =	sdelay $0x1  }
0x56: {  	v0 =	vmax.f32 v0, $0.0e+00  }
0x57: {  	[tilespmem:s30+$0xFFFFFFD0] =	vst v0  }
0x58: {  	v0 =	vld [tilespmem:s31+$0xFFFFFFA0]  }
0x59: {  	v1 =	vld [tilespmem:s1+$0xFFFFFFA0];
	_ =	sdelay $0x1  }
0x5a: {  	v2 =	vld [tilespmem:s0+$0xFFFFFFA0];
	_ =	sdelay $0x2  }
0x5b: {  	v0 =	vadd.f32 v1, v0;
	_ =	sdelay $0x1  }
0x5c: {  	v0 =	vadd.f32 v2, v0;
	_ =	sdelay $0x1  }
0x5d: {  	v0 =	vmax.f32 v0, $0.0e+00  }
0x5e: {  	[tilespmem:s30+$0xFFFFFFE0] =	vst v0  }
0x5f: {  	v0 =	vld [tilespmem:s31+$0xFFFFFFB0]  }
0x60: {  	v1 =	vld [tilespmem:s1+$0xFFFFFFB0];
	_ =	sdelay $0x1  }
0x61: {  	v2 =	vld [tilespmem:s0+$0xFFFFFFB0];
	_ =	sdelay $0x2  }
0x62: {  	v0 =	vadd.f32 v1, v0;
	_ =	sdelay $0x1  }
0x63: {  	v0 =	vadd.f32 v2, v0;
	_ =	sdelay $0x1  }
0x64: {  	v0 =	vmax.f32 v0, $0.0e+00  }
0x65: {  	[tilespmem:s30+$0xFFFFFFF0] =	vst v0  }
0x66: {  	v0 =	vld [tilespmem:s31+$0x0]  }
0x67: {  	v1 =	vld [tilespmem:s1+$0x0];
	_ =	sdelay $0x1  }
0x68: {  	v2 =	vld [tilespmem:s0+$0x0];
	_ =	sdelay $0x2  }
0x69: {  	v0 =	vadd.f32 v1, v0;
	_ =	sdelay $0x1  }
0x6a: {  	v0 =	vadd.f32 v2, v0;
	_ =	sdelay $0x1  }
0x6b: {  	v0 =	vmax.f32 v0, $0.0e+00  }
0x6c: {  	[tilespmem:s30+$0x0] =	vst v0  }
0x6d: {  	v0 =	vld [tilespmem:s31+$0x10]  }
0x6e: {  	v1 =	vld [tilespmem:s1+$0x10];
	_ =	sdelay $0x1  }
0x6f: {  	v2 =	vld [tilespmem:s0+$0x10];
	_ =	sdelay $0x2  }
0x70: {  	v0 =	vadd.f32 v1, v0;
	_ =	sdelay $0x1  }
0x71: {  	v0 =	vadd.f32 v2, v0;
	_ =	sdelay $0x1  }
0x72: {  	v0 =	vmax.f32 v0, $0.0e+00  }
0x73: {  	[tilespmem:s30+$0x10] =	vst v0  }
0x74: {  	v0 =	vld [tilespmem:s31+$0x20]  }
0x75: {  	v1 =	vld [tilespmem:s1+$0x20];
	_ =	sdelay $0x1  }
0x76: {  	v2 =	vld [tilespmem:s0+$0x20];
	_ =	sdelay $0x2  }
0x77: {  	v0 =	vadd.f32 v1, v0;
	_ =	sdelay $0x1  }
0x78: {  	v0 =	vadd.f32 v2, v0;
	_ =	sdelay $0x1  }
0x79: {  	v0 =	vmax.f32 v0, $0.0e+00  }
0x7a: {  	[tilespmem:s30+$0x20] =	vst v0  }
0x7b: {  	v0 =	vld [tilespmem:s31+$0x30]  }
0x7c: {  	v1 =	vld [tilespmem:s1+$0x30];
	_ =	sdelay $0x1  }
0x7d: {  	v2 =	vld [tilespmem:s0+$0x30];
	_ =	sdelay $0x2  }
0x7e: {  	v0 =	vadd.f32 v1, v0;
	_ =	sdelay $0x1  }
0x7f: {  	v0 =	vadd.f32 v2, v0;
	_ =	sdelay $0x1  }
0x80: {  	v0 =	vmax.f32 v0, $0.0e+00  }
0x81: {  	[tilespmem:s30+$0x30] =	vst v0  }
0x82: {  	v0 =	vld [tilespmem:s31+$0x80]  }
0x83: {  	v1 =	vld [tilespmem:s1+$0x80];
	_ =	sdelay $0x1  }
0x84: {  	v2 =	vld [tilespmem:s0+$0x80];
	_ =	sdelay $0x2  }
0x85: {  	v0 =	vadd.f32 v1, v0;
	_ =	sdelay $0x1  }
0x86: {  	v0 =	vadd.f32 v2, v0;
	_ =	sdelay $0x1  }
0x87: {  	v0 =	vmax.f32 v0, $0.0e+00  }
0x88: {  	[tilespmem:s30+$0x40] =	vst v0  }
0x89: {  	v0 =	vld [tilespmem:s31+$0x90]  }
0x8a: {  	v1 =	vld [tilespmem:s1+$0x90];
	_ =	sdelay $0x1  }
0x8b: {  	v2 =	vld [tilespmem:s0+$0x90];
	_ =	sdelay $0x2  }
0x8c: {  	v0 =	vadd.f32 v1, v0;
	_ =	sdelay $0x1  }
0x8d: {  	v0 =	vadd.f32 v2, v0;
	_ =	sdelay $0x1  }
0x8e: {  	v0 =	vmax.f32 v0, $0.0e+00  }
0x8f: {  	[tilespmem:s30+$0x50] =	vst v0  }
0x90: {  	v1 =	vld [tilespmem:s31+$0xA0]  }
0x91: {  	v2 =	vld [tilespmem:s1+$0xA0];
	_ =	sdelay $0x1  }
0x92: {  	v0 =	vld [tilespmem:s0+$0xA0];
	_ =	sdelay $0x1  }
0x93: {  	s16 =	simm.s32 $0x0;
	s13 =	simm.s32 $0x4E00  }
0x94: {  	s14 =	simm.s32 $0x1CC80;
	s17 =	simm.s32 $0xCC40;
	s18 =	simm.s32 $0x14C00;
	v1 =	vadd.f32 v2, v1  }
.LBB2_3:
0x95: {  	s16 =	sadd.s32 $0x2, s16;
	s1 =	sadd.s32 $0x200, s1;
	s0 =	sadd.s32 $0x200, s0  }
0x96: {  	p0 =	slt.u32 s16, $0x3E;
	v0 =	vadd.f32 v0, v1;
	_ =	sdelay $0x1  }
0x97: {  	v0 =	vmax.f32 v0, $0.0e+00  }
0x98: {  	[tilespmem:s30+$0x60] =	vst v0  }
0x99: {  	v0 =	vld [tilespmem:s31+$0xB0];
	s31 =	smov.u32 s13  }
0x9a: {  	v1 =	vld [tilespmem:s17+$0xB0];
	s17 =	smov.u32 s1  }
0x9b: {  	v2 =	vld [tilespmem:s18+$0xB0];
	s18 =	smov.u32 s0;
	_ =	sdelay $0x3  }
0x9c: {  	v0 =	vadd.f32 v1, v0;
	_ =	sdelay $0x1  }
0x9d: {  	v0 =	vadd.f32 v2, v0;
	_ =	sdelay $0x1  }
0x9e: {  	v0 =	vmax.f32 v0, $0.0e+00  }
0x9f: {  	[tilespmem:s30+$0x70] =	vst v0;
	s30 =	smov.u32 s14  }
0xa0: {  	v0 =	vld [tilespmem:s1+$0xFFFFFF00]  }
0xa1: {  	v1 =	vld [tilespmem:s13+$0xFFFFFF00]  }
0xa2: {  	v2 =	vld [tilespmem:s0+$0xFFFFFF00];
	_ =	sdelay $0x3  }
0xa3: {  	v0 =	vadd.f32 v0, v1;
	_ =	sdelay $0x1  }
0xa4: {  	v0 =	vadd.f32 v2, v0;
	_ =	sdelay $0x1  }
0xa5: {  	v0 =	vmax.f32 v0, $0.0e+00  }
0xa6: {  	[tilespmem:s14+$0xFFFFFF80] =	vst v0  }
0xa7: {  	v0 =	vld [tilespmem:s13+$0xFFFFFF10]  }
0xa8: {  	v1 =	vld [tilespmem:s1+$0xFFFFFF10];
	_ =	sdelay $0x1  }
0xa9: {  	v2 =	vld [tilespmem:s0+$0xFFFFFF10];
	_ =	sdelay $0x2  }
0xaa: {  	v0 =	vadd.f32 v1, v0;
	_ =	sdelay $0x1  }
0xab: {  	v0 =	vadd.f32 v2, v0;
	_ =	sdelay $0x1  }
0xac: {  	v0 =	vmax.f32 v0, $0.0e+00  }
0xad: {  	[tilespmem:s14+$0xFFFFFF90] =	vst v0  }
0xae: {  	v0 =	vld [tilespmem:s13+$0xFFFFFF20]  }
0xaf: {  	v1 =	vld [tilespmem:s1+$0xFFFFFF20];
	_ =	sdelay $0x1  }
0xb0: {  	v2 =	vld [tilespmem:s0+$0xFFFFFF20];
	_ =	sdelay $0x2  }
0xb1: {  	v0 =	vadd.f32 v1, v0;
	_ =	sdelay $0x1  }
0xb2: {  	v0 =	vadd.f32 v2, v0;
	_ =	sdelay $0x1  }
0xb3: {  	v0 =	vmax.f32 v0, $0.0e+00  }
0xb4: {  	[tilespmem:s14+$0xFFFFFFA0] =	vst v0  }
0xb5: {  	v0 =	vld [tilespmem:s13+$0xFFFFFF30]  }
0xb6: {  	v1 =	vld [tilespmem:s1+$0xFFFFFF30];
	_ =	sdelay $0x1  }
0xb7: {  	v2 =	vld [tilespmem:s0+$0xFFFFFF30];
	_ =	sdelay $0x2  }
0xb8: {  	v0 =	vadd.f32 v1, v0;
	_ =	sdelay $0x1  }
0xb9: {  	v0 =	vadd.f32 v2, v0;
	_ =	sdelay $0x1  }
0xba: {  	v0 =	vmax.f32 v0, $0.0e+00  }
0xbb: {  	[tilespmem:s14+$0xFFFFFFB0] =	vst v0  }
0xbc: {  	v0 =	vld [tilespmem:s13+$0xFFFFFF80]  }
0xbd: {  	v1 =	vld [tilespmem:s1+$0xFFFFFF80];
	_ =	sdelay $0x1  }
0xbe: {  	v2 =	vld [tilespmem:s0+$0xFFFFFF80];
	_ =	sdelay $0x2  }
0xbf: {  	v0 =	vadd.f32 v1, v0;
	_ =	sdelay $0x1  }
0xc0: {  	v0 =	vadd.f32 v2, v0;
	_ =	sdelay $0x1  }
0xc1: {  	v0 =	vmax.f32 v0, $0.0e+00  }
0xc2: {  	[tilespmem:s14+$0xFFFFFFC0] =	vst v0  }
0xc3: {  	v0 =	vld [tilespmem:s13+$0xFFFFFF90]  }
0xc4: {  	v1 =	vld [tilespmem:s1+$0xFFFFFF90]  }
0xc5: {  	v2 =	vld [tilespmem:s0+$0xFFFFFF90];
	_ =	sdelay $0x3  }
0xc6: {  	v0 =	vadd.f32 v1, v0;
	_ =	sdelay $0x1  }
0xc7: {  	v0 =	vadd.f32 v2, v0;
	_ =	sdelay $0x1  }
0xc8: {  	v0 =	vmax.f32 v0, $0.0e+00  }
0xc9: {  	[tilespmem:s14+$0xFFFFFFD0] =	vst v0  }
0xca: {  	v0 =	vld [tilespmem:s13+$0xFFFFFFA0]  }
0xcb: {  	v1 =	vld [tilespmem:s1+$0xFFFFFFA0]  }
0xcc: {  	v2 =	vld [tilespmem:s0+$0xFFFFFFA0];
	_ =	sdelay $0x3  }
0xcd: {  	v0 =	vadd.f32 v1, v0;
	_ =	sdelay $0x1  }
0xce: {  	v0 =	vadd.f32 v2, v0;
	_ =	sdelay $0x1  }
0xcf: {  	v0 =	vmax.f32 v0, $0.0e+00  }
0xd0: {  	[tilespmem:s14+$0xFFFFFFE0] =	vst v0  }
0xd1: {  	v0 =	vld [tilespmem:s13+$0xFFFFFFB0]  }
0xd2: {  	v1 =	vld [tilespmem:s1+$0xFFFFFFB0]  }
0xd3: {  	v2 =	vld [tilespmem:s0+$0xFFFFFFB0];
	_ =	sdelay $0x3  }
0xd4: {  	v0 =	vadd.f32 v1, v0;
	_ =	sdelay $0x1  }
0xd5: {  	v0 =	vadd.f32 v2, v0;
	_ =	sdelay $0x1  }
0xd6: {  	v0 =	vmax.f32 v0, $0.0e+00  }
0xd7: {  	[tilespmem:s14+$0xFFFFFFF0] =	vst v0  }
0xd8: {  	v0 =	vld [tilespmem:s13+$0x0]  }
0xd9: {  	v1 =	vld [tilespmem:s1+$0x0];
	_ =	sdelay $0x1  }
0xda: {  	v2 =	vld [tilespmem:s0+$0x0];
	_ =	sdelay $0x2  }
0xdb: {  	v0 =	vadd.f32 v1, v0;
	_ =	sdelay $0x1  }
0xdc: {  	v0 =	vadd.f32 v2, v0;
	_ =	sdelay $0x1  }
0xdd: {  	v0 =	vmax.f32 v0, $0.0e+00  }
0xde: {  	[tilespmem:s14+$0x0] =	vst v0  }
0xdf: {  	v0 =	vld [tilespmem:s13+$0x10]  }
0xe0: {  	v1 =	vld [tilespmem:s1+$0x10]  }
0xe1: {  	v2 =	vld [tilespmem:s0+$0x10];
	_ =	sdelay $0x3  }
0xe2: {  	v0 =	vadd.f32 v1, v0;
	_ =	sdelay $0x1  }
0xe3: {  	v0 =	vadd.f32 v2, v0;
	_ =	sdelay $0x1  }
0xe4: {  	v0 =	vmax.f32 v0, $0.0e+00  }
0xe5: {  	[tilespmem:s14+$0x10] =	vst v0  }
0xe6: {  	v0 =	vld [tilespmem:s13+$0x20]  }
0xe7: {  	v1 =	vld [tilespmem:s1+$0x20]  }
0xe8: {  	v2 =	vld [tilespmem:s0+$0x20];
	_ =	sdelay $0x3  }
0xe9: {  	v0 =	vadd.f32 v1, v0;
	_ =	sdelay $0x1  }
0xea: {  	v0 =	vadd.f32 v2, v0;
	_ =	sdelay $0x1  }
0xeb: {  	v0 =	vmax.f32 v0, $0.0e+00  }
0xec: {  	[tilespmem:s14+$0x20] =	vst v0  }
0xed: {  	v0 =	vld [tilespmem:s13+$0x30]  }
0xee: {  	v1 =	vld [tilespmem:s1+$0x30]  }
0xef: {  	v2 =	vld [tilespmem:s0+$0x30];
	_ =	sdelay $0x3  }
0xf0: {  	v0 =	vadd.f32 v1, v0;
	_ =	sdelay $0x1  }
0xf1: {  	v0 =	vadd.f32 v2, v0;
	_ =	sdelay $0x1  }
0xf2: {  	v0 =	vmax.f32 v0, $0.0e+00  }
0xf3: {  	[tilespmem:s14+$0x30] =	vst v0  }
0xf4: {  	v0 =	vld [tilespmem:s13+$0x80]  }
0xf5: {  	v1 =	vld [tilespmem:s1+$0x80]  }
0xf6: {  	v2 =	vld [tilespmem:s0+$0x80];
	_ =	sdelay $0x3  }
0xf7: {  	v0 =	vadd.f32 v1, v0;
	_ =	sdelay $0x1  }
0xf8: {  	v0 =	vadd.f32 v2, v0;
	_ =	sdelay $0x1  }
0xf9: {  	v0 =	vmax.f32 v0, $0.0e+00  }
0xfa: {  	[tilespmem:s14+$0x40] =	vst v0  }
0xfb: {  	v0 =	vld [tilespmem:s13+$0x90]  }
0xfc: {  	v1 =	vld [tilespmem:s1+$0x90]  }
0xfd: {  	v2 =	vld [tilespmem:s0+$0x90];
	_ =	sdelay $0x3  }
0xfe: {  	v0 =	vadd.f32 v1, v0;
	_ =	sdelay $0x1  }
0xff: {  	v0 =	vadd.f32 v2, v0;
	_ =	sdelay $0x1  }
0x100: {  	v0 =	vmax.f32 v0, $0.0e+00  }
0x101: {  	[tilespmem:s14+$0x50] =	vst v0  }
0x102: {  	v1 =	vld [tilespmem:s13+$0xA0]  }
0x103: {  	v2 =	vld [tilespmem:s1+$0xA0]  }
.Ltmp0:
0x104: {  	v0 =	vld [tilespmem:s0+$0xA0];
	(pc) =	sbr.rel @p0 .LBB2_3-.Ltmp0, $2  }
0x105: {  	_ =	sdelay $0x2  }
0x106: {  	s14 =	sadd.s32 $0x100, s14;
	s13 =	sadd.s32 $0x200, s13;
	v1 =	vadd.f32 v2, v1  }
0x107: {  	_ = 	snop  }
0x108: {  	v0 =	vadd.f32 v0, v1;
	_ =	sdelay $0x1  }
0x109: {  	v0 =	vmax.f32 v0, $0.0e+00  }
0x10a: {  	[tilespmem:s30+$0x60] =	vst v0  }
0x10b: {  	v0 =	vld [tilespmem:s31+$0xB0]  }
0x10c: {  	v1 =	vld [tilespmem:s17+$0xB0];
	_ =	sdelay $0x1  }
0x10d: {  	v2 =	vld [tilespmem:s18+$0xB0];
	_ =	sdelay $0x2  }
0x10e: {  	v0 =	vadd.f32 v1, v0;
	_ =	sdelay $0x1  }
0x10f: {  	s0 =	sshll.u32 s28, $0xE;
	v0 =	vadd.f32 v2, v0  }
0x110: {  	s0 =	sadd.s32 s10, s0  }
0x111: {  	s0 =	sshrl.u32 s0, $0x3;
	v0 =	vmax.f32 v0, $0.0e+00  }
0x112: {  	s0 =	sadd.s32 s2, s0;
	[tilespmem:s30+$0x70] =	vst v0  }
0x113: {  	[hbm4b:s0+s3] =	stream.linear.scatter [tilespmem:s23], [sflag:$0x3], $0x2000, $0x38;
	[tilespmem:$0x1EB00] =	vst v63  }
0x114: {  	p0 =	seq.s32 s28, $0x18;
	_ =	swait.ge [sflag:s12], $0x2000  }
0x115: {  	s1 =	simm.s32 @!p0 $0x80;
	[sflag:s12] =	ssyncset.done $0x0  }
0x116: {  	s13 =	simm.s32 @!p0 $0x4B00;
	s0 =	sadd.s32 @!p0 $0x100, s29;
	[sflag:s12] =	ssyncadd.s32 $0xFFFFE000  }
0x117: {  	[tilespmem:s13], [sflag:$0x1] =	stream.indirect.gather @!p0 [hbm4b:s5+s1], $0x80, s0, s1, $0xb8;
	[tilespmem:$0x1EB00] =	vst v63  }
0x118: {  	s0 =	sadd.s32 @!p0 $0x1A00, s29;
	s13 =	simm.s32 @!p0 $0xCB00  }
0x119: {  	[tilespmem:s13], [sflag:$0x1] =	stream.indirect.gather @!p0 [hbm4b:s5+s1], $0x80, s0, s1, $0xb8;
	[tilespmem:$0x1EB00] =	vst v63  }
0x11a: {  	s0 =	sadd.s32 @!p0 $0x3300, s29;
	s13 =	simm.s32 @!p0 $0x14B00  }
0x11b: {  	[tilespmem:s13], [sflag:$0x1] =	stream.indirect.gather @!p0 [hbm4b:s6+s1], $0x80, s0, s1, $0xb8;
	[tilespmem:$0x1EB00] =	vst v63  }
0x11c: {  	_ =	swait.ge [sflag:s24], $0x4000  }
0x11d: {  	[sflag:s24] =	ssyncset.done $0x0  }
0x11e: {  	[sflag:s24] =	ssyncadd.s32 $0xFFFFC000  }
0x11f: {  	_ =	swait.ge [sflag:s24], $0x4000  }
0x120: {  	[sflag:s24] =	ssyncset.done $0x0  }
0x121: {  	[sflag:s24] =	ssyncadd.s32 $0xFFFFC000  }
0x122: {  	_ =	swait.ge [sflag:s24], $0x4000  }
0x123: {  	[sflag:s24] =	ssyncset.done $0x0  }
0x124: {  	s0 =	simm.s32 $0x0;
	[sflag:s24] =	ssyncadd.s32 $0xFFFFC000  }
0x125: {  	v0 =	vld [tilespmem:s0+$0x8B00]  }
0x126: {  	v1 =	vld [tilespmem:s0+$0x10B40];
	_ =	sdelay $0x1  }
0x127: {  	v2 =	vld [tilespmem:s0+$0x18B00];
	_ =	sdelay $0x2  }
0x128: {  	v0 =	vadd.f32 v1, v0;
	_ =	sdelay $0x1  }
0x129: {  	v0 =	vadd.f32 v2, v0;
	_ =	sdelay $0x1  }
0x12a: {  	s1 =	simm.s32 $0x1CB80;
	v0 =	vmax.f32 v0, $0.0e+00  }
0x12b: {  	[tilespmem:s1+$0xFFFFFF80] =	vst v0  }
0x12c: {  	v0 =	vld [tilespmem:s0+$0x8B10]  }
0x12d: {  	v1 =	vld [tilespmem:s0+$0x10B50];
	_ =	sdelay $0x1  }
0x12e: {  	v2 =	vld [tilespmem:s0+$0x18B10];
	_ =	sdelay $0x2  }
0x12f: {  	v0 =	vadd.f32 v1, v0;
	_ =	sdelay $0x1  }
0x130: {  	v0 =	vadd.f32 v2, v0;
	_ =	sdelay $0x1  }
0x131: {  	v0 =	vmax.f32 v0, $0.0e+00  }
0x132: {  	[tilespmem:s1+$0xFFFFFF90] =	vst v0  }
0x133: {  	v0 =	vld [tilespmem:s0+$0x8B20]  }
0x134: {  	v1 =	vld [tilespmem:s0+$0x10B60];
	_ =	sdelay $0x1  }
0x135: {  	v2 =	vld [tilespmem:s0+$0x18B20];
	_ =	sdelay $0x2  }
0x136: {  	v0 =	vadd.f32 v1, v0;
	_ =	sdelay $0x1  }
0x137: {  	v0 =	vadd.f32 v2, v0;
	_ =	sdelay $0x1  }
0x138: {  	v0 =	vmax.f32 v0, $0.0e+00  }
0x139: {  	[tilespmem:s1+$0xFFFFFFA0] =	vst v0  }
0x13a: {  	v0 =	vld [tilespmem:s0+$0x8B30]  }
0x13b: {  	v1 =	vld [tilespmem:s0+$0x10B70];
	_ =	sdelay $0x1  }
0x13c: {  	v2 =	vld [tilespmem:s0+$0x18B30];
	_ =	sdelay $0x2  }
0x13d: {  	v0 =	vadd.f32 v1, v0;
	_ =	sdelay $0x1  }
0x13e: {  	v0 =	vadd.f32 v2, v0;
	_ =	sdelay $0x1  }
0x13f: {  	v0 =	vmax.f32 v0, $0.0e+00  }
0x140: {  	[tilespmem:s1+$0xFFFFFFB0] =	vst v0  }
0x141: {  	v0 =	vld [tilespmem:s0+$0x8B80]  }
0x142: {  	v1 =	vld [tilespmem:s0+$0x10BC0];
	_ =	sdelay $0x1  }
0x143: {  	v2 =	vld [tilespmem:s0+$0x18B80];
	_ =	sdelay $0x2  }
0x144: {  	v0 =	vadd.f32 v1, v0;
	_ =	sdelay $0x1  }
0x145: {  	v0 =	vadd.f32 v2, v0;
	_ =	sdelay $0x1  }
0x146: {  	v0 =	vmax.f32 v0, $0.0e+00  }
0x147: {  	[tilespmem:s1+$0xFFFFFFC0] =	vst v0  }
0x148: {  	v0 =	vld [tilespmem:s0+$0x8B90]  }
0x149: {  	v1 =	vld [tilespmem:s0+$0x10BD0];
	_ =	sdelay $0x1  }
0x14a: {  	v2 =	vld [tilespmem:s0+$0x18B90];
	_ =	sdelay $0x2  }
0x14b: {  	v0 =	vadd.f32 v1, v0;
	_ =	sdelay $0x1  }
0x14c: {  	v0 =	vadd.f32 v2, v0;
	_ =	sdelay $0x1  }
0x14d: {  	v0 =	vmax.f32 v0, $0.0e+00  }
0x14e: {  	[tilespmem:s1+$0xFFFFFFD0] =	vst v0  }
0x14f: {  	v0 =	vld [tilespmem:s0+$0x8BA0]  }
0x150: {  	v1 =	vld [tilespmem:s0+$0x10BE0];
	_ =	sdelay $0x1  }
0x151: {  	v2 =	vld [tilespmem:s0+$0x18BA0];
	_ =	sdelay $0x2  }
0x152: {  	v0 =	vadd.f32 v1, v0;
	_ =	sdelay $0x1  }
0x153: {  	v0 =	vadd.f32 v2, v0;
	_ =	sdelay $0x1  }
0x154: {  	v0 =	vmax.f32 v0, $0.0e+00  }
0x155: {  	[tilespmem:s1+$0xFFFFFFE0] =	vst v0  }
0x156: {  	v0 =	vld [tilespmem:s0+$0x8BB0]  }
0x157: {  	v1 =	vld [tilespmem:s0+$0x10BF0];
	_ =	sdelay $0x1  }
0x158: {  	v2 =	vld [tilespmem:s0+$0x18BB0];
	_ =	sdelay $0x2  }
0x159: {  	v0 =	vadd.f32 v1, v0;
	_ =	sdelay $0x1  }
0x15a: {  	v0 =	vadd.f32 v2, v0;
	_ =	sdelay $0x1  }
0x15b: {  	v0 =	vmax.f32 v0, $0.0e+00  }
0x15c: {  	[tilespmem:s1+$0xFFFFFFF0] =	vst v0  }
0x15d: {  	v0 =	vld [tilespmem:s0+$0x8C00]  }
0x15e: {  	v1 =	vld [tilespmem:s0+$0x10C40];
	_ =	sdelay $0x1  }
0x15f: {  	v2 =	vld [tilespmem:s0+$0x18C00];
	_ =	sdelay $0x2  }
0x160: {  	v0 =	vadd.f32 v1, v0;
	_ =	sdelay $0x1  }
0x161: {  	v0 =	vadd.f32 v2, v0;
	_ =	sdelay $0x1  }
0x162: {  	v0 =	vmax.f32 v0, $0.0e+00  }
0x163: {  	[tilespmem:s1+$0x0] =	vst v0  }
0x164: {  	v0 =	vld [tilespmem:s0+$0x8C10]  }
0x165: {  	v1 =	vld [tilespmem:s0+$0x10C50];
	_ =	sdelay $0x1  }
0x166: {  	v2 =	vld [tilespmem:s0+$0x18C10];
	_ =	sdelay $0x2  }
0x167: {  	v0 =	vadd.f32 v1, v0;
	_ =	sdelay $0x1  }
0x168: {  	v0 =	vadd.f32 v2, v0;
	_ =	sdelay $0x1  }
0x169: {  	v0 =	vmax.f32 v0, $0.0e+00  }
0x16a: {  	[tilespmem:s1+$0x10] =	vst v0  }
0x16b: {  	v0 =	vld [tilespmem:s0+$0x8C20]  }
0x16c: {  	v1 =	vld [tilespmem:s0+$0x10C60];
	_ =	sdelay $0x1  }
0x16d: {  	v2 =	vld [tilespmem:s0+$0x18C20];
	_ =	sdelay $0x2  }
0x16e: {  	v0 =	vadd.f32 v1, v0;
	_ =	sdelay $0x1  }
0x16f: {  	v0 =	vadd.f32 v2, v0;
	_ =	sdelay $0x1  }
0x170: {  	v0 =	vmax.f32 v0, $0.0e+00  }
0x171: {  	[tilespmem:s1+$0x20] =	vst v0  }
0x172: {  	v0 =	vld [tilespmem:s0+$0x8C30]  }
0x173: {  	v1 =	vld [tilespmem:s0+$0x10C70];
	_ =	sdelay $0x1  }
0x174: {  	v2 =	vld [tilespmem:s0+$0x18C30];
	_ =	sdelay $0x2  }
0x175: {  	v0 =	vadd.f32 v1, v0;
	_ =	sdelay $0x1  }
0x176: {  	v0 =	vadd.f32 v2, v0;
	_ =	sdelay $0x1  }
0x177: {  	v0 =	vmax.f32 v0, $0.0e+00  }
0x178: {  	[tilespmem:s1+$0x30] =	vst v0  }
0x179: {  	v0 =	vld [tilespmem:s0+$0x8C80]  }
0x17a: {  	v1 =	vld [tilespmem:s0+$0x10CC0];
	_ =	sdelay $0x1  }
0x17b: {  	v2 =	vld [tilespmem:s0+$0x18C80];
	_ =	sdelay $0x2  }
0x17c: {  	v0 =	vadd.f32 v1, v0;
	_ =	sdelay $0x1  }
0x17d: {  	v0 =	vadd.f32 v2, v0;
	_ =	sdelay $0x1  }
0x17e: {  	v0 =	vmax.f32 v0, $0.0e+00  }
0x17f: {  	[tilespmem:s1+$0x40] =	vst v0  }
0x180: {  	v0 =	vld [tilespmem:s0+$0x8C90]  }
0x181: {  	v1 =	vld [tilespmem:s0+$0x10CD0];
	_ =	sdelay $0x1  }
0x182: {  	v2 =	vld [tilespmem:s0+$0x18C90];
	_ =	sdelay $0x2  }
0x183: {  	v0 =	vadd.f32 v1, v0;
	_ =	sdelay $0x1  }
0x184: {  	v0 =	vadd.f32 v2, v0;
	_ =	sdelay $0x1  }
0x185: {  	v0 =	vmax.f32 v0, $0.0e+00  }
0x186: {  	[tilespmem:s1+$0x50] =	vst v0  }
0x187: {  	v0 =	vld [tilespmem:s0+$0x8CA0]  }
0x188: {  	s28 =	sadd.s32 $0x1, s28;
	v1 =	vld [tilespmem:s0+$0x10CE0]  }
0x189: {  	s14 =	simm.s32 $0x0;
	s29 =	simm.s32 $0x1CB80;
	s13 =	simm.s32 $0x0;
	v2 =	vld [tilespmem:s0+$0x18CA0]  }
.LBB2_5:
0x18a: {  	_ =	sdelay $0x1  }
0x18b: {  	s14 =	sadd.s32 $0x2, s14;
	s13 =	sadd.s32 $0x800, s13;
	s1 =	sadd.s32 $0x100, s1  }
0x18c: {  	p0 =	slt.u32 s14, $0x3E;
	v0 =	vadd.f32 v1, v0;
	_ =	sdelay $0x1  }
0x18d: {  	v0 =	vadd.f32 v2, v0;
	_ =	sdelay $0x1  }
0x18e: {  	v0 =	vmax.f32 v0, $0.0e+00  }
0x18f: {  	[tilespmem:s29+$0x60] =	vst v0  }
0x190: {  	v0 =	vld [tilespmem:s0+$0x8CB0]  }
0x191: {  	v1 =	vld [tilespmem:s0+$0x10CF0]  }
0x192: {  	v2 =	vld [tilespmem:s0+$0x18CB0];
	_ =	sdelay $0x3  }
0x193: {  	v0 =	vadd.f32 v1, v0;
	_ =	sdelay $0x1  }
0x194: {  	v0 =	vadd.f32 v2, v0  }
0x195: {  	s0 =	sshra.s32 s13, $0x2  }
0x196: {  	v0 =	vmax.f32 v0, $0.0e+00  }
0x197: {  	[tilespmem:s29+$0x70] =	vst v0;
	s29 =	smov.u32 s1  }
0x198: {  	v0 =	vld [tilespmem:s0+$0x8B00]  }
0x199: {  	v1 =	vld [tilespmem:s0+$0x10B40];
	_ =	sdelay $0x1  }
0x19a: {  	v2 =	vld [tilespmem:s0+$0x18B00];
	_ =	sdelay $0x2  }
0x19b: {  	v0 =	vadd.f32 v1, v0;
	_ =	sdelay $0x1  }
0x19c: {  	v0 =	vadd.f32 v2, v0;
	_ =	sdelay $0x1  }
0x19d: {  	v0 =	vmax.f32 v0, $0.0e+00  }
0x19e: {  	[tilespmem:s1+$0xFFFFFF80] =	vst v0  }
0x19f: {  	v0 =	vld [tilespmem:s0+$0x8B10]  }
0x1a0: {  	v1 =	vld [tilespmem:s0+$0x10B50];
	_ =	sdelay $0x1  }
0x1a1: {  	v2 =	vld [tilespmem:s0+$0x18B10];
	_ =	sdelay $0x2  }
0x1a2: {  	v0 =	vadd.f32 v1, v0;
	_ =	sdelay $0x1  }
0x1a3: {  	v0 =	vadd.f32 v2, v0;
	_ =	sdelay $0x1  }
0x1a4: {  	v0 =	vmax.f32 v0, $0.0e+00  }
0x1a5: {  	[tilespmem:s1+$0xFFFFFF90] =	vst v0  }
0x1a6: {  	v0 =	vld [tilespmem:s0+$0x8B20]  }
0x1a7: {  	v1 =	vld [tilespmem:s0+$0x10B60];
	_ =	sdelay $0x1  }
0x1a8: {  	v2 =	vld [tilespmem:s0+$0x18B20];
	_ =	sdelay $0x2  }
0x1a9: {  	v0 =	vadd.f32 v1, v0;
	_ =	sdelay $0x1  }
0x1aa: {  	v0 =	vadd.f32 v2, v0;
	_ =	sdelay $0x1  }
0x1ab: {  	v0 =	vmax.f32 v0, $0.0e+00  }
0x1ac: {  	[tilespmem:s1+$0xFFFFFFA0] =	vst v0  }
0x1ad: {  	v0 =	vld [tilespmem:s0+$0x8B30]  }
0x1ae: {  	v1 =	vld [tilespmem:s0+$0x10B70]  }
0x1af: {  	v2 =	vld [tilespmem:s0+$0x18B30];
	_ =	sdelay $0x3  }
0x1b0: {  	v0 =	vadd.f32 v1, v0;
	_ =	sdelay $0x1  }
0x1b1: {  	v0 =	vadd.f32 v2, v0;
	_ =	sdelay $0x1  }
0x1b2: {  	v0 =	vmax.f32 v0, $0.0e+00  }
0x1b3: {  	[tilespmem:s1+$0xFFFFFFB0] =	vst v0  }
0x1b4: {  	v0 =	vld [tilespmem:s0+$0x8B80]  }
0x1b5: {  	v1 =	vld [tilespmem:s0+$0x10BC0];
	_ =	sdelay $0x1  }
0x1b6: {  	v2 =	vld [tilespmem:s0+$0x18B80];
	_ =	sdelay $0x2  }
0x1b7: {  	v0 =	vadd.f32 v1, v0;
	_ =	sdelay $0x1  }
0x1b8: {  	v0 =	vadd.f32 v2, v0;
	_ =	sdelay $0x1  }
0x1b9: {  	v0 =	vmax.f32 v0, $0.0e+00  }
0x1ba: {  	[tilespmem:s1+$0xFFFFFFC0] =	vst v0  }
0x1bb: {  	v0 =	vld [tilespmem:s0+$0x8B90]  }
0x1bc: {  	v1 =	vld [tilespmem:s0+$0x10BD0]  }
0x1bd: {  	v2 =	vld [tilespmem:s0+$0x18B90];
	_ =	sdelay $0x3  }
0x1be: {  	v0 =	vadd.f32 v1, v0;
	_ =	sdelay $0x1  }
0x1bf: {  	v0 =	vadd.f32 v2, v0;
	_ =	sdelay $0x1  }
0x1c0: {  	v0 =	vmax.f32 v0, $0.0e+00  }
0x1c1: {  	[tilespmem:s1+$0xFFFFFFD0] =	vst v0  }
0x1c2: {  	v0 =	vld [tilespmem:s0+$0x8BA0]  }
0x1c3: {  	v1 =	vld [tilespmem:s0+$0x10BE0]  }
0x1c4: {  	v2 =	vld [tilespmem:s0+$0x18BA0];
	_ =	sdelay $0x3  }
0x1c5: {  	v0 =	vadd.f32 v1, v0;
	_ =	sdelay $0x1  }
0x1c6: {  	v0 =	vadd.f32 v2, v0;
	_ =	sdelay $0x1  }
0x1c7: {  	v0 =	vmax.f32 v0, $0.0e+00  }
0x1c8: {  	[tilespmem:s1+$0xFFFFFFE0] =	vst v0  }
0x1c9: {  	v0 =	vld [tilespmem:s0+$0x8BB0]  }
0x1ca: {  	v1 =	vld [tilespmem:s0+$0x10BF0];
	_ =	sdelay $0x1  }
0x1cb: {  	v2 =	vld [tilespmem:s0+$0x18BB0];
	_ =	sdelay $0x2  }
0x1cc: {  	v0 =	vadd.f32 v1, v0;
	_ =	sdelay $0x1  }
0x1cd: {  	v0 =	vadd.f32 v2, v0;
	_ =	sdelay $0x1  }
0x1ce: {  	v0 =	vmax.f32 v0, $0.0e+00  }
0x1cf: {  	[tilespmem:s1+$0xFFFFFFF0] =	vst v0  }
0x1d0: {  	v0 =	vld [tilespmem:s0+$0x8C00]  }
0x1d1: {  	v1 =	vld [tilespmem:s0+$0x10C40]  }
0x1d2: {  	v2 =	vld [tilespmem:s0+$0x18C00];
	_ =	sdelay $0x3  }
0x1d3: {  	v0 =	vadd.f32 v1, v0;
	_ =	sdelay $0x1  }
0x1d4: {  	v0 =	vadd.f32 v2, v0;
	_ =	sdelay $0x1  }
0x1d5: {  	v0 =	vmax.f32 v0, $0.0e+00  }
0x1d6: {  	[tilespmem:s1+$0x0] =	vst v0  }
0x1d7: {  	v0 =	vld [tilespmem:s0+$0x8C10]  }
0x1d8: {  	v1 =	vld [tilespmem:s0+$0x10C50]  }
0x1d9: {  	v2 =	vld [tilespmem:s0+$0x18C10];
	_ =	sdelay $0x3  }
0x1da: {  	v0 =	vadd.f32 v1, v0;
	_ =	sdelay $0x1  }
0x1db: {  	v0 =	vadd.f32 v2, v0;
	_ =	sdelay $0x1  }
0x1dc: {  	v0 =	vmax.f32 v0, $0.0e+00  }
0x1dd: {  	[tilespmem:s1+$0x10] =	vst v0  }
0x1de: {  	v0 =	vld [tilespmem:s0+$0x8C20]  }
0x1df: {  	v1 =	vld [tilespmem:s0+$0x10C60]  }
0x1e0: {  	v2 =	vld [tilespmem:s0+$0x18C20];
	_ =	sdelay $0x3  }
0x1e1: {  	v0 =	vadd.f32 v1, v0;
	_ =	sdelay $0x1  }
0x1e2: {  	v0 =	vadd.f32 v2, v0;
	_ =	sdelay $0x1  }
0x1e3: {  	v0 =	vmax.f32 v0, $0.0e+00  }
0x1e4: {  	[tilespmem:s1+$0x20] =	vst v0  }
0x1e5: {  	v0 =	vld [tilespmem:s0+$0x8C30]  }
0x1e6: {  	v1 =	vld [tilespmem:s0+$0x10C70]  }
0x1e7: {  	v2 =	vld [tilespmem:s0+$0x18C30];
	_ =	sdelay $0x3  }
0x1e8: {  	v0 =	vadd.f32 v1, v0;
	_ =	sdelay $0x1  }
0x1e9: {  	v0 =	vadd.f32 v2, v0;
	_ =	sdelay $0x1  }
0x1ea: {  	v0 =	vmax.f32 v0, $0.0e+00  }
0x1eb: {  	[tilespmem:s1+$0x30] =	vst v0  }
0x1ec: {  	v0 =	vld [tilespmem:s0+$0x8C80]  }
0x1ed: {  	v1 =	vld [tilespmem:s0+$0x10CC0]  }
0x1ee: {  	v2 =	vld [tilespmem:s0+$0x18C80];
	_ =	sdelay $0x3  }
0x1ef: {  	v0 =	vadd.f32 v1, v0;
	_ =	sdelay $0x1  }
0x1f0: {  	v0 =	vadd.f32 v2, v0;
	_ =	sdelay $0x1  }
0x1f1: {  	v0 =	vmax.f32 v0, $0.0e+00  }
0x1f2: {  	[tilespmem:s1+$0x40] =	vst v0  }
0x1f3: {  	v0 =	vld [tilespmem:s0+$0x8C90]  }
0x1f4: {  	v1 =	vld [tilespmem:s0+$0x10CD0]  }
0x1f5: {  	v2 =	vld [tilespmem:s0+$0x18C90];
	_ =	sdelay $0x3  }
0x1f6: {  	v0 =	vadd.f32 v1, v0;
	_ =	sdelay $0x1  }
0x1f7: {  	v0 =	vadd.f32 v2, v0;
	_ =	sdelay $0x1  }
.Ltmp1:
0x1f8: {  	v0 =	vmax.f32 v0, $0.0e+00;
	(pc) =	sbr.rel @p0 .LBB2_5-.Ltmp1, $4  }
0x1f9: {  	[tilespmem:s1+$0x50] =	vst v0  }
0x1fa: {  	v0 =	vld [tilespmem:s0+$0x8CA0]  }
0x1fb: {  	v1 =	vld [tilespmem:s0+$0x10CE0]  }
0x1fc: {  	v2 =	vld [tilespmem:s0+$0x18CA0]  }
0x1fd: {  	_ =	sdelay $0x2  }
0x1fe: {  	v0 =	vadd.f32 v1, v0;
	_ =	sdelay $0x1  }
0x1ff: {  	v0 =	vadd.f32 v2, v0;
	_ =	sdelay $0x1  }
0x200: {  	v0 =	vmax.f32 v0, $0.0e+00  }
0x201: {  	[tilespmem:s29+$0x60] =	vst v0  }
0x202: {  	v0 =	vld [tilespmem:s0+$0x8CB0]  }
0x203: {  	v62 =	vld [tilespmem:s0+$0x10CF0];
	_ =	sdelay $0x1  }
0x204: {  	v63 =	vld [tilespmem:s0+$0x18CB0];
	_ =	sdelay $0x2  }
0x205: {  	v0 =	vadd.f32 v62, v0;
	_ =	sdelay $0x1  }
0x206: {  	v0 =	vadd.f32 v63, v0  }
0x207: {  	s31 =	sadd.s32 s4, s26  }
0x208: {  	p0 =	sne.s32 s28, $0x19;
	s0 =	sshll.u32 s31, $0x3;
	v0 =	vmax.f32 v0, $0.0e+00  }
.Ltmp2:
0x209: {  	s0 =	sadd.s32 s2, s0;
	[tilespmem:s29+$0x70] =	vst v0;
	(pc) =	sbr.rel @p0 .LBB2_2-.Ltmp2, $4  }
0x20a: {  	[hbm4b:s0+s3] =	stream.linear.scatter [tilespmem:s23], [sflag:$0x3], $0x2000, $0x38;
	[tilespmem:$0x1EB00] =	vst v63  }
0x20b: {  	_ =	swait.ge [sflag:s12], $0x2000  }
0x20c: {  	[sflag:s12] =	ssyncset.done $0x0  }
0x20d: {  	[sflag:s12] =	ssyncadd.s32 $0xFFFFE000  }
0x20e: {  	s25 =	sadd.s32 $0x1, s25  }
0x20f: {  	p0 =	sne.s32 s25, s11  }
.Ltmp3:
0x210: {  	_ = 	snop;
	(pc) =	sbr.rel @p0 .LBB2_1-.Ltmp3, $1  }
0x211: {  	_ =	sdelay $0x3  }
0x212: {  	_ =	sfence.sel $0x180000  }
0x213: {  	[bflag:$0x0] =	sbarrier.arrive $0xFFFF  }
0x214: {  	_ =	strace $0x90000047  }
0x215: {  	s0 =	stileid.u32;
	[bflag:$0x2] =	sbarrier.arrive $0xFFFF  }
0x216: {  	p0 =	sne.s32 s0, $0x0;
	s0 =	rddreg [dreg:$0x2]  }
0x217: {  	s0 =	sadd.s32 @!p0 $0x100000, s0  }
0x218: {  	[sflag:s0] =	ssyncadd.tile.s32 @!p0 $0x1;
	_ =	shalt  }
.Lfunc_end2:
_tile_overlayer_lowered:
.L_overlay_start_2:
0x219: {  	(tag) =	ssettag $0x2  }
0x21a: {  	s0 =	rddreg [dreg:$0x0];
	s2 =	stileid.u32  }
0x21b: {  	s1 =	rddreg [dreg:$0x1];
	p0 =	sne.s32 s2, $0x0  }
0x21c: {  	s3 =	rddreg [dreg:$0x2];
	[bflag:$0x3] =	sbarrier.arrive $0xFFFF;
	s2 =	simm.s32 @!p0 $0x1C03  }
0x21d: {  	[timem:s3], [sflag:s2] =	dma.local @!p0 [hbm:s0], s1  }
0x21e: {  	s0 =	simm.s32 @!p0 $0x3  }
0x21f: {  	_ =	swait.ge @!p0 [sflag:s0], s1  }
0x220: {  	s1 =	ssub.s32 @!p0 $0x0, s1;
	[sflag:s0] =	ssyncset.done @!p0 $0x0  }
0x221: {  	[sflag:s0] =	ssyncadd.s32 @!p0 s1  }
0x222: {  	[bflag:$0x3] =	sbarrier.arrive $0xFFFF  }
0x223: {  	_ =	shalt  }

// kernel: sparse-core-data-format-call.cloned.1.call-start
scs
called_computation_lowered:
.L_overlay_start_0:
0x0: {  	s2 =	sld [smem:$0x3FD9]  }
0x1: {  	s3 =	sld [smem:$0x3FFE];
	_ =	sdelay $0x1  }
0x2: {  	s1 =	srdreg.scid  }
0x3: {  	s0 =	sand.u32 $0x1, s1  }
0x4: {  	s18 =	sshll.u32 s0, $0xA;
	s2 =	sadd.s32 s3, s2  }
0x5: {  	s2 =	sadd.s32 s2, s18  }
0x6: {  	[smem:$0x3FC2] =	sst s2  }
0x7: {  	_ = 	snop  }
0x8: {  	s2 =	sld [smem:$0x3FD0];
	(tm) =	ssettm $0x1  }
0x9: {  	s19 =	sld [smem:$0x3FFB];
	_ =	sdelay $0x3  }
0xa: {  	_ =	strace s19  }
0xb: {  	s3 =	sld [smem:$0x3FFC];
	_ =	sdelay $0x3  }
0xc: {  	_ =	strace s3  }
0xd: {  	s3 =	sld [smem:$0x3FFD];
	_ =	sdelay $0x3  }
0xe: {  	_ =	strace s3  }
0xf: {  	_ =	strace $0x8FFFFFFF  }
0x10: {  	s20 =	sld [smem:$0x3FDB];
	_ =	sdelay $0x1  }
0x11: {  	s4 =	simm.s32 $_scs_section_size  }
0x12: {  	s5 =	simm.s32 $_size__tile_overlayer_lowered;
	s6 =	simm.s32 $_tile_overlayer_lowered  }
0x13: {  	s23 =	simm.s32 $0x1BFF;
	s22 =	sshll.u32 s6, $0x1;
	s3 =	sadd.s32 s4, s20  }
0x14: {  	s7 =	simm.s32 $0x0;
	s21 =	sshll.u32 s5, $0x1;
	s5 =	sadd.s32 s22, s3  }
0x15: {  	[timem:s7], [sflag:s23] =	dma.local [hbm:s5], s21  }
0x16: {  	_ =	swait.ge [sflag:s23], s21  }
0x17: {  	s4 =	ssub.s32 $0x0, s21;
	[sflag:s23] =	ssyncset.done $0x0  }
0x18: {  	[sflag:s23] =	ssyncadd.s32 s4;
	_ =	sdelay $0x1  }
0x19: {  	s24 =	simm.s32 $0x1B8B  }
0x1a: {  	_ =	swait.ge [sflag:s24], $0x1  }
0x1b: {  	[sflag:s24] =	ssyncset.done $0x0  }
0x1c: {  	s26 =	simm.s32 $0x1B8E;
	s25 =	sld [smem:$0x3FFE];
	[sflag:s24] =	ssyncadd.s32 $0xFFFFFFFF  }
0x1d: {  	s27 =	simm.s32 $execute0_lowered;
	[smem:$0x3FD2] =	sst s26  }
0x1e: {  	s5 =	sshll.u32 s27, $0x1;
	_ =	strace $0x80000049;
	[dreg:$0x1] =	wrdreg $0xFFFFFFFF  }
0x1f: {  	s28 =	simm.s32 $_size_execute0_lowered;
	s3 =	sadd.s32 s3, s5;
	[dreg:$0x0] =	wrdreg $0x0  }
0x20: {  	s5 =	sshll.u32 s28, $0x1;
	[dreg:$0x2] =	wrdreg s3  }
0x21: {  	[dreg:$0x3] =	wrdreg s5  }
0x22: {  	[dreg:$0x4] =	wrdreg $0xC0  }
0x23: {  	_ =	task [dreg:s7], $0x5FFFF  }
0x24: {  	[dreg:$0x1] =	wrdreg $0xFFFFFFFF  }
0x25: {  	[dreg:$0x0] =	wrdreg $0x60  }
0x26: {  	[dreg:$0x2] =	wrdreg s25  }
0x27: {  	[dreg:$0x3] =	wrdreg s2  }
0x28: {  	[dreg:$0x4] =	wrdreg $0x9  }
0x29: {  	_ =	task.clear_ibuf [dreg:s7], $0x5FFFF;
	_ =	strace $0x90000049  }
0x2a: {  	s29 =	simm.s32 $0x9;
	_ =	strace $0x8000004B  }
0x2b: {  	_ =	swait.ge [sflag:s29], $0x1  }
0x2c: {  	[sflag:s29] =	ssyncadd.s32 $0xFFFFFFFF  }
0x2d: {  	_ =	strace $0x9000004B  }
0x2e: {  	_ =	sfence  }
0x2f: {  	s30 =	sld [smem:$0x0];
	_ =	sdelay $0x2  }
0x30: {  	s31 =	sshll.u32 s1, $0xD;
	s1 =	sshrl.u32 s1, $0x2  }
0x31: {  	s3 =	sand.u32 $0x4000, s31;
	s1 =	sadd.s32 s1, s30  }
0x32: {  	s0 =	sor.u32 s3, s0;
	s1 =	sshll.u32 s1, $0x11  }
0x33: {  	s0 =	sor.u32 s1, s0  }
0x34: {  	s0 =	sadd.s32 $0x8F2B, s0  }
0x35: {  	[sflag:s0] =	ssyncadd.remote.s32 $0x1  }
0x36: {  	_ =	sfence.sel $0xFFFF  }
0x37: {  	[dreg:$0x0] =	wrdreg $0xFFFFFFFF;
	(pc) =	sbr.abs _section_cstart, $3  }
0x38: {  	[dreg:$0x1] =	wrdreg $0xFFFFFFFF  }
0x39: {  	_ =	task.clear_ibuf [dreg:s7], $0x2FFFF;
	_ =	strace $0x9FFFFFFF  }
0x3a: {  	(tm) =	ssettm $0x7FFFFFFF  }
0x3b: {  	_ =	shalt  }
tec
execute0_lowered:
.L_overlay_start_1:
0x0: {  	(tag) =	ssettag $0x1  }
0x1: {  	s0 =	stileid.u32  }
0x2: {  	s1 =	srdreg.scid;
	s7 =	rddreg [dreg:$0x0];
	s31 =	simm.s32 $0x2  }
0x3: {  	s14 =	simm.s32 $0x0;
	s10 =	simm.s32 $0x400;
	s11 =	simm.s32 $0x2000  }
0x4: {  	s15 =	simm.s32 $0x0;
	s3 =	sshll.u32 s0, $0x5;
	s1 =	sshll.u32 s1, $0x9  }
0x5: {  	s13 =	simm.s32 $0x0;
	s2 =	sshll.u32 s0, $0x1;
	s1 =	sor.u32 s3, s1  }
0x6: {  	s2 =	sand.u32 $0x6, s2;
	s3 =	rddreg [dreg:$0x1];
	s4 =	sand.u32 $0x380, s1  }
0x7: {  	s5 =	ssub.s32 $0xC8, s2;
	s1 =	rddreg [dreg:$0x2];
	_ =	strace $0x8000004A  }
0x8: {  	s6 =	sand.u32 $0x6, s5;
	s8 =	ssub.s32 $0x400, s4;
	s5 =	sshrl.u32 s5, $0x3  }
0x9: {  	p0 =	sne.s32 s6, $0x0;
	s6 =	simm.s32 $0x1;
	s9 =	sand.u32 $0x380, s8  }
0xa: {  	s6 =	simm.s32 @!p0 $0x0;
	p0 =	sne.s32 s9, $0x0;
	s9 =	simm.s32 $0x1  }
.Ltmp0:
0xb: {  	s8 =	sshrl.u32 s8, $0xA;
	s9 =	simm.s32 @!p0 $0x0;
	(pc) =	sbr.rel .LBB1_1-.Ltmp0, $4  }
0xc: {  	s12 =	smov.u32 s2;
	s6 =	sadd.s32 s6, s5;
	s8 =	sadd.s32 s9, s8  }
0xd: {  	s30 =	sshll.u32 s4, $0x4;
	s5 =	simm.s32 $0x1;
	s6 =	smul.u32 s6, s8  }
0xe: {  	s7 =	sadd.s32 s7, s30;
	p0 =	por $0x0, $0x0;
	[sflag:s5] =	ssyncpa.u1 $0x0  }
0xf: {  	[sflag:s31] =	ssyncpa.u1 $0x0;
	s8 =	sadd.s32 $0x4000, s7;
	s9 =	sadd.s32 $0x1, s6  }
.LBB1_7:
0x10: {  	s16 =	sadd.s32 $0x8, s12  }
0x11: {  	p2 =	sgt.s32 s16, $0xC7  }
0x12: {  	s16 =	smov.u32 @p2 s2;
	p2 =	sne.s32 s13, s9  }
.Ltmp1:
0x13: {  	p1 =	slt.u32 s13, $0x2;
	(pc) =	sbr.rel @!p2 .LBB1_8-.Ltmp1, $4  }
0x14: {  	s14 =	simm.s32 @!p1 $0x2  }
0x15: {  	s17 =	sadd.s32 $0x1, s13;
	s15 =	smov.u32 s12;
	_ =	swait.ge @!p1 [sflag:s14], $0x4000  }
0x16: {  	p0 =	por !p0, !p0;
	s13 =	smov.u32 s17;
	[sflag:s14] =	ssyncset.done @!p1 $0x0  }
0x17: {  	s12 =	smov.u32 s16;
	[sflag:s14] =	ssyncadd.s32 @!p1 $0xFFFFC000;
	s14 =	smov.u32 s4  }
.LBB1_1:
0x18: {  	p1 =	sge.u32 s13, s6  }
0x19: {  	s16 =	sxor.u32 @!p1 $0xFFFFFFFF, s13  }
0x1a: {  	s17 =	sshll.u32 @!p1 s12, $0xE;
	s19 =	simm.s32 @!p1 $0x40;
	s16 =	sshll.u32 @!p1 s16, $0xE  }
0x1b: {  	s20 =	simm.s32 @!p1 $0x80;
	s18 =	sadd.s32 @!p1 s17, s7;
	s16 =	sand.u32 @!p1 $0x4000, s16  }
0x1c: {  	[tilespmem:s16], [sflag:$0x1] =	stream.strided.gather @!p1 [hbm4b:s18+s19], $0x2000, s20, s19, $0x38;
	[tilespmem:$0x10100] =	vst v63  }
0x1d: {  	s31 =	sadd.s32 $0xFFFFFFFF, s13;
	s17 =	sadd.s32 @!p1 s17, s8;
	s16 =	sor.u32 @!p1 $0x2000, s16  }
0x1e: {  	[tilespmem:s16], [sflag:$0x1] =	stream.strided.gather @!p1 [hbm4b:s17+s19], $0x2000, s20, s19, $0x38;
	[tilespmem:$0x10100] =	vst v63  }
0x1f: {  	p1 =	sge.u32 s31, s6  }
.Ltmp2:
0x20: {  	_ = 	snop;
	(pc) =	sbr.rel @p1 .LBB1_7-.Ltmp2, $1  }
0x21: {  	_ =	sdelay $0x3  }
0x22: {  	s16 =	simm.s32 $0x1;
	s18 =	sand.u32 $0x1, s13  }
0x23: {  	_ =	swait.ge [sflag:s5], $0x4000;
	s16 =	simm.s32 @!p0 $0x0;
	s18 =	smul.u32 $0x10200, s18  }
0x24: {  	p2 =	por $0x1, $0x1;
	[sflag:s5] =	ssyncset.done $0x0;
	s17 =	smul.u32 $0x10200, s16  }
0x25: {  	s19 =	sshll.u32 s16, $0x10;
	[sflag:s5] =	ssyncadd.s32 $0xFFFFC000;
	s30 =	sshrl.u32 s18, $0x2  }
0x26: {  	s31 =	sshrl.u32 s19, $0x2;
	s19 =	simm.s32 $0x0;
	s17 =	sshrl.u32 s17, $0x2  }
0x27: {  	s16 =	sor.u32 $0x8000, s30;
	s18 =	sadd.s32 $0x20, s31;
	s17 =	sor.u32 $0x8000, s17  }
.LBB1_3:
0x28: {  	s20 =	sshll.u32 s19, $0xD  }
0x29: {  	s20 =	sand.u32 $0x3FFFE000, s20  }
0x2a: {  	s22 =	sadd.s32 s20, s18  }
0x2b: {  	s31 =	smul.u32 $0x8100, s19;
	v3 =	vld [tilespmem:s22+$0x10]  }
0x2c: {  	v1 =	vld [tilespmem:s22+$0xFFFFFFF0]  }
0x2d: {  	s19 =	sshra.s32 s31, $0x2;
	v0 =	vld [tilespmem:s22+$0x0]  }
0x2e: {  	s19 =	sadd.s32 s19, s17;
	v2 =	vld [tilespmem:s22+$0xFFFFFFE0]  }
0x2f: {  	s20 =	sadd.s32 $0x0, s19  }
0x30: {  	p1 =	por p2, p2;
	s21 =	simm.s32 $0x4;
	s22 =	sadd.s32 $0x40, s22;
	[tilespmem:s20+$0x1830 ss:$0x81] =	vst.msk $0xffff, v3  }
.LBB1_4:
0x31: {  	v3 =	vld [tilespmem:s22+$0x10];
	p2 =	sne.s32 s21, $0x1FC;
	[tilespmem:s20+$0x810 ss:$0x81] =	vst.msk $0xffff, v1;
	s23 =	smov.u32 s21;
	s21 =	sadd.s32 $0x4, s21  }
.Ltmp3:
0x32: {  	v1 =	vld [tilespmem:s22+$0xFFFFFFF0];
	[tilespmem:s20+$0x1020 ss:$0x81] =	vst.msk $0xffff, v0;
	(pc) =	sbr.rel @p2 .LBB1_4-.Ltmp3, $4  }
0x33: {  	v0 =	vld [tilespmem:s22+$0x0];
	[tilespmem:s20+$0x0 ss:$0x81] =	vst.msk $0xffff, v2  }
0x34: {  	s20 =	sshra.s32 s23, $0x2;
	v2 =	vld [tilespmem:s22+$0xFFFFFFE0]  }
0x35: {  	s20 =	sadd.s32 s20, s19  }
0x36: {  	s22 =	sadd.s32 $0x40, s22;
	[tilespmem:s20+$0x1830 ss:$0x81] =	vst.msk $0xffff, v3  }
.Ltmp4:
0x37: {  	(pc) =	sbr.rel @p1 .LBB1_3-.Ltmp4, $4  }
0x38: {  	_ = 	snop  }
0x39: {  	[tilespmem:s20+$0x810 ss:$0x81] =	vst.msk $0xffff, v1  }
0x3a: {  	[tilespmem:s20+$0x1020 ss:$0x81] =	vst.msk $0xffff, v0  }
0x3b: {  	s19 =	simm.s32 $0x1;
	p2 =	por $0x0, $0x0;
	[tilespmem:s20+$0x0 ss:$0x81] =	vst.msk $0xffff, v2  }
.Ltmp5:
0x3c: {  	(pc) =	sbr.rel .LBB1_7-.Ltmp5, $4  }
0x3d: {  	_ = 	snop  }
0x3e: {  	s15 =	sshll.u32 s15, $0xD;
	s14 =	sadd.s32 s3, s14  }
0x3f: {  	s14 =	sadd.s32 s15, s14  }
0x40: {  	[hbm4b:s14+s10] =	stream.strided.scatter [tilespmem:s16], [sflag:$0x2], $0x4000, s11, s10, $0x20;
	[tilespmem:$0x10100] =	vst v63  }
.LBB1_8:
0x41: {  	_ =	sfence.sel $0x180000  }
0x42: {  	s2 =	simm.s32 $0x1;
	[bflag:$0x0] =	sbarrier.arrive $0xFFFF  }
0x43: {  	s31 =	simm.s32 $0x2;
	[sflag:s2] =	ssyncpa.u1 $0x1  }
0x44: {  	[sflag:s31] =	ssyncpa.u1 $0x1  }
0x45: {  	p0 =	sne.s32 s0, $0x0;
	_ =	strace $0x9000004A  }
0x46: {  	s0 =	sadd.s32 @!p0 $0x100000, s1;
	[bflag:$0x2] =	sbarrier.arrive $0xFFFF  }
0x47: {  	[sflag:s0] =	ssyncadd.tile.s32 @!p0 $0x1;
	_ =	shalt  }
.Lfunc_end1:
_tile_overlayer_lowered:
.L_overlay_start_2:
0x48: {  	(tag) =	ssettag $0x2  }
0x49: {  	s0 =	rddreg [dreg:$0x0];
	s2 =	stileid.u32  }
0x4a: {  	s1 =	rddreg [dreg:$0x1];
	p0 =	sne.s32 s2, $0x0  }
0x4b: {  	s3 =	rddreg [dreg:$0x2];
	[bflag:$0x3] =	sbarrier.arrive $0xFFFF;
	s2 =	simm.s32 @!p0 $0x1C01  }
0x4c: {  	[timem:s3], [sflag:s2] =	dma.local @!p0 [hbm:s0], s1  }
0x4d: {  	s0 =	simm.s32 @!p0 $0x1  }
0x4e: {  	_ =	swait.ge @!p0 [sflag:s0], s1  }
0x4f: {  	s1 =	ssub.s32 @!p0 $0x0, s1;
	[sflag:s0] =	ssyncset.done @!p0 $0x0  }
0x50: {  	[sflag:s0] =	ssyncadd.s32 @!p0 s1  }
0x51: {  	[bflag:$0x3] =	sbarrier.arrive $0xFFFF  }
0x52: {  	_ =	shalt  }

</sc_bundles>
